<compile_context>
chip_gen: v7x
topology: tpu7x:2x2x1
jax: 0.10.2.dev20260603
libtpu: 0.0.44.dev20260713+nightly
codegen_flags: <defaults>
</compile_context>

<pallas_src>
import functools

import jax
import jax.numpy as jnp
from jax import lax
from jax.experimental import pallas as pl
from jax.experimental.pallas import tpu as pltpu
from jax.experimental.pallas import tpu_sc as plsc

_NC, _NS, _L = 2, 16, 16
_NW = _NC * _NS


def _gather_scale(gidx, wf, kvf, upw, *, interpret=False):
    HW, C = kvf.shape[1], kvf.shape[2]
    U = upw * _NW

    mesh = plsc.VectorSubcoreMesh(core_axis_name="c", subcore_axis_name="s")

    NBUF = 4
    assert upw % NBUF == 1 and upw > 2 * NBUF

    def body(gidx_hbm, wf_hbm, kvf_hbm, out_hbm,
             idx_v, w_v, buf0, buf1, buf2, buf3,
             g0, g1, g2, g3, s0, s1, s2, s3):
        wid = lax.axis_index("s") * _NC + lax.axis_index("c")
        pltpu.sync_copy(gidx_hbm.at[wid], idx_v)
        pltpu.sync_copy(wf_hbm.at[wid], w_v)
        bufs = (buf0, buf1, buf2, buf3)
        gsems = (g0, g1, g2, g3)
        ssems = (s0, s1, s2, s3)

        def gather(r, slot):
            gval = idx_v[r // 8, pl.ds((r % 8) * _L, _L)][0]
            pltpu.async_copy(kvf_hbm.at[pl.ds(gval, 1)], bufs[slot],
                             gsems[slot])

        def gather_wait(slot):
            pltpu.make_async_copy(
                kvf_hbm.at[pl.ds(0, 1)], bufs[slot],
                gsems[slot]).wait()

        def store(r, slot):
            pltpu.async_copy(bufs[slot], out_hbm.at[pl.ds(wid * upw + r, 1)],
                             ssems[slot])

        def store_wait(slot):
            pltpu.make_async_copy(
                bufs[slot], out_hbm.at[pl.ds(0, 1)], ssems[slot]).wait()

        def scale(r, slot):
            buf = bufs[slot]
            wvec = w_v[r // 8, pl.ds((r % 8) * _L, _L)]

            @pl.loop(0, HW)
            def _(h):
                @pl.loop(0, C // _L, unroll=8)
                def _(g):
                    buf[0, h, pl.ds(g * _L, _L)] = (
                        buf[0, h, pl.ds(g * _L, _L)] * wvec)

        def process(r, s, wait_store):
            gather_wait(s)
            q = r + NBUF - 1
            sq = (s + NBUF - 1) % NBUF
            if wait_store is None:
                @pl.when(q < upw)
                def _():
                    store_wait(sq)
                    gather(q, sq)
            elif wait_store:
                store_wait(sq)
                gather(q, sq)
            else:
                gather(q, sq)
            scale(r, s)
            store(r, s)

        for s in range(NBUF - 1):
            gather(s, s)
        process(0, 0, False)
        for r in range(1, NBUF):
            process(r, r % NBUF, True)

        @pl.loop(NBUF, upw - 1, step=NBUF)
        def _(base):
            for s in range(NBUF):
                process(base + s, s, None)

        gather_wait((upw - 1) % NBUF)
        scale(upw - 1, (upw - 1) % NBUF)
        store(upw - 1, (upw - 1) % NBUF)
        for s in range(NBUF):
            store_wait(s)

    f = pl.kernel(
        body,
        out_type=jax.ShapeDtypeStruct((U, HW, C), jnp.float32),
        mesh=mesh,
        scratch_types=[
            pltpu.VMEM((8, 128), jnp.int32),
            pltpu.VMEM((8, 128), jnp.float32),
            pltpu.VMEM((1, HW, C), jnp.float32),
            pltpu.VMEM((1, HW, C), jnp.float32),
            pltpu.VMEM((1, HW, C), jnp.float32),
            pltpu.VMEM((1, HW, C), jnp.float32),
        ] + [pltpu.SemaphoreType.DMA] * 8,
        interpret=interpret,
    )
    return f(gidx, wf, kvf)


def kernel(r_idx, r_weight, kv):
    n, p2, topk = r_idx.shape
    hw, c = kv.shape[2], kv.shape[3]
    U = n * p2 * topk
    assert U % _NW == 0
    upw = U // _NW
    assert upw <= 128 and upw * _L <= 8 * 128
    kvf = kv.reshape(n * p2, hw, c)
    gflat = (jnp.arange(n, dtype=jnp.int32)[:, None, None] * p2
             + r_idx.astype(jnp.int32)).reshape(_NW, upw)
    grep = jnp.repeat(gflat, _L, axis=1)
    gidx = jnp.pad(grep, ((0, 0), (0, 8 * 128 - upw * _L))).reshape(
        _NW, 8, 128)
    wrep = jnp.repeat(r_weight.reshape(_NW, upw), _L, axis=1)
    wf = jnp.pad(wrep, ((0, 0), (0, 8 * 128 - upw * _L))).reshape(_NW, 8, 128)
    out = _gather_scale(gidx, wf, kvf, upw)
    return out.reshape(n, p2, topk, hw, c)

# --- scband reference (transcript-rebuilt; emitter-appended) ---
"""Pipeline reference for scband-kvgather-18511309046302 (READ-ONLY COPY).

The authoritative reference and input builder live on the scoring server;
editing this copy changes nothing except your own understanding.
"""

import jax, jax.numpy as jnp
import numpy as np


def setup_inputs(seed: int = 0) -> dict:
    key = jax.random.key(seed)
    k1, k2, k3 = jax.random.split(key, 3)
    n, p2, topk, hw_kv, c_kv = 8, 49, 4, 64, 384
    r_idx = jax.random.randint(k1, (n, p2, topk), 0, p2, dtype=jnp.int64) if jax.config.jax_enable_x64 else jax.random.randint(k1, (n, p2, topk), 0, p2, dtype=jnp.int32)
    r_weight = jax.random.uniform(k2, (n, p2, topk), dtype=jnp.float32)
    kv = jax.random.normal(k3, (n, p2, hw_kv, c_kv), dtype=jnp.float32)
    return {"r_idx": r_idx, "r_weight": r_weight, "kv": kv}


def reference(r_idx, r_weight, kv):
    # torch.gather(kv.unsqueeze(2).expand(n,p2,topk,hw,c), dim=1,
    #              index=r_idx.unsqueeze(-1).unsqueeze(-1).expand(...))
    # is equivalent to: kv_sel[b, i, t] = kv[b, r_idx[b, i, t]]
    n = kv.shape[0]
    n_idx = jnp.arange(n)[:, None, None]          # (n, 1, 1)
    kv_sel = kv[n_idx, r_idx]                     # (n, p2, topk, hw_kv, c_kv)
    kv_sel = kv_sel * r_weight[..., None, None]   # scale by routing weights
    return kv_sel

if __name__ == "__main__":
    import jax
    _d = setup_inputs()
    print(jax.jit(kernel)(*tuple(_d.values())))

</pallas_src>

<mosaic_0001>
#map = affine_map<(d0, d1) -> (0, 0, 0)>
module attributes {stable_mosaic.version = 14 : i64} {
  func.func @body(%arg0: i32, %arg1: i32, %arg2: memref<32x8x128xi32, #tpu.memory_space<hbm>>, %arg3: memref<32x8x128xf32, #tpu.memory_space<hbm>>, %arg4: memref<392x64x384xf32, #tpu.memory_space<hbm>>, %arg5: memref<1568x64x384xf32, #tpu.memory_space<hbm>>, %arg6: memref<8x128xi32, #tpu.memory_space<vmem>>, %arg7: memref<8x128xf32, #tpu.memory_space<vmem>>, %arg8: memref<1x64x384xf32, #tpu.memory_space<vmem>>, %arg9: memref<1x64x384xf32, #tpu.memory_space<vmem>>, %arg10: memref<1x64x384xf32, #tpu.memory_space<vmem>>, %arg11: memref<1x64x384xf32, #tpu.memory_space<vmem>>, %arg12: memref<!tpu.dma_semaphore, #tpu.memory_space<semaphore_mem>>, %arg13: memref<!tpu.dma_semaphore, #tpu.memory_space<semaphore_mem>>, %arg14: memref<!tpu.dma_semaphore, #tpu.memory_space<semaphore_mem>>, %arg15: memref<!tpu.dma_semaphore, #tpu.memory_space<semaphore_mem>>, %arg16: memref<!tpu.dma_semaphore, #tpu.memory_space<semaphore_mem>>, %arg17: memref<!tpu.dma_semaphore, #tpu.memory_space<semaphore_mem>>, %arg18: memref<!tpu.dma_semaphore, #tpu.memory_space<semaphore_mem>>, %arg19: memref<!tpu.dma_semaphore, #tpu.memory_space<semaphore_mem>>) attributes {dimension_semantics = [#tpu.dimension_semantics<core_parallel>, #tpu.dimension_semantics<subcore_parallel>], iteration_bounds = array<i64: 2, 16>, scalar_prefetch = 0 : i64, scratch_operands = 14 : i64, tpu.core_type = #tpu.core_type<sc_vector_subcore>, window_params = [{transform_indices = #map}, {transform_indices = #map}, {transform_indices = #map}, {transform_indices = #map}]} {
    %mul3A = arith.constant 2 : i32
    %mul3A_0 = arith.muli %arg1, %mul3A : i32
    %add3A = arith.addi %mul3A_0, %arg0 : i32
    "tpu.region"() ({
      %run_scoped3A = tpu.sem_alloc : memref<!tpu.dma_semaphore, #tpu.memory_space<semaphore_mem>>
      %dma_start3A_287 = arith.constant 0 : i32
      %dma_start3A_288 = arith.constant 0 : i32
      %dma_start3A_289 = tpu.memref_slice %arg2[%add3A, %dma_start3A_287, %dma_start3A_288] : memref<32x8x128xi32, #tpu.memory_space<hbm>> -> memref<1x8x128xi32, #tpu.memory_space<hbm>>
      %dma_start3A_290 = tpu.memref_squeeze %dma_start3A_289 : memref<1x8x128xi32, #tpu.memory_space<hbm>> -> memref<8x128xi32, #tpu.memory_space<hbm>>
      %dma_start3A_291 = arith.constant 0 : i32
      %dma_start3A_292 = arith.constant 0 : i32
      %dma_start3A_293 = tpu.memref_slice %arg2[%add3A, %dma_start3A_291, %dma_start3A_292] : memref<32x8x128xi32, #tpu.memory_space<hbm>> -> memref<1x8x128xi32, #tpu.memory_space<hbm>>
      %dma_start3A_294 = tpu.memref_squeeze %dma_start3A_293 : memref<1x8x128xi32, #tpu.memory_space<hbm>> -> memref<8x128xi32, #tpu.memory_space<hbm>>
      tpu.enqueue_dma source(%dma_start3A_294 : memref<8x128xi32, #tpu.memory_space<hbm>>) target(%arg6 : memref<8x128xi32, #tpu.memory_space<vmem>>) target_semaphore(%run_scoped3A : memref<!tpu.dma_semaphore, #tpu.memory_space<semaphore_mem>>)
      %dma_wait3A_295 = arith.constant 0 : i32
      %dma_wait3A_296 = arith.constant 0 : i32
      %dma_wait3A_297 = tpu.memref_slice %arg2[%add3A, %dma_wait3A_295, %dma_wait3A_296] : memref<32x8x128xi32, #tpu.memory_space<hbm>> -> memref<1x8x128xi32, #tpu.memory_space<hbm>>
      %dma_wait3A_298 = tpu.memref_squeeze %dma_wait3A_297 : memref<1x8x128xi32, #tpu.memory_space<hbm>> -> memref<8x128xi32, #tpu.memory_space<hbm>>
      %dma_wait3A_299 = arith.constant 0 : i32
      %dma_wait3A_300 = arith.constant 0 : i32
      %dma_wait3A_301 = tpu.memref_slice %arg2[%add3A, %dma_wait3A_299, %dma_wait3A_300] : memref<32x8x128xi32, #tpu.memory_space<hbm>> -> memref<1x8x128xi32, #tpu.memory_space<hbm>>
      %dma_wait3A_302 = tpu.memref_squeeze %dma_wait3A_301 : memref<1x8x128xi32, #tpu.memory_space<hbm>> -> memref<8x128xi32, #tpu.memory_space<hbm>>
      tpu.wait_dma2 semaphore(%run_scoped3A : memref<!tpu.dma_semaphore, #tpu.memory_space<semaphore_mem>>) src(%dma_wait3A_302 : memref<8x128xi32, #tpu.memory_space<hbm>>) dst(%arg6 : memref<8x128xi32, #tpu.memory_space<vmem>>)
      tpu.yield
    }) : () -> ()
    "tpu.region"() ({
      %run_scoped3A = tpu.sem_alloc : memref<!tpu.dma_semaphore, #tpu.memory_space<semaphore_mem>>
      %dma_start3A_287 = arith.constant 0 : i32
      %dma_start3A_288 = arith.constant 0 : i32
      %dma_start3A_289 = tpu.memref_slice %arg3[%add3A, %dma_start3A_287, %dma_start3A_288] : memref<32x8x128xf32, #tpu.memory_space<hbm>> -> memref<1x8x128xf32, #tpu.memory_space<hbm>>
      %dma_start3A_290 = tpu.memref_squeeze %dma_start3A_289 : memref<1x8x128xf32, #tpu.memory_space<hbm>> -> memref<8x128xf32, #tpu.memory_space<hbm>>
      %dma_start3A_291 = arith.constant 0 : i32
      %dma_start3A_292 = arith.constant 0 : i32
      %dma_start3A_293 = tpu.memref_slice %arg3[%add3A, %dma_start3A_291, %dma_start3A_292] : memref<32x8x128xf32, #tpu.memory_space<hbm>> -> memref<1x8x128xf32, #tpu.memory_space<hbm>>
      %dma_start3A_294 = tpu.memref_squeeze %dma_start3A_293 : memref<1x8x128xf32, #tpu.memory_space<hbm>> -> memref<8x128xf32, #tpu.memory_space<hbm>>
      tpu.enqueue_dma source(%dma_start3A_294 : memref<8x128xf32, #tpu.memory_space<hbm>>) target(%arg7 : memref<8x128xf32, #tpu.memory_space<vmem>>) target_semaphore(%run_scoped3A : memref<!tpu.dma_semaphore, #tpu.memory_space<semaphore_mem>>)
      %dma_wait3A_295 = arith.constant 0 : i32
      %dma_wait3A_296 = arith.constant 0 : i32
      %dma_wait3A_297 = tpu.memref_slice %arg3[%add3A, %dma_wait3A_295, %dma_wait3A_296] : memref<32x8x128xf32, #tpu.memory_space<hbm>> -> memref<1x8x128xf32, #tpu.memory_space<hbm>>
      %dma_wait3A_298 = tpu.memref_squeeze %dma_wait3A_297 : memref<1x8x128xf32, #tpu.memory_space<hbm>> -> memref<8x128xf32, #tpu.memory_space<hbm>>
      %dma_wait3A_299 = arith.constant 0 : i32
      %dma_wait3A_300 = arith.constant 0 : i32
      %dma_wait3A_301 = tpu.memref_slice %arg3[%add3A, %dma_wait3A_299, %dma_wait3A_300] : memref<32x8x128xf32, #tpu.memory_space<hbm>> -> memref<1x8x128xf32, #tpu.memory_space<hbm>>
      %dma_wait3A_302 = tpu.memref_squeeze %dma_wait3A_301 : memref<1x8x128xf32, #tpu.memory_space<hbm>> -> memref<8x128xf32, #tpu.memory_space<hbm>>
      tpu.wait_dma2 semaphore(%run_scoped3A : memref<!tpu.dma_semaphore, #tpu.memory_space<semaphore_mem>>) src(%dma_wait3A_302 : memref<8x128xf32, #tpu.memory_space<hbm>>) dst(%arg7 : memref<8x128xf32, #tpu.memory_space<vmem>>)
      tpu.yield
    }) : () -> ()
    %get3A = arith.constant 0 : i32
    %get3A_1 = arith.index_cast %get3A : i32 to index
    %get3A_2 = arith.constant 0 : index
    %get3A_3 = tpu.vector_load %arg6[%get3A_1, %get3A_2] {strides = array<i32>} : memref<8x128xi32, #tpu.memory_space<vmem>>, vector<1x16xi32>,
    %get3A_4 = vector.shape_cast %get3A_3 : vector<1x16xi32> to vector<16xi32>
    %slice3A = vector.extract_strided_slice %get3A_4 {offsets = [0], sizes = [1], strides = [1]} : vector<16xi32> to vector<1xi32>
    %squeeze3A = vector.extract %slice3A[0] : i32 from vector<1xi32>
    %dma_start3A = arith.constant 0 : i32
    %dma_start3A_5 = arith.constant 0 : i32
    %dma_start3A_6 = tpu.memref_slice %arg4[%squeeze3A, %dma_start3A, %dma_start3A_5] : memref<392x64x384xf32, #tpu.memory_space<hbm>> -> memref<1x64x384xf32, #tpu.memory_space<hbm>>
    %dma_start3A_7 = arith.constant 0 : i32
    %dma_start3A_8 = arith.constant 0 : i32
    %dma_start3A_9 = tpu.memref_slice %arg4[%squeeze3A, %dma_start3A_7, %dma_start3A_8] : memref<392x64x384xf32, #tpu.memory_space<hbm>> -> memref<1x64x384xf32, #tpu.memory_space<hbm>>
    tpu.enqueue_dma source(%dma_start3A_9 : memref<1x64x384xf32, #tpu.memory_space<hbm>>) target(%arg8 : memref<1x64x384xf32, #tpu.memory_space<vmem>>) target_semaphore(%arg12 : memref<!tpu.dma_semaphore, #tpu.memory_space<semaphore_mem>>)
    %get3A_10 = arith.constant 0 : i32
    %get3A_11 = arith.index_cast %get3A_10 : i32 to index
    %get3A_12 = arith.constant 16 : index
    %get3A_13 = tpu.vector_load %arg6[%get3A_11, %get3A_12] {strides = array<i32>} : memref<8x128xi32, #tpu.memory_space<vmem>>, vector<1x16xi32>,
    %get3A_14 = vector.shape_cast %get3A_13 : vector<1x16xi32> to vector<16xi32>
    %slice3A_15 = vector.extract_strided_slice %get3A_14 {offsets = [0], sizes = [1], strides = [1]} : vector<16xi32> to vector<1xi32>
    %squeeze3A_16 = vector.extract %slice3A_15[0] : i32 from vector<1xi32>
    %dma_start3A_17 = arith.constant 0 : i32
    %dma_start3A_18 = arith.constant 0 : i32
    %dma_start3A_19 = tpu.memref_slice %arg4[%squeeze3A_16, %dma_start3A_17, %dma_start3A_18] : memref<392x64x384xf32, #tpu.memory_space<hbm>> -> memref<1x64x384xf32, #tpu.memory_space<hbm>>
    %dma_start3A_20 = arith.constant 0 : i32
    %dma_start3A_21 = arith.constant 0 : i32
    %dma_start3A_22 = tpu.memref_slice %arg4[%squeeze3A_16, %dma_start3A_20, %dma_start3A_21] : memref<392x64x384xf32, #tpu.memory_space<hbm>> -> memref<1x64x384xf32, #tpu.memory_space<hbm>>
    tpu.enqueue_dma source(%dma_start3A_22 : memref<1x64x384xf32, #tpu.memory_space<hbm>>) target(%arg9 : memref<1x64x384xf32, #tpu.memory_space<vmem>>) target_semaphore(%arg13 : memref<!tpu.dma_semaphore, #tpu.memory_space<semaphore_mem>>)
    %get3A_23 = arith.constant 0 : i32
    %get3A_24 = arith.index_cast %get3A_23 : i32 to index
    %get3A_25 = arith.constant 32 : index
    %get3A_26 = tpu.vector_load %arg6[%get3A_24, %get3A_25] {strides = array<i32>} : memref<8x128xi32, #tpu.memory_space<vmem>>, vector<1x16xi32>,
    %get3A_27 = vector.shape_cast %get3A_26 : vector<1x16xi32> to vector<16xi32>
    %slice3A_28 = vector.extract_strided_slice %get3A_27 {offsets = [0], sizes = [1], strides = [1]} : vector<16xi32> to vector<1xi32>
    %squeeze3A_29 = vector.extract %slice3A_28[0] : i32 from vector<1xi32>
    %dma_start3A_30 = arith.constant 0 : i32
    %dma_start3A_31 = arith.constant 0 : i32
    %dma_start3A_32 = tpu.memref_slice %arg4[%squeeze3A_29, %dma_start3A_30, %dma_start3A_31] : memref<392x64x384xf32, #tpu.memory_space<hbm>> -> memref<1x64x384xf32, #tpu.memory_space<hbm>>
    %dma_start3A_33 = arith.constant 0 : i32
    %dma_start3A_34 = arith.constant 0 : i32
    %dma_start3A_35 = tpu.memref_slice %arg4[%squeeze3A_29, %dma_start3A_33, %dma_start3A_34] : memref<392x64x384xf32, #tpu.memory_space<hbm>> -> memref<1x64x384xf32, #tpu.memory_space<hbm>>
    tpu.enqueue_dma source(%dma_start3A_35 : memref<1x64x384xf32, #tpu.memory_space<hbm>>) target(%arg10 : memref<1x64x384xf32, #tpu.memory_space<vmem>>) target_semaphore(%arg14 : memref<!tpu.dma_semaphore, #tpu.memory_space<semaphore_mem>>)
    %dma_wait3A = arith.constant 0 : i32
    %dma_wait3A_36 = arith.constant 0 : i32
    %dma_wait3A_37 = arith.constant 0 : i32
    %dma_wait3A_38 = tpu.memref_slice %arg4[%dma_wait3A, %dma_wait3A_36, %dma_wait3A_37] : memref<392x64x384xf32, #tpu.memory_space<hbm>> -> memref<1x64x384xf32, #tpu.memory_space<hbm>>
    %dma_wait3A_39 = arith.constant 0 : i32
    %dma_wait3A_40 = arith.constant 0 : i32
    %dma_wait3A_41 = arith.constant 0 : i32
    %dma_wait3A_42 = tpu.memref_slice %arg4[%dma_wait3A_39, %dma_wait3A_40, %dma_wait3A_41] : memref<392x64x384xf32, #tpu.memory_space<hbm>> -> memref<1x64x384xf32, #tpu.memory_space<hbm>>
    tpu.wait_dma2 semaphore(%arg12 : memref<!tpu.dma_semaphore, #tpu.memory_space<semaphore_mem>>) src(%dma_wait3A_42 : memref<1x64x384xf32, #tpu.memory_space<hbm>>) dst(%arg8 : memref<1x64x384xf32, #tpu.memory_space<vmem>>)
    %get3A_43 = arith.constant 0 : i32
    %get3A_44 = arith.index_cast %get3A_43 : i32 to index
    %get3A_45 = arith.constant 48 : index
    %get3A_46 = tpu.vector_load %arg6[%get3A_44, %get3A_45] {strides = array<i32>} : memref<8x128xi32, #tpu.memory_space<vmem>>, vector<1x16xi32>,
    %get3A_47 = vector.shape_cast %get3A_46 : vector<1x16xi32> to vector<16xi32>
    %slice3A_48 = vector.extract_strided_slice %get3A_47 {offsets = [0], sizes = [1], strides = [1]} : vector<16xi32> to vector<1xi32>
    %squeeze3A_49 = vector.extract %slice3A_48[0] : i32 from vector<1xi32>
    %dma_start3A_50 = arith.constant 0 : i32
    %dma_start3A_51 = arith.constant 0 : i32
    %dma_start3A_52 = tpu.memref_slice %arg4[%squeeze3A_49, %dma_start3A_50, %dma_start3A_51] : memref<392x64x384xf32, #tpu.memory_space<hbm>> -> memref<1x64x384xf32, #tpu.memory_space<hbm>>
    %dma_start3A_53 = arith.constant 0 : i32
    %dma_start3A_54 = arith.constant 0 : i32
    %dma_start3A_55 = tpu.memref_slice %arg4[%squeeze3A_49, %dma_start3A_53, %dma_start3A_54] : memref<392x64x384xf32, #tpu.memory_space<hbm>> -> memref<1x64x384xf32, #tpu.memory_space<hbm>>
    tpu.enqueue_dma source(%dma_start3A_55 : memref<1x64x384xf32, #tpu.memory_space<hbm>>) target(%arg11 : memref<1x64x384xf32, #tpu.memory_space<vmem>>) target_semaphore(%arg15 : memref<!tpu.dma_semaphore, #tpu.memory_space<semaphore_mem>>)
    %get3A_56 = arith.constant 0 : i32
    %get3A_57 = arith.index_cast %get3A_56 : i32 to index
    %get3A_58 = arith.constant 0 : index
    %get3A_59 = tpu.vector_load %arg7[%get3A_57, %get3A_58] {strides = array<i32>} : memref<8x128xf32, #tpu.memory_space<vmem>>, vector<1x16xf32>,
    %get3A_60 = vector.shape_cast %get3A_59 : vector<1x16xf32> to vector<16xf32>
    %scan3A = arith.constant 0 : i32
    %scan3A_61 = arith.constant 64 : i32
    %scan3A_62 = arith.addi %scan3A, %scan3A_61 : i32
    %scan3A_63 = arith.constant 1 : i32
    scf.for %scan3A_287 = %scan3A to %scan3A_62 step %scan3A_63  : i32 {
      %mul3A_288 = arith.constant 1 : i32
      %mul3A_289 = arith.muli %scan3A_287, %mul3A_288 : i32
      %add3A_290 = arith.constant 0 : i32
      %add3A_291 = arith.addi %add3A_290, %mul3A_289 : i32
      %scan3A_292 = arith.constant 0 : i32
      %scan3A_293 = arith.constant 24 : i32
      %scan3A_294 = arith.addi %scan3A_292, %scan3A_293 : i32
      %scan3A_295 = arith.constant 8 : i32
      scf.for %scan3A_297 = %scan3A_292 to %scan3A_294 step %scan3A_295  : i32 {
        %mul3A_298 = arith.constant 1 : i32
        %mul3A_299 = arith.muli %scan3A_297, %mul3A_298 : i32
        %add3A_300 = arith.constant 0 : i32
        %add3A_301 = arith.addi %add3A_300, %mul3A_299 : i32
        %mul3A_302 = arith.constant 16 : i32
        %mul3A_303 = arith.muli %add3A_301, %mul3A_302 : i32
        %get3A_304 = arith.constant 0 : i32
        %get3A_305 = arith.index_cast %get3A_304 : i32 to index
        %get3A_306 = arith.index_cast %add3A_291 : i32 to index
        %get3A_307 = arith.index_cast %mul3A_303 : i32 to index
        %get3A_308 = tpu.vector_load %arg8[%get3A_305, %get3A_306, %get3A_307] {strides = array<i32>} : memref<1x64x384xf32, #tpu.memory_space<vmem>>, vector<1x1x16xf32>,
        %get3A_309 = vector.shape_cast %get3A_308 : vector<1x1x16xf32> to vector<16xf32>
        %mul3A_310 = arith.mulf %get3A_309, %get3A_60 : vector<16xf32>
        %mul3A_311 = arith.constant 16 : i32
        %mul3A_312 = arith.muli %add3A_301, %mul3A_311 : i32
        %swap3A = arith.constant 0 : i32
        %swap3A_313 = arith.index_cast %swap3A : i32 to index
        %swap3A_314 = arith.index_cast %add3A_291 : i32 to index
        %swap3A_315 = arith.index_cast %mul3A_312 : i32 to index
        %swap3A_316 = tpu.vector_load %arg8[%swap3A_313, %swap3A_314, %swap3A_315] {strides = array<i32>} : memref<1x64x384xf32, #tpu.memory_space<vmem>>, vector<1x1x16xf32>,
        %swap3A_317 = vector.shape_cast %swap3A_316 : vector<1x1x16xf32> to vector<16xf32>
        %swap3A_318 = vector.shape_cast %mul3A_310 : vector<16xf32> to vector<1x1x16xf32>
        tpu.vector_store %arg8[%swap3A_313, %swap3A_314, %swap3A_315], %swap3A_318 {strides = array<i32>} : memref<1x64x384xf32, #tpu.memory_space<vmem>>, vector<1x1x16xf32>,
        %scan3A_319 = arith.constant 1 : i32
        %scan3A_320 = arith.addi %scan3A_297, %scan3A_319 : i32
        %mul3A_321 = arith.constant 1 : i32
        %mul3A_322 = arith.muli %scan3A_320, %mul3A_321 : i32
        %add3A_323 = arith.constant 0 : i32
        %add3A_324 = arith.addi %add3A_323, %mul3A_322 : i32
        %mul3A_325 = arith.constant 16 : i32
        %mul3A_326 = arith.muli %add3A_324, %mul3A_325 : i32
        %get3A_327 = arith.constant 0 : i32
        %get3A_328 = arith.index_cast %get3A_327 : i32 to index
        %get3A_329 = arith.index_cast %add3A_291 : i32 to index
        %get3A_330 = arith.index_cast %mul3A_326 : i32 to index
        %get3A_331 = tpu.vector_load %arg8[%get3A_328, %get3A_329, %get3A_330] {strides = array<i32>} : memref<1x64x384xf32, #tpu.memory_space<vmem>>, vector<1x1x16xf32>,
        %get3A_332 = vector.shape_cast %get3A_331 : vector<1x1x16xf32> to vector<16xf32>
        %mul3A_333 = arith.mulf %get3A_332, %get3A_60 : vector<16xf32>
        %mul3A_334 = arith.constant 16 : i32
        %mul3A_335 = arith.muli %add3A_324, %mul3A_334 : i32
        %swap3A_336 = arith.constant 0 : i32
        %swap3A_337 = arith.index_cast %swap3A_336 : i32 to index
        %swap3A_338 = arith.index_cast %add3A_291 : i32 to index
        %swap3A_339 = arith.index_cast %mul3A_335 : i32 to index
        %swap3A_340 = tpu.vector_load %arg8[%swap3A_337, %swap3A_338, %swap3A_339] {strides = array<i32>} : memref<1x64x384xf32, #tpu.memory_space<vmem>>, vector<1x1x16xf32>,
        %swap3A_341 = vector.shape_cast %swap3A_340 : vector<1x1x16xf32> to vector<16xf32>
        %swap3A_342 = vector.shape_cast %mul3A_333 : vector<16xf32> to vector<1x1x16xf32>
        tpu.vector_store %arg8[%swap3A_337, %swap3A_338, %swap3A_339], %swap3A_342 {strides = array<i32>} : memref<1x64x384xf32, #tpu.memory_space<vmem>>, vector<1x1x16xf32>,
        %scan3A_343 = arith.constant 2 : i32
        %scan3A_344 = arith.addi %scan3A_297, %scan3A_343 : i32
        %mul3A_345 = arith.constant 1 : i32
        %mul3A_346 = arith.muli %scan3A_344, %mul3A_345 : i32
        %add3A_347 = arith.constant 0 : i32
        %add3A_348 = arith.addi %add3A_347, %mul3A_346 : i32
        %mul3A_349 = arith.constant 16 : i32
        %mul3A_350 = arith.muli %add3A_348, %mul3A_349 : i32
        %get3A_351 = arith.constant 0 : i32
        %get3A_352 = arith.index_cast %get3A_351 : i32 to index
        %get3A_353 = arith.index_cast %add3A_291 : i32 to index
        %get3A_354 = arith.index_cast %mul3A_350 : i32 to index
        %get3A_355 = tpu.vector_load %arg8[%get3A_352, %get3A_353, %get3A_354] {strides = array<i32>} : memref<1x64x384xf32, #tpu.memory_space<vmem>>, vector<1x1x16xf32>,
        %get3A_356 = vector.shape_cast %get3A_355 : vector<1x1x16xf32> to vector<16xf32>
        %mul3A_357 = arith.mulf %get3A_356, %get3A_60 : vector<16xf32>
        %mul3A_358 = arith.constant 16 : i32
        %mul3A_359 = arith.muli %add3A_348, %mul3A_358 : i32
        %swap3A_360 = arith.constant 0 : i32
        %swap3A_361 = arith.index_cast %swap3A_360 : i32 to index
        %swap3A_362 = arith.index_cast %add3A_291 : i32 to index
        %swap3A_363 = arith.index_cast %mul3A_359 : i32 to index
        %swap3A_364 = tpu.vector_load %arg8[%swap3A_361, %swap3A_362, %swap3A_363] {strides = array<i32>} : memref<1x64x384xf32, #tpu.memory_space<vmem>>, vector<1x1x16xf32>,
        %swap3A_365 = vector.shape_cast %swap3A_364 : vector<1x1x16xf32> to vector<16xf32>
        %swap3A_366 = vector.shape_cast %mul3A_357 : vector<16xf32> to vector<1x1x16xf32>
        tpu.vector_store %arg8[%swap3A_361, %swap3A_362, %swap3A_363], %swap3A_366 {strides = array<i32>} : memref<1x64x384xf32, #tpu.memory_space<vmem>>, vector<1x1x16xf32>,
        %scan3A_367 = arith.constant 3 : i32
        %scan3A_368 = arith.addi %scan3A_297, %scan3A_367 : i32
        %mul3A_369 = arith.constant 1 : i32
        %mul3A_370 = arith.muli %scan3A_368, %mul3A_369 : i32
        %add3A_371 = arith.constant 0 : i32
        %add3A_372 = arith.addi %add3A_371, %mul3A_370 : i32
        %mul3A_373 = arith.constant 16 : i32
        %mul3A_374 = arith.muli %add3A_372, %mul3A_373 : i32
        %get3A_375 = arith.constant 0 : i32
        %get3A_376 = arith.index_cast %get3A_375 : i32 to index
        %get3A_377 = arith.index_cast %add3A_291 : i32 to index
        %get3A_378 = arith.index_cast %mul3A_374 : i32 to index
        %get3A_379 = tpu.vector_load %arg8[%get3A_376, %get3A_377, %get3A_378] {strides = array<i32>} : memref<1x64x384xf32, #tpu.memory_space<vmem>>, vector<1x1x16xf32>,
        %get3A_380 = vector.shape_cast %get3A_379 : vector<1x1x16xf32> to vector<16xf32>
        %mul3A_381 = arith.mulf %get3A_380, %get3A_60 : vector<16xf32>
        %mul3A_382 = arith.constant 16 : i32
        %mul3A_383 = arith.muli %add3A_372, %mul3A_382 : i32
        %swap3A_384 = arith.constant 0 : i32
        %swap3A_385 = arith.index_cast %swap3A_384 : i32 to index
        %swap3A_386 = arith.index_cast %add3A_291 : i32 to index
        %swap3A_387 = arith.index_cast %mul3A_383 : i32 to index
        %swap3A_388 = tpu.vector_load %arg8[%swap3A_385, %swap3A_386, %swap3A_387] {strides = array<i32>} : memref<1x64x384xf32, #tpu.memory_space<vmem>>, vector<1x1x16xf32>,
        %swap3A_389 = vector.shape_cast %swap3A_388 : vector<1x1x16xf32> to vector<16xf32>
        %swap3A_390 = vector.shape_cast %mul3A_381 : vector<16xf32> to vector<1x1x16xf32>
        tpu.vector_store %arg8[%swap3A_385, %swap3A_386, %swap3A_387], %swap3A_390 {strides = array<i32>} : memref<1x64x384xf32, #tpu.memory_space<vmem>>, vector<1x1x16xf32>,
        %scan3A_391 = arith.constant 4 : i32
        %scan3A_392 = arith.addi %scan3A_297, %scan3A_391 : i32
        %mul3A_393 = arith.constant 1 : i32
        %mul3A_394 = arith.muli %scan3A_392, %mul3A_393 : i32
        %add3A_395 = arith.constant 0 : i32
        %add3A_396 = arith.addi %add3A_395, %mul3A_394 : i32
        %mul3A_397 = arith.constant 16 : i32
        %mul3A_398 = arith.muli %add3A_396, %mul3A_397 : i32
        %get3A_399 = arith.constant 0 : i32
        %get3A_400 = arith.index_cast %get3A_399 : i32 to index
        %get3A_401 = arith.index_cast %add3A_291 : i32 to index
        %get3A_402 = arith.index_cast %mul3A_398 : i32 to index
        %get3A_403 = tpu.vector_load %arg8[%get3A_400, %get3A_401, %get3A_402] {strides = array<i32>} : memref<1x64x384xf32, #tpu.memory_space<vmem>>, vector<1x1x16xf32>,
        %get3A_404 = vector.shape_cast %get3A_403 : vector<1x1x16xf32> to vector<16xf32>
        %mul3A_405 = arith.mulf %get3A_404, %get3A_60 : vector<16xf32>
        %mul3A_406 = arith.constant 16 : i32
        %mul3A_407 = arith.muli %add3A_396, %mul3A_406 : i32
        %swap3A_408 = arith.constant 0 : i32
        %swap3A_409 = arith.index_cast %swap3A_408 : i32 to index
        %swap3A_410 = arith.index_cast %add3A_291 : i32 to index
        %swap3A_411 = arith.index_cast %mul3A_407 : i32 to index
        %swap3A_412 = tpu.vector_load %arg8[%swap3A_409, %swap3A_410, %swap3A_411] {strides = array<i32>} : memref<1x64x384xf32, #tpu.memory_space<vmem>>, vector<1x1x16xf32>,
        %swap3A_413 = vector.shape_cast %swap3A_412 : vector<1x1x16xf32> to vector<16xf32>
        %swap3A_414 = vector.shape_cast %mul3A_405 : vector<16xf32> to vector<1x1x16xf32>
        tpu.vector_store %arg8[%swap3A_409, %swap3A_410, %swap3A_411], %swap3A_414 {strides = array<i32>} : memref<1x64x384xf32, #tpu.memory_space<vmem>>, vector<1x1x16xf32>,
        %scan3A_415 = arith.constant 5 : i32
        %scan3A_416 = arith.addi %scan3A_297, %scan3A_415 : i32
        %mul3A_417 = arith.constant 1 : i32
        %mul3A_418 = arith.muli %scan3A_416, %mul3A_417 : i32
        %add3A_419 = arith.constant 0 : i32
        %add3A_420 = arith.addi %add3A_419, %mul3A_418 : i32
        %mul3A_421 = arith.constant 16 : i32
        %mul3A_422 = arith.muli %add3A_420, %mul3A_421 : i32
        %get3A_423 = arith.constant 0 : i32
        %get3A_424 = arith.index_cast %get3A_423 : i32 to index
        %get3A_425 = arith.index_cast %add3A_291 : i32 to index
        %get3A_426 = arith.index_cast %mul3A_422 : i32 to index
        %get3A_427 = tpu.vector_load %arg8[%get3A_424, %get3A_425, %get3A_426] {strides = array<i32>} : memref<1x64x384xf32, #tpu.memory_space<vmem>>, vector<1x1x16xf32>,
        %get3A_428 = vector.shape_cast %get3A_427 : vector<1x1x16xf32> to vector<16xf32>
        %mul3A_429 = arith.mulf %get3A_428, %get3A_60 : vector<16xf32>
        %mul3A_430 = arith.constant 16 : i32
        %mul3A_431 = arith.muli %add3A_420, %mul3A_430 : i32
        %swap3A_432 = arith.constant 0 : i32
        %swap3A_433 = arith.index_cast %swap3A_432 : i32 to index
        %swap3A_434 = arith.index_cast %add3A_291 : i32 to index
        %swap3A_435 = arith.index_cast %mul3A_431 : i32 to index
        %swap3A_436 = tpu.vector_load %arg8[%swap3A_433, %swap3A_434, %swap3A_435] {strides = array<i32>} : memref<1x64x384xf32, #tpu.memory_space<vmem>>, vector<1x1x16xf32>,
        %swap3A_437 = vector.shape_cast %swap3A_436 : vector<1x1x16xf32> to vector<16xf32>
        %swap3A_438 = vector.shape_cast %mul3A_429 : vector<16xf32> to vector<1x1x16xf32>
        tpu.vector_store %arg8[%swap3A_433, %swap3A_434, %swap3A_435], %swap3A_438 {strides = array<i32>} : memref<1x64x384xf32, #tpu.memory_space<vmem>>, vector<1x1x16xf32>,
        %scan3A_439 = arith.constant 6 : i32
        %scan3A_440 = arith.addi %scan3A_297, %scan3A_439 : i32
        %mul3A_441 = arith.constant 1 : i32
        %mul3A_442 = arith.muli %scan3A_440, %mul3A_441 : i32
        %add3A_443 = arith.constant 0 : i32
        %add3A_444 = arith.addi %add3A_443, %mul3A_442 : i32
        %mul3A_445 = arith.constant 16 : i32
        %mul3A_446 = arith.muli %add3A_444, %mul3A_445 : i32
        %get3A_447 = arith.constant 0 : i32
        %get3A_448 = arith.index_cast %get3A_447 : i32 to index
        %get3A_449 = arith.index_cast %add3A_291 : i32 to index
        %get3A_450 = arith.index_cast %mul3A_446 : i32 to index
        %get3A_451 = tpu.vector_load %arg8[%get3A_448, %get3A_449, %get3A_450] {strides = array<i32>} : memref<1x64x384xf32, #tpu.memory_space<vmem>>, vector<1x1x16xf32>,
        %get3A_452 = vector.shape_cast %get3A_451 : vector<1x1x16xf32> to vector<16xf32>
        %mul3A_453 = arith.mulf %get3A_452, %get3A_60 : vector<16xf32>
        %mul3A_454 = arith.constant 16 : i32
        %mul3A_455 = arith.muli %add3A_444, %mul3A_454 : i32
        %swap3A_456 = arith.constant 0 : i32
        %swap3A_457 = arith.index_cast %swap3A_456 : i32 to index
        %swap3A_458 = arith.index_cast %add3A_291 : i32 to index
        %swap3A_459 = arith.index_cast %mul3A_455 : i32 to index
        %swap3A_460 = tpu.vector_load %arg8[%swap3A_457, %swap3A_458, %swap3A_459] {strides = array<i32>} : memref<1x64x384xf32, #tpu.memory_space<vmem>>, vector<1x1x16xf32>,
        %swap3A_461 = vector.shape_cast %swap3A_460 : vector<1x1x16xf32> to vector<16xf32>
        %swap3A_462 = vector.shape_cast %mul3A_453 : vector<16xf32> to vector<1x1x16xf32>
        tpu.vector_store %arg8[%swap3A_457, %swap3A_458, %swap3A_459], %swap3A_462 {strides = array<i32>} : memref<1x64x384xf32, #tpu.memory_space<vmem>>, vector<1x1x16xf32>,
        %scan3A_463 = arith.constant 7 : i32
        %scan3A_464 = arith.addi %scan3A_297, %scan3A_463 : i32
        %mul3A_465 = arith.constant 1 : i32
        %mul3A_466 = arith.muli %scan3A_464, %mul3A_465 : i32
        %add3A_467 = arith.constant 0 : i32
        %add3A_468 = arith.addi %add3A_467, %mul3A_466 : i32
        %mul3A_469 = arith.constant 16 : i32
        %mul3A_470 = arith.muli %add3A_468, %mul3A_469 : i32
        %get3A_471 = arith.constant 0 : i32
        %get3A_472 = arith.index_cast %get3A_471 : i32 to index
        %get3A_473 = arith.index_cast %add3A_291 : i32 to index
        %get3A_474 = arith.index_cast %mul3A_470 : i32 to index
        %get3A_475 = tpu.vector_load %arg8[%get3A_472, %get3A_473, %get3A_474] {strides = array<i32>} : memref<1x64x384xf32, #tpu.memory_space<vmem>>, vector<1x1x16xf32>,
        %get3A_476 = vector.shape_cast %get3A_475 : vector<1x1x16xf32> to vector<16xf32>
        %mul3A_477 = arith.mulf %get3A_476, %get3A_60 : vector<16xf32>
        %mul3A_478 = arith.constant 16 : i32
        %mul3A_479 = arith.muli %add3A_468, %mul3A_478 : i32
        %swap3A_480 = arith.constant 0 : i32
        %swap3A_481 = arith.index_cast %swap3A_480 : i32 to index
        %swap3A_482 = arith.index_cast %add3A_291 : i32 to index
        %swap3A_483 = arith.index_cast %mul3A_479 : i32 to index
        %swap3A_484 = tpu.vector_load %arg8[%swap3A_481, %swap3A_482, %swap3A_483] {strides = array<i32>} : memref<1x64x384xf32, #tpu.memory_space<vmem>>, vector<1x1x16xf32>,
        %swap3A_485 = vector.shape_cast %swap3A_484 : vector<1x1x16xf32> to vector<16xf32>
        %swap3A_486 = vector.shape_cast %mul3A_477 : vector<16xf32> to vector<1x1x16xf32>
        tpu.vector_store %arg8[%swap3A_481, %swap3A_482, %swap3A_483], %swap3A_486 {strides = array<i32>} : memref<1x64x384xf32, #tpu.memory_space<vmem>>, vector<1x1x16xf32>,
      }
      %scan3A_296 = arith.constant 24 : i32
    }
    %scan3A_64 = arith.constant 64 : i32
    %mul3A_65 = arith.constant 49 : i32
    %mul3A_66 = arith.muli %add3A, %mul3A_65 : i32
    %add3A_67 = arith.constant 0 : i32
    %add3A_68 = arith.addi %mul3A_66, %add3A_67 : i32
    %dma_start3A_69 = arith.constant 0 : i32
    %dma_start3A_70 = arith.constant 0 : i32
    %dma_start3A_71 = tpu.memref_slice %arg5[%add3A_68, %dma_start3A_69, %dma_start3A_70] : memref<1568x64x384xf32, #tpu.memory_space<hbm>> -> memref<1x64x384xf32, #tpu.memory_space<hbm>>
    %dma_start3A_72 = arith.constant 0 : i32
    %dma_start3A_73 = arith.constant 0 : i32
    %dma_start3A_74 = tpu.memref_slice %arg5[%add3A_68, %dma_start3A_72, %dma_start3A_73] : memref<1568x64x384xf32, #tpu.memory_space<hbm>> -> memref<1x64x384xf32, #tpu.memory_space<hbm>>
    tpu.enqueue_dma source(%arg8 : memref<1x64x384xf32, #tpu.memory_space<vmem>>) target(%dma_start3A_74 : memref<1x64x384xf32, #tpu.memory_space<hbm>>) target_semaphore(%arg16 : memref<!tpu.dma_semaphore, #tpu.memory_space<semaphore_mem>>)
    %dma_wait3A_75 = arith.constant 0 : i32
    %dma_wait3A_76 = arith.constant 0 : i32
    %dma_wait3A_77 = arith.constant 0 : i32
    %dma_wait3A_78 = tpu.memref_slice %arg4[%dma_wait3A_75, %dma_wait3A_76, %dma_wait3A_77] : memref<392x64x384xf32, #tpu.memory_space<hbm>> -> memref<1x64x384xf32, #tpu.memory_space<hbm>>
    %dma_wait3A_79 = arith.constant 0 : i32
    %dma_wait3A_80 = arith.constant 0 : i32
    %dma_wait3A_81 = arith.constant 0 : i32
    %dma_wait3A_82 = tpu.memref_slice %arg4[%dma_wait3A_79, %dma_wait3A_80, %dma_wait3A_81] : memref<392x64x384xf32, #tpu.memory_space<hbm>> -> memref<1x64x384xf32, #tpu.memory_space<hbm>>
    tpu.wait_dma2 semaphore(%arg13 : memref<!tpu.dma_semaphore, #tpu.memory_space<semaphore_mem>>) src(%dma_wait3A_82 : memref<1x64x384xf32, #tpu.memory_space<hbm>>) dst(%arg9 : memref<1x64x384xf32, #tpu.memory_space<vmem>>)
    %dma_wait3A_83 = arith.constant 0 : i32
    %dma_wait3A_84 = arith.constant 0 : i32
    %dma_wait3A_85 = arith.constant 0 : i32
    %dma_wait3A_86 = tpu.memref_slice %arg5[%dma_wait3A_83, %dma_wait3A_84, %dma_wait3A_85] : memref<1568x64x384xf32, #tpu.memory_space<hbm>> -> memref<1x64x384xf32, #tpu.memory_space<hbm>>
    %dma_wait3A_87 = arith.constant 0 : i32
    %dma_wait3A_88 = arith.constant 0 : i32
    %dma_wait3A_89 = arith.constant 0 : i32
    %dma_wait3A_90 = tpu.memref_slice %arg5[%dma_wait3A_87, %dma_wait3A_88, %dma_wait3A_89] : memref<1568x64x384xf32, #tpu.memory_space<hbm>> -> memref<1x64x384xf32, #tpu.memory_space<hbm>>
    tpu.wait_dma2 semaphore(%arg16 : memref<!tpu.dma_semaphore, #tpu.memory_space<semaphore_mem>>) src(%arg8 : memref<1x64x384xf32, #tpu.memory_space<vmem>>) dst(%dma_wait3A_90 : memref<1x64x384xf32, #tpu.memory_space<hbm>>)
    %get3A_91 = arith.constant 0 : i32
    %get3A_92 = arith.index_cast %get3A_91 : i32 to index
    %get3A_93 = arith.constant 64 : index
    %get3A_94 = tpu.vector_load %arg6[%get3A_92, %get3A_93] {strides = array<i32>} : memref<8x128xi32, #tpu.memory_space<vmem>>, vector<1x16xi32>,
    %get3A_95 = vector.shape_cast %get3A_94 : vector<1x16xi32> to vector<16xi32>
    %slice3A_96 = vector.extract_strided_slice %get3A_95 {offsets = [0], sizes = [1], strides = [1]} : vector<16xi32> to vector<1xi32>
    %squeeze3A_97 = vector.extract %slice3A_96[0] : i32 from vector<1xi32>
    %dma_start3A_98 = arith.constant 0 : i32
    %dma_start3A_99 = arith.constant 0 : i32
    %dma_start3A_100 = tpu.memref_slice %arg4[%squeeze3A_97, %dma_start3A_98, %dma_start3A_99] : memref<392x64x384xf32, #tpu.memory_space<hbm>> -> memref<1x64x384xf32, #tpu.memory_space<hbm>>
    %dma_start3A_101 = arith.constant 0 : i32
    %dma_start3A_102 = arith.constant 0 : i32
    %dma_start3A_103 = tpu.memref_slice %arg4[%squeeze3A_97, %dma_start3A_101, %dma_start3A_102] : memref<392x64x384xf32, #tpu.memory_space<hbm>> -> memref<1x64x384xf32, #tpu.memory_space<hbm>>
    tpu.enqueue_dma source(%dma_start3A_103 : memref<1x64x384xf32, #tpu.memory_space<hbm>>) target(%arg8 : memref<1x64x384xf32, #tpu.memory_space<vmem>>) target_semaphore(%arg12 : memref<!tpu.dma_semaphore, #tpu.memory_space<semaphore_mem>>)
    %get3A_104 = arith.constant 0 : i32
    %get3A_105 = arith.index_cast %get3A_104 : i32 to index
    %get3A_106 = arith.constant 16 : index
    %get3A_107 = tpu.vector_load %arg7[%get3A_105, %get3A_106] {strides = array<i32>} : memref<8x128xf32, #tpu.memory_space<vmem>>, vector<1x16xf32>,
    %get3A_108 = vector.shape_cast %get3A_107 : vector<1x16xf32> to vector<16xf32>
    %scan3A_109 = arith.constant 0 : i32
    %scan3A_110 = arith.constant 64 : i32
    %scan3A_111 = arith.addi %scan3A_109, %scan3A_110 : i32
    %scan3A_112 = arith.constant 1 : i32
    scf.for %scan3A_287 = %scan3A_109 to %scan3A_111 step %scan3A_112  : i32 {
      %mul3A_288 = arith.constant 1 : i32
      %mul3A_289 = arith.muli %scan3A_287, %mul3A_288 : i32
      %add3A_290 = arith.constant 0 : i32
      %add3A_291 = arith.addi %add3A_290, %mul3A_289 : i32
      %scan3A_292 = arith.constant 0 : i32
      %scan3A_293 = arith.constant 24 : i32
      %scan3A_294 = arith.addi %scan3A_292, %scan3A_293 : i32
      %scan3A_295 = arith.constant 8 : i32
      scf.for %scan3A_297 = %scan3A_292 to %scan3A_294 step %scan3A_295  : i32 {
        %mul3A_298 = arith.constant 1 : i32
        %mul3A_299 = arith.muli %scan3A_297, %mul3A_298 : i32
        %add3A_300 = arith.constant 0 : i32
        %add3A_301 = arith.addi %add3A_300, %mul3A_299 : i32
        %mul3A_302 = arith.constant 16 : i32
        %mul3A_303 = arith.muli %add3A_301, %mul3A_302 : i32
        %get3A_304 = arith.constant 0 : i32
        %get3A_305 = arith.index_cast %get3A_304 : i32 to index
        %get3A_306 = arith.index_cast %add3A_291 : i32 to index
        %get3A_307 = arith.index_cast %mul3A_303 : i32 to index
        %get3A_308 = tpu.vector_load %arg9[%get3A_305, %get3A_306, %get3A_307] {strides = array<i32>} : memref<1x64x384xf32, #tpu.memory_space<vmem>>, vector<1x1x16xf32>,
        %get3A_309 = vector.shape_cast %get3A_308 : vector<1x1x16xf32> to vector<16xf32>
        %mul3A_310 = arith.mulf %get3A_309, %get3A_108 : vector<16xf32>
        %mul3A_311 = arith.constant 16 : i32
        %mul3A_312 = arith.muli %add3A_301, %mul3A_311 : i32
        %swap3A = arith.constant 0 : i32
        %swap3A_313 = arith.index_cast %swap3A : i32 to index
        %swap3A_314 = arith.index_cast %add3A_291 : i32 to index
        %swap3A_315 = arith.index_cast %mul3A_312 : i32 to index
        %swap3A_316 = tpu.vector_load %arg9[%swap3A_313, %swap3A_314, %swap3A_315] {strides = array<i32>} : memref<1x64x384xf32, #tpu.memory_space<vmem>>, vector<1x1x16xf32>,
        %swap3A_317 = vector.shape_cast %swap3A_316 : vector<1x1x16xf32> to vector<16xf32>
        %swap3A_318 = vector.shape_cast %mul3A_310 : vector<16xf32> to vector<1x1x16xf32>
        tpu.vector_store %arg9[%swap3A_313, %swap3A_314, %swap3A_315], %swap3A_318 {strides = array<i32>} : memref<1x64x384xf32, #tpu.memory_space<vmem>>, vector<1x1x16xf32>,
        %scan3A_319 = arith.constant 1 : i32
        %scan3A_320 = arith.addi %scan3A_297, %scan3A_319 : i32
        %mul3A_321 = arith.constant 1 : i32
        %mul3A_322 = arith.muli %scan3A_320, %mul3A_321 : i32
        %add3A_323 = arith.constant 0 : i32
        %add3A_324 = arith.addi %add3A_323, %mul3A_322 : i32
        %mul3A_325 = arith.constant 16 : i32
        %mul3A_326 = arith.muli %add3A_324, %mul3A_325 : i32
        %get3A_327 = arith.constant 0 : i32
        %get3A_328 = arith.index_cast %get3A_327 : i32 to index
        %get3A_329 = arith.index_cast %add3A_291 : i32 to index
        %get3A_330 = arith.index_cast %mul3A_326 : i32 to index
        %get3A_331 = tpu.vector_load %arg9[%get3A_328, %get3A_329, %get3A_330] {strides = array<i32>} : memref<1x64x384xf32, #tpu.memory_space<vmem>>, vector<1x1x16xf32>,
        %get3A_332 = vector.shape_cast %get3A_331 : vector<1x1x16xf32> to vector<16xf32>
        %mul3A_333 = arith.mulf %get3A_332, %get3A_108 : vector<16xf32>
        %mul3A_334 = arith.constant 16 : i32
        %mul3A_335 = arith.muli %add3A_324, %mul3A_334 : i32
        %swap3A_336 = arith.constant 0 : i32
        %swap3A_337 = arith.index_cast %swap3A_336 : i32 to index
        %swap3A_338 = arith.index_cast %add3A_291 : i32 to index
        %swap3A_339 = arith.index_cast %mul3A_335 : i32 to index
        %swap3A_340 = tpu.vector_load %arg9[%swap3A_337, %swap3A_338, %swap3A_339] {strides = array<i32>} : memref<1x64x384xf32, #tpu.memory_space<vmem>>, vector<1x1x16xf32>,
        %swap3A_341 = vector.shape_cast %swap3A_340 : vector<1x1x16xf32> to vector<16xf32>
        %swap3A_342 = vector.shape_cast %mul3A_333 : vector<16xf32> to vector<1x1x16xf32>
        tpu.vector_store %arg9[%swap3A_337, %swap3A_338, %swap3A_339], %swap3A_342 {strides = array<i32>} : memref<1x64x384xf32, #tpu.memory_space<vmem>>, vector<1x1x16xf32>,
        %scan3A_343 = arith.constant 2 : i32
        %scan3A_344 = arith.addi %scan3A_297, %scan3A_343 : i32
        %mul3A_345 = arith.constant 1 : i32
        %mul3A_346 = arith.muli %scan3A_344, %mul3A_345 : i32
        %add3A_347 = arith.constant 0 : i32
        %add3A_348 = arith.addi %add3A_347, %mul3A_346 : i32
        %mul3A_349 = arith.constant 16 : i32
        %mul3A_350 = arith.muli %add3A_348, %mul3A_349 : i32
        %get3A_351 = arith.constant 0 : i32
        %get3A_352 = arith.index_cast %get3A_351 : i32 to index
        %get3A_353 = arith.index_cast %add3A_291 : i32 to index
        %get3A_354 = arith.index_cast %mul3A_350 : i32 to index
        %get3A_355 = tpu.vector_load %arg9[%get3A_352, %get3A_353, %get3A_354] {strides = array<i32>} : memref<1x64x384xf32, #tpu.memory_space<vmem>>, vector<1x1x16xf32>,
        %get3A_356 = vector.shape_cast %get3A_355 : vector<1x1x16xf32> to vector<16xf32>
        %mul3A_357 = arith.mulf %get3A_356, %get3A_108 : vector<16xf32>
        %mul3A_358 = arith.constant 16 : i32
        %mul3A_359 = arith.muli %add3A_348, %mul3A_358 : i32
        %swap3A_360 = arith.constant 0 : i32
        %swap3A_361 = arith.index_cast %swap3A_360 : i32 to index
        %swap3A_362 = arith.index_cast %add3A_291 : i32 to index
        %swap3A_363 = arith.index_cast %mul3A_359 : i32 to index
        %swap3A_364 = tpu.vector_load %arg9[%swap3A_361, %swap3A_362, %swap3A_363] {strides = array<i32>} : memref<1x64x384xf32, #tpu.memory_space<vmem>>, vector<1x1x16xf32>,
        %swap3A_365 = vector.shape_cast %swap3A_364 : vector<1x1x16xf32> to vector<16xf32>
        %swap3A_366 = vector.shape_cast %mul3A_357 : vector<16xf32> to vector<1x1x16xf32>
        tpu.vector_store %arg9[%swap3A_361, %swap3A_362, %swap3A_363], %swap3A_366 {strides = array<i32>} : memref<1x64x384xf32, #tpu.memory_space<vmem>>, vector<1x1x16xf32>,
        %scan3A_367 = arith.constant 3 : i32
        %scan3A_368 = arith.addi %scan3A_297, %scan3A_367 : i32
        %mul3A_369 = arith.constant 1 : i32
        %mul3A_370 = arith.muli %scan3A_368, %mul3A_369 : i32
        %add3A_371 = arith.constant 0 : i32
        %add3A_372 = arith.addi %add3A_371, %mul3A_370 : i32
        %mul3A_373 = arith.constant 16 : i32
        %mul3A_374 = arith.muli %add3A_372, %mul3A_373 : i32
        %get3A_375 = arith.constant 0 : i32
        %get3A_376 = arith.index_cast %get3A_375 : i32 to index
        %get3A_377 = arith.index_cast %add3A_291 : i32 to index
        %get3A_378 = arith.index_cast %mul3A_374 : i32 to index
        %get3A_379 = tpu.vector_load %arg9[%get3A_376, %get3A_377, %get3A_378] {strides = array<i32>} : memref<1x64x384xf32, #tpu.memory_space<vmem>>, vector<1x1x16xf32>,
        %get3A_380 = vector.shape_cast %get3A_379 : vector<1x1x16xf32> to vector<16xf32>
        %mul3A_381 = arith.mulf %get3A_380, %get3A_108 : vector<16xf32>
        %mul3A_382 = arith.constant 16 : i32
        %mul3A_383 = arith.muli %add3A_372, %mul3A_382 : i32
        %swap3A_384 = arith.constant 0 : i32
        %swap3A_385 = arith.index_cast %swap3A_384 : i32 to index
        %swap3A_386 = arith.index_cast %add3A_291 : i32 to index
        %swap3A_387 = arith.index_cast %mul3A_383 : i32 to index
        %swap3A_388 = tpu.vector_load %arg9[%swap3A_385, %swap3A_386, %swap3A_387] {strides = array<i32>} : memref<1x64x384xf32, #tpu.memory_space<vmem>>, vector<1x1x16xf32>,
        %swap3A_389 = vector.shape_cast %swap3A_388 : vector<1x1x16xf32> to vector<16xf32>
        %swap3A_390 = vector.shape_cast %mul3A_381 : vector<16xf32> to vector<1x1x16xf32>
        tpu.vector_store %arg9[%swap3A_385, %swap3A_386, %swap3A_387], %swap3A_390 {strides = array<i32>} : memref<1x64x384xf32, #tpu.memory_space<vmem>>, vector<1x1x16xf32>,
        %scan3A_391 = arith.constant 4 : i32
        %scan3A_392 = arith.addi %scan3A_297, %scan3A_391 : i32
        %mul3A_393 = arith.constant 1 : i32
        %mul3A_394 = arith.muli %scan3A_392, %mul3A_393 : i32
        %add3A_395 = arith.constant 0 : i32
        %add3A_396 = arith.addi %add3A_395, %mul3A_394 : i32
        %mul3A_397 = arith.constant 16 : i32
        %mul3A_398 = arith.muli %add3A_396, %mul3A_397 : i32
        %get3A_399 = arith.constant 0 : i32
        %get3A_400 = arith.index_cast %get3A_399 : i32 to index
        %get3A_401 = arith.index_cast %add3A_291 : i32 to index
        %get3A_402 = arith.index_cast %mul3A_398 : i32 to index
        %get3A_403 = tpu.vector_load %arg9[%get3A_400, %get3A_401, %get3A_402] {strides = array<i32>} : memref<1x64x384xf32, #tpu.memory_space<vmem>>, vector<1x1x16xf32>,
        %get3A_404 = vector.shape_cast %get3A_403 : vector<1x1x16xf32> to vector<16xf32>
        %mul3A_405 = arith.mulf %get3A_404, %get3A_108 : vector<16xf32>
        %mul3A_406 = arith.constant 16 : i32
        %mul3A_407 = arith.muli %add3A_396, %mul3A_406 : i32
        %swap3A_408 = arith.constant 0 : i32
        %swap3A_409 = arith.index_cast %swap3A_408 : i32 to index
        %swap3A_410 = arith.index_cast %add3A_291 : i32 to index
        %swap3A_411 = arith.index_cast %mul3A_407 : i32 to index
        %swap3A_412 = tpu.vector_load %arg9[%swap3A_409, %swap3A_410, %swap3A_411] {strides = array<i32>} : memref<1x64x384xf32, #tpu.memory_space<vmem>>, vector<1x1x16xf32>,
        %swap3A_413 = vector.shape_cast %swap3A_412 : vector<1x1x16xf32> to vector<16xf32>
        %swap3A_414 = vector.shape_cast %mul3A_405 : vector<16xf32> to vector<1x1x16xf32>
        tpu.vector_store %arg9[%swap3A_409, %swap3A_410, %swap3A_411], %swap3A_414 {strides = array<i32>} : memref<1x64x384xf32, #tpu.memory_space<vmem>>, vector<1x1x16xf32>,
        %scan3A_415 = arith.constant 5 : i32
        %scan3A_416 = arith.addi %scan3A_297, %scan3A_415 : i32
        %mul3A_417 = arith.constant 1 : i32
        %mul3A_418 = arith.muli %scan3A_416, %mul3A_417 : i32
        %add3A_419 = arith.constant 0 : i32
        %add3A_420 = arith.addi %add3A_419, %mul3A_418 : i32
        %mul3A_421 = arith.constant 16 : i32
        %mul3A_422 = arith.muli %add3A_420, %mul3A_421 : i32
        %get3A_423 = arith.constant 0 : i32
        %get3A_424 = arith.index_cast %get3A_423 : i32 to index
        %get3A_425 = arith.index_cast %add3A_291 : i32 to index
        %get3A_426 = arith.index_cast %mul3A_422 : i32 to index
        %get3A_427 = tpu.vector_load %arg9[%get3A_424, %get3A_425, %get3A_426] {strides = array<i32>} : memref<1x64x384xf32, #tpu.memory_space<vmem>>, vector<1x1x16xf32>,
        %get3A_428 = vector.shape_cast %get3A_427 : vector<1x1x16xf32> to vector<16xf32>
        %mul3A_429 = arith.mulf %get3A_428, %get3A_108 : vector<16xf32>
        %mul3A_430 = arith.constant 16 : i32
        %mul3A_431 = arith.muli %add3A_420, %mul3A_430 : i32
        %swap3A_432 = arith.constant 0 : i32
        %swap3A_433 = arith.index_cast %swap3A_432 : i32 to index
        %swap3A_434 = arith.index_cast %add3A_291 : i32 to index
        %swap3A_435 = arith.index_cast %mul3A_431 : i32 to index
        %swap3A_436 = tpu.vector_load %arg9[%swap3A_433, %swap3A_434, %swap3A_435] {strides = array<i32>} : memref<1x64x384xf32, #tpu.memory_space<vmem>>, vector<1x1x16xf32>,
        %swap3A_437 = vector.shape_cast %swap3A_436 : vector<1x1x16xf32> to vector<16xf32>
        %swap3A_438 = vector.shape_cast %mul3A_429 : vector<16xf32> to vector<1x1x16xf32>
        tpu.vector_store %arg9[%swap3A_433, %swap3A_434, %swap3A_435], %swap3A_438 {strides = array<i32>} : memref<1x64x384xf32, #tpu.memory_space<vmem>>, vector<1x1x16xf32>,
        %scan3A_439 = arith.constant 6 : i32
        %scan3A_440 = arith.addi %scan3A_297, %scan3A_439 : i32
        %mul3A_441 = arith.constant 1 : i32
        %mul3A_442 = arith.muli %scan3A_440, %mul3A_441 : i32
        %add3A_443 = arith.constant 0 : i32
        %add3A_444 = arith.addi %add3A_443, %mul3A_442 : i32
        %mul3A_445 = arith.constant 16 : i32
        %mul3A_446 = arith.muli %add3A_444, %mul3A_445 : i32
        %get3A_447 = arith.constant 0 : i32
        %get3A_448 = arith.index_cast %get3A_447 : i32 to index
        %get3A_449 = arith.index_cast %add3A_291 : i32 to index
        %get3A_450 = arith.index_cast %mul3A_446 : i32 to index
        %get3A_451 = tpu.vector_load %arg9[%get3A_448, %get3A_449, %get3A_450] {strides = array<i32>} : memref<1x64x384xf32, #tpu.memory_space<vmem>>, vector<1x1x16xf32>,
        %get3A_452 = vector.shape_cast %get3A_451 : vector<1x1x16xf32> to vector<16xf32>
        %mul3A_453 = arith.mulf %get3A_452, %get3A_108 : vector<16xf32>
        %mul3A_454 = arith.constant 16 : i32
        %mul3A_455 = arith.muli %add3A_444, %mul3A_454 : i32
        %swap3A_456 = arith.constant 0 : i32
        %swap3A_457 = arith.index_cast %swap3A_456 : i32 to index
        %swap3A_458 = arith.index_cast %add3A_291 : i32 to index
        %swap3A_459 = arith.index_cast %mul3A_455 : i32 to index
        %swap3A_460 = tpu.vector_load %arg9[%swap3A_457, %swap3A_458, %swap3A_459] {strides = array<i32>} : memref<1x64x384xf32, #tpu.memory_space<vmem>>, vector<1x1x16xf32>,
        %swap3A_461 = vector.shape_cast %swap3A_460 : vector<1x1x16xf32> to vector<16xf32>
        %swap3A_462 = vector.shape_cast %mul3A_453 : vector<16xf32> to vector<1x1x16xf32>
        tpu.vector_store %arg9[%swap3A_457, %swap3A_458, %swap3A_459], %swap3A_462 {strides = array<i32>} : memref<1x64x384xf32, #tpu.memory_space<vmem>>, vector<1x1x16xf32>,
        %scan3A_463 = arith.constant 7 : i32
        %scan3A_464 = arith.addi %scan3A_297, %scan3A_463 : i32
        %mul3A_465 = arith.constant 1 : i32
        %mul3A_466 = arith.muli %scan3A_464, %mul3A_465 : i32
        %add3A_467 = arith.constant 0 : i32
        %add3A_468 = arith.addi %add3A_467, %mul3A_466 : i32
        %mul3A_469 = arith.constant 16 : i32
        %mul3A_470 = arith.muli %add3A_468, %mul3A_469 : i32
        %get3A_471 = arith.constant 0 : i32
        %get3A_472 = arith.index_cast %get3A_471 : i32 to index
        %get3A_473 = arith.index_cast %add3A_291 : i32 to index
        %get3A_474 = arith.index_cast %mul3A_470 : i32 to index
        %get3A_475 = tpu.vector_load %arg9[%get3A_472, %get3A_473, %get3A_474] {strides = array<i32>} : memref<1x64x384xf32, #tpu.memory_space<vmem>>, vector<1x1x16xf32>,
        %get3A_476 = vector.shape_cast %get3A_475 : vector<1x1x16xf32> to vector<16xf32>
        %mul3A_477 = arith.mulf %get3A_476, %get3A_108 : vector<16xf32>
        %mul3A_478 = arith.constant 16 : i32
        %mul3A_479 = arith.muli %add3A_468, %mul3A_478 : i32
        %swap3A_480 = arith.constant 0 : i32
        %swap3A_481 = arith.index_cast %swap3A_480 : i32 to index
        %swap3A_482 = arith.index_cast %add3A_291 : i32 to index
        %swap3A_483 = arith.index_cast %mul3A_479 : i32 to index
        %swap3A_484 = tpu.vector_load %arg9[%swap3A_481, %swap3A_482, %swap3A_483] {strides = array<i32>} : memref<1x64x384xf32, #tpu.memory_space<vmem>>, vector<1x1x16xf32>,
        %swap3A_485 = vector.shape_cast %swap3A_484 : vector<1x1x16xf32> to vector<16xf32>
        %swap3A_486 = vector.shape_cast %mul3A_477 : vector<16xf32> to vector<1x1x16xf32>
        tpu.vector_store %arg9[%swap3A_481, %swap3A_482, %swap3A_483], %swap3A_486 {strides = array<i32>} : memref<1x64x384xf32, #tpu.memory_space<vmem>>, vector<1x1x16xf32>,
      }
      %scan3A_296 = arith.constant 24 : i32
    }
    %scan3A_113 = arith.constant 64 : i32
    %mul3A_114 = arith.constant 49 : i32
    %mul3A_115 = arith.muli %add3A, %mul3A_114 : i32
    %add3A_116 = arith.constant 1 : i32
    %add3A_117 = arith.addi %mul3A_115, %add3A_116 : i32
    %dma_start3A_118 = arith.constant 0 : i32
    %dma_start3A_119 = arith.constant 0 : i32
    %dma_start3A_120 = tpu.memref_slice %arg5[%add3A_117, %dma_start3A_118, %dma_start3A_119] : memref<1568x64x384xf32, #tpu.memory_space<hbm>> -> memref<1x64x384xf32, #tpu.memory_space<hbm>>
    %dma_start3A_121 = arith.constant 0 : i32
    %dma_start3A_122 = arith.constant 0 : i32
    %dma_start3A_123 = tpu.memref_slice %arg5[%add3A_117, %dma_start3A_121, %dma_start3A_122] : memref<1568x64x384xf32, #tpu.memory_space<hbm>> -> memref<1x64x384xf32, #tpu.memory_space<hbm>>
    tpu.enqueue_dma source(%arg9 : memref<1x64x384xf32, #tpu.memory_space<vmem>>) target(%dma_start3A_123 : memref<1x64x384xf32, #tpu.memory_space<hbm>>) target_semaphore(%arg17 : memref<!tpu.dma_semaphore, #tpu.memory_space<semaphore_mem>>)
    %dma_wait3A_124 = arith.constant 0 : i32
    %dma_wait3A_125 = arith.constant 0 : i32
    %dma_wait3A_126 = arith.constant 0 : i32
    %dma_wait3A_127 = tpu.memref_slice %arg4[%dma_wait3A_124, %dma_wait3A_125, %dma_wait3A_126] : memref<392x64x384xf32, #tpu.memory_space<hbm>> -> memref<1x64x384xf32, #tpu.memory_space<hbm>>
    %dma_wait3A_128 = arith.constant 0 : i32
    %dma_wait3A_129 = arith.constant 0 : i32
    %dma_wait3A_130 = arith.constant 0 : i32
    %dma_wait3A_131 = tpu.memref_slice %arg4[%dma_wait3A_128, %dma_wait3A_129, %dma_wait3A_130] : memref<392x64x384xf32, #tpu.memory_space<hbm>> -> memref<1x64x384xf32, #tpu.memory_space<hbm>>
    tpu.wait_dma2 semaphore(%arg14 : memref<!tpu.dma_semaphore, #tpu.memory_space<semaphore_mem>>) src(%dma_wait3A_131 : memref<1x64x384xf32, #tpu.memory_space<hbm>>) dst(%arg10 : memref<1x64x384xf32, #tpu.memory_space<vmem>>)
    %dma_wait3A_132 = arith.constant 0 : i32
    %dma_wait3A_133 = arith.constant 0 : i32
    %dma_wait3A_134 = arith.constant 0 : i32
    %dma_wait3A_135 = tpu.memref_slice %arg5[%dma_wait3A_132, %dma_wait3A_133, %dma_wait3A_134] : memref<1568x64x384xf32, #tpu.memory_space<hbm>> -> memref<1x64x384xf32, #tpu.memory_space<hbm>>
    %dma_wait3A_136 = arith.constant 0 : i32
    %dma_wait3A_137 = arith.constant 0 : i32
    %dma_wait3A_138 = arith.constant 0 : i32
    %dma_wait3A_139 = tpu.memref_slice %arg5[%dma_wait3A_136, %dma_wait3A_137, %dma_wait3A_138] : memref<1568x64x384xf32, #tpu.memory_space<hbm>> -> memref<1x64x384xf32, #tpu.memory_space<hbm>>
    tpu.wait_dma2 semaphore(%arg17 : memref<!tpu.dma_semaphore, #tpu.memory_space<semaphore_mem>>) src(%arg9 : memref<1x64x384xf32, #tpu.memory_space<vmem>>) dst(%dma_wait3A_139 : memref<1x64x384xf32, #tpu.memory_space<hbm>>)
    %get3A_140 = arith.constant 0 : i32
    %get3A_141 = arith.index_cast %get3A_140 : i32 to index
    %get3A_142 = arith.constant 80 : index
    %get3A_143 = tpu.vector_load %arg6[%get3A_141, %get3A_142] {strides = array<i32>} : memref<8x128xi32, #tpu.memory_space<vmem>>, vector<1x16xi32>,
    %get3A_144 = vector.shape_cast %get3A_143 : vector<1x16xi32> to vector<16xi32>
    %slice3A_145 = vector.extract_strided_slice %get3A_144 {offsets = [0], sizes = [1], strides = [1]} : vector<16xi32> to vector<1xi32>
    %squeeze3A_146 = vector.extract %slice3A_145[0] : i32 from vector<1xi32>
    %dma_start3A_147 = arith.constant 0 : i32
    %dma_start3A_148 = arith.constant 0 : i32
    %dma_start3A_149 = tpu.memref_slice %arg4[%squeeze3A_146, %dma_start3A_147, %dma_start3A_148] : memref<392x64x384xf32, #tpu.memory_space<hbm>> -> memref<1x64x384xf32, #tpu.memory_space<hbm>>
    %dma_start3A_150 = arith.constant 0 : i32
    %dma_start3A_151 = arith.constant 0 : i32
    %dma_start3A_152 = tpu.memref_slice %arg4[%squeeze3A_146, %dma_start3A_150, %dma_start3A_151] : memref<392x64x384xf32, #tpu.memory_space<hbm>> -> memref<1x64x384xf32, #tpu.memory_space<hbm>>
    tpu.enqueue_dma source(%dma_start3A_152 : memref<1x64x384xf32, #tpu.memory_space<hbm>>) target(%arg9 : memref<1x64x384xf32, #tpu.memory_space<vmem>>) target_semaphore(%arg13 : memref<!tpu.dma_semaphore, #tpu.memory_space<semaphore_mem>>)
    %get3A_153 = arith.constant 0 : i32
    %get3A_154 = arith.index_cast %get3A_153 : i32 to index
    %get3A_155 = arith.constant 32 : index
    %get3A_156 = tpu.vector_load %arg7[%get3A_154, %get3A_155] {strides = array<i32>} : memref<8x128xf32, #tpu.memory_space<vmem>>, vector<1x16xf32>,
    %get3A_157 = vector.shape_cast %get3A_156 : vector<1x16xf32> to vector<16xf32>
    %scan3A_158 = arith.constant 0 : i32
    %scan3A_159 = arith.constant 64 : i32
    %scan3A_160 = arith.addi %scan3A_158, %scan3A_159 : i32
    %scan3A_161 = arith.constant 1 : i32
    scf.for %scan3A_287 = %scan3A_158 to %scan3A_160 step %scan3A_161  : i32 {
      %mul3A_288 = arith.constant 1 : i32
      %mul3A_289 = arith.muli %scan3A_287, %mul3A_288 : i32
      %add3A_290 = arith.constant 0 : i32
      %add3A_291 = arith.addi %add3A_290, %mul3A_289 : i32
      %scan3A_292 = arith.constant 0 : i32
      %scan3A_293 = arith.constant 24 : i32
      %scan3A_294 = arith.addi %scan3A_292, %scan3A_293 : i32
      %scan3A_295 = arith.constant 8 : i32
      scf.for %scan3A_297 = %scan3A_292 to %scan3A_294 step %scan3A_295  : i32 {
        %mul3A_298 = arith.constant 1 : i32
        %mul3A_299 = arith.muli %scan3A_297, %mul3A_298 : i32
        %add3A_300 = arith.constant 0 : i32
        %add3A_301 = arith.addi %add3A_300, %mul3A_299 : i32
        %mul3A_302 = arith.constant 16 : i32
        %mul3A_303 = arith.muli %add3A_301, %mul3A_302 : i32
        %get3A_304 = arith.constant 0 : i32
        %get3A_305 = arith.index_cast %get3A_304 : i32 to index
        %get3A_306 = arith.index_cast %add3A_291 : i32 to index
        %get3A_307 = arith.index_cast %mul3A_303 : i32 to index
        %get3A_308 = tpu.vector_load %arg10[%get3A_305, %get3A_306, %get3A_307] {strides = array<i32>} : memref<1x64x384xf32, #tpu.memory_space<vmem>>, vector<1x1x16xf32>,
        %get3A_309 = vector.shape_cast %get3A_308 : vector<1x1x16xf32> to vector<16xf32>
        %mul3A_310 = arith.mulf %get3A_309, %get3A_157 : vector<16xf32>
        %mul3A_311 = arith.constant 16 : i32
        %mul3A_312 = arith.muli %add3A_301, %mul3A_311 : i32
        %swap3A = arith.constant 0 : i32
        %swap3A_313 = arith.index_cast %swap3A : i32 to index
        %swap3A_314 = arith.index_cast %add3A_291 : i32 to index
        %swap3A_315 = arith.index_cast %mul3A_312 : i32 to index
        %swap3A_316 = tpu.vector_load %arg10[%swap3A_313, %swap3A_314, %swap3A_315] {strides = array<i32>} : memref<1x64x384xf32, #tpu.memory_space<vmem>>, vector<1x1x16xf32>,
        %swap3A_317 = vector.shape_cast %swap3A_316 : vector<1x1x16xf32> to vector<16xf32>
        %swap3A_318 = vector.shape_cast %mul3A_310 : vector<16xf32> to vector<1x1x16xf32>
        tpu.vector_store %arg10[%swap3A_313, %swap3A_314, %swap3A_315], %swap3A_318 {strides = array<i32>} : memref<1x64x384xf32, #tpu.memory_space<vmem>>, vector<1x1x16xf32>,
        %scan3A_319 = arith.constant 1 : i32
        %scan3A_320 = arith.addi %scan3A_297, %scan3A_319 : i32
        %mul3A_321 = arith.constant 1 : i32
        %mul3A_322 = arith.muli %scan3A_320, %mul3A_321 : i32
        %add3A_323 = arith.constant 0 : i32
        %add3A_324 = arith.addi %add3A_323, %mul3A_322 : i32
        %mul3A_325 = arith.constant 16 : i32
        %mul3A_326 = arith.muli %add3A_324, %mul3A_325 : i32
        %get3A_327 = arith.constant 0 : i32
        %get3A_328 = arith.index_cast %get3A_327 : i32 to index
        %get3A_329 = arith.index_cast %add3A_291 : i32 to index
        %get3A_330 = arith.index_cast %mul3A_326 : i32 to index
        %get3A_331 = tpu.vector_load %arg10[%get3A_328, %get3A_329, %get3A_330] {strides = array<i32>} : memref<1x64x384xf32, #tpu.memory_space<vmem>>, vector<1x1x16xf32>,
        %get3A_332 = vector.shape_cast %get3A_331 : vector<1x1x16xf32> to vector<16xf32>
        %mul3A_333 = arith.mulf %get3A_332, %get3A_157 : vector<16xf32>
        %mul3A_334 = arith.constant 16 : i32
        %mul3A_335 = arith.muli %add3A_324, %mul3A_334 : i32
        %swap3A_336 = arith.constant 0 : i32
        %swap3A_337 = arith.index_cast %swap3A_336 : i32 to index
        %swap3A_338 = arith.index_cast %add3A_291 : i32 to index
        %swap3A_339 = arith.index_cast %mul3A_335 : i32 to index
        %swap3A_340 = tpu.vector_load %arg10[%swap3A_337, %swap3A_338, %swap3A_339] {strides = array<i32>} : memref<1x64x384xf32, #tpu.memory_space<vmem>>, vector<1x1x16xf32>,
        %swap3A_341 = vector.shape_cast %swap3A_340 : vector<1x1x16xf32> to vector<16xf32>
        %swap3A_342 = vector.shape_cast %mul3A_333 : vector<16xf32> to vector<1x1x16xf32>
        tpu.vector_store %arg10[%swap3A_337, %swap3A_338, %swap3A_339], %swap3A_342 {strides = array<i32>} : memref<1x64x384xf32, #tpu.memory_space<vmem>>, vector<1x1x16xf32>,
        %scan3A_343 = arith.constant 2 : i32
        %scan3A_344 = arith.addi %scan3A_297, %scan3A_343 : i32
        %mul3A_345 = arith.constant 1 : i32
        %mul3A_346 = arith.muli %scan3A_344, %mul3A_345 : i32
        %add3A_347 = arith.constant 0 : i32
        %add3A_348 = arith.addi %add3A_347, %mul3A_346 : i32
        %mul3A_349 = arith.constant 16 : i32
        %mul3A_350 = arith.muli %add3A_348, %mul3A_349 : i32
        %get3A_351 = arith.constant 0 : i32
        %get3A_352 = arith.index_cast %get3A_351 : i32 to index
        %get3A_353 = arith.index_cast %add3A_291 : i32 to index
        %get3A_354 = arith.index_cast %mul3A_350 : i32 to index
        %get3A_355 = tpu.vector_load %arg10[%get3A_352, %get3A_353, %get3A_354] {strides = array<i32>} : memref<1x64x384xf32, #tpu.memory_space<vmem>>, vector<1x1x16xf32>,
        %get3A_356 = vector.shape_cast %get3A_355 : vector<1x1x16xf32> to vector<16xf32>
        %mul3A_357 = arith.mulf %get3A_356, %get3A_157 : vector<16xf32>
        %mul3A_358 = arith.constant 16 : i32
        %mul3A_359 = arith.muli %add3A_348, %mul3A_358 : i32
        %swap3A_360 = arith.constant 0 : i32
        %swap3A_361 = arith.index_cast %swap3A_360 : i32 to index
        %swap3A_362 = arith.index_cast %add3A_291 : i32 to index
        %swap3A_363 = arith.index_cast %mul3A_359 : i32 to index
        %swap3A_364 = tpu.vector_load %arg10[%swap3A_361, %swap3A_362, %swap3A_363] {strides = array<i32>} : memref<1x64x384xf32, #tpu.memory_space<vmem>>, vector<1x1x16xf32>,
        %swap3A_365 = vector.shape_cast %swap3A_364 : vector<1x1x16xf32> to vector<16xf32>
        %swap3A_366 = vector.shape_cast %mul3A_357 : vector<16xf32> to vector<1x1x16xf32>
        tpu.vector_store %arg10[%swap3A_361, %swap3A_362, %swap3A_363], %swap3A_366 {strides = array<i32>} : memref<1x64x384xf32, #tpu.memory_space<vmem>>, vector<1x1x16xf32>,
        %scan3A_367 = arith.constant 3 : i32
        %scan3A_368 = arith.addi %scan3A_297, %scan3A_367 : i32
        %mul3A_369 = arith.constant 1 : i32
        %mul3A_370 = arith.muli %scan3A_368, %mul3A_369 : i32
        %add3A_371 = arith.constant 0 : i32
        %add3A_372 = arith.addi %add3A_371, %mul3A_370 : i32
        %mul3A_373 = arith.constant 16 : i32
        %mul3A_374 = arith.muli %add3A_372, %mul3A_373 : i32
        %get3A_375 = arith.constant 0 : i32
        %get3A_376 = arith.index_cast %get3A_375 : i32 to index
        %get3A_377 = arith.index_cast %add3A_291 : i32 to index
        %get3A_378 = arith.index_cast %mul3A_374 : i32 to index
        %get3A_379 = tpu.vector_load %arg10[%get3A_376, %get3A_377, %get3A_378] {strides = array<i32>} : memref<1x64x384xf32, #tpu.memory_space<vmem>>, vector<1x1x16xf32>,
        %get3A_380 = vector.shape_cast %get3A_379 : vector<1x1x16xf32> to vector<16xf32>
        %mul3A_381 = arith.mulf %get3A_380, %get3A_157 : vector<16xf32>
        %mul3A_382 = arith.constant 16 : i32
        %mul3A_383 = arith.muli %add3A_372, %mul3A_382 : i32
        %swap3A_384 = arith.constant 0 : i32
        %swap3A_385 = arith.index_cast %swap3A_384 : i32 to index
        %swap3A_386 = arith.index_cast %add3A_291 : i32 to index
        %swap3A_387 = arith.index_cast %mul3A_383 : i32 to index
        %swap3A_388 = tpu.vector_load %arg10[%swap3A_385, %swap3A_386, %swap3A_387] {strides = array<i32>} : memref<1x64x384xf32, #tpu.memory_space<vmem>>, vector<1x1x16xf32>,
        %swap3A_389 = vector.shape_cast %swap3A_388 : vector<1x1x16xf32> to vector<16xf32>
        %swap3A_390 = vector.shape_cast %mul3A_381 : vector<16xf32> to vector<1x1x16xf32>
        tpu.vector_store %arg10[%swap3A_385, %swap3A_386, %swap3A_387], %swap3A_390 {strides = array<i32>} : memref<1x64x384xf32, #tpu.memory_space<vmem>>, vector<1x1x16xf32>,
        %scan3A_391 = arith.constant 4 : i32
        %scan3A_392 = arith.addi %scan3A_297, %scan3A_391 : i32
        %mul3A_393 = arith.constant 1 : i32
        %mul3A_394 = arith.muli %scan3A_392, %mul3A_393 : i32
        %add3A_395 = arith.constant 0 : i32
        %add3A_396 = arith.addi %add3A_395, %mul3A_394 : i32
        %mul3A_397 = arith.constant 16 : i32
        %mul3A_398 = arith.muli %add3A_396, %mul3A_397 : i32
        %get3A_399 = arith.constant 0 : i32
        %get3A_400 = arith.index_cast %get3A_399 : i32 to index
        %get3A_401 = arith.index_cast %add3A_291 : i32 to index
        %get3A_402 = arith.index_cast %mul3A_398 : i32 to index
        %get3A_403 = tpu.vector_load %arg10[%get3A_400, %get3A_401, %get3A_402] {strides = array<i32>} : memref<1x64x384xf32, #tpu.memory_space<vmem>>, vector<1x1x16xf32>,
        %get3A_404 = vector.shape_cast %get3A_403 : vector<1x1x16xf32> to vector<16xf32>
        %mul3A_405 = arith.mulf %get3A_404, %get3A_157 : vector<16xf32>
        %mul3A_406 = arith.constant 16 : i32
        %mul3A_407 = arith.muli %add3A_396, %mul3A_406 : i32
        %swap3A_408 = arith.constant 0 : i32
        %swap3A_409 = arith.index_cast %swap3A_408 : i32 to index
        %swap3A_410 = arith.index_cast %add3A_291 : i32 to index
        %swap3A_411 = arith.index_cast %mul3A_407 : i32 to index
        %swap3A_412 = tpu.vector_load %arg10[%swap3A_409, %swap3A_410, %swap3A_411] {strides = array<i32>} : memref<1x64x384xf32, #tpu.memory_space<vmem>>, vector<1x1x16xf32>,
        %swap3A_413 = vector.shape_cast %swap3A_412 : vector<1x1x16xf32> to vector<16xf32>
        %swap3A_414 = vector.shape_cast %mul3A_405 : vector<16xf32> to vector<1x1x16xf32>
        tpu.vector_store %arg10[%swap3A_409, %swap3A_410, %swap3A_411], %swap3A_414 {strides = array<i32>} : memref<1x64x384xf32, #tpu.memory_space<vmem>>, vector<1x1x16xf32>,
        %scan3A_415 = arith.constant 5 : i32
        %scan3A_416 = arith.addi %scan3A_297, %scan3A_415 : i32
        %mul3A_417 = arith.constant 1 : i32
        %mul3A_418 = arith.muli %scan3A_416, %mul3A_417 : i32
        %add3A_419 = arith.constant 0 : i32
        %add3A_420 = arith.addi %add3A_419, %mul3A_418 : i32
        %mul3A_421 = arith.constant 16 : i32
        %mul3A_422 = arith.muli %add3A_420, %mul3A_421 : i32
        %get3A_423 = arith.constant 0 : i32
        %get3A_424 = arith.index_cast %get3A_423 : i32 to index
        %get3A_425 = arith.index_cast %add3A_291 : i32 to index
        %get3A_426 = arith.index_cast %mul3A_422 : i32 to index
        %get3A_427 = tpu.vector_load %arg10[%get3A_424, %get3A_425, %get3A_426] {strides = array<i32>} : memref<1x64x384xf32, #tpu.memory_space<vmem>>, vector<1x1x16xf32>,
        %get3A_428 = vector.shape_cast %get3A_427 : vector<1x1x16xf32> to vector<16xf32>
        %mul3A_429 = arith.mulf %get3A_428, %get3A_157 : vector<16xf32>
        %mul3A_430 = arith.constant 16 : i32
        %mul3A_431 = arith.muli %add3A_420, %mul3A_430 : i32
        %swap3A_432 = arith.constant 0 : i32
        %swap3A_433 = arith.index_cast %swap3A_432 : i32 to index
        %swap3A_434 = arith.index_cast %add3A_291 : i32 to index
        %swap3A_435 = arith.index_cast %mul3A_431 : i32 to index
        %swap3A_436 = tpu.vector_load %arg10[%swap3A_433, %swap3A_434, %swap3A_435] {strides = array<i32>} : memref<1x64x384xf32, #tpu.memory_space<vmem>>, vector<1x1x16xf32>,
        %swap3A_437 = vector.shape_cast %swap3A_436 : vector<1x1x16xf32> to vector<16xf32>
        %swap3A_438 = vector.shape_cast %mul3A_429 : vector<16xf32> to vector<1x1x16xf32>
        tpu.vector_store %arg10[%swap3A_433, %swap3A_434, %swap3A_435], %swap3A_438 {strides = array<i32>} : memref<1x64x384xf32, #tpu.memory_space<vmem>>, vector<1x1x16xf32>,
        %scan3A_439 = arith.constant 6 : i32
        %scan3A_440 = arith.addi %scan3A_297, %scan3A_439 : i32
        %mul3A_441 = arith.constant 1 : i32
        %mul3A_442 = arith.muli %scan3A_440, %mul3A_441 : i32
        %add3A_443 = arith.constant 0 : i32
        %add3A_444 = arith.addi %add3A_443, %mul3A_442 : i32
        %mul3A_445 = arith.constant 16 : i32
        %mul3A_446 = arith.muli %add3A_444, %mul3A_445 : i32
        %get3A_447 = arith.constant 0 : i32
        %get3A_448 = arith.index_cast %get3A_447 : i32 to index
        %get3A_449 = arith.index_cast %add3A_291 : i32 to index
        %get3A_450 = arith.index_cast %mul3A_446 : i32 to index
        %get3A_451 = tpu.vector_load %arg10[%get3A_448, %get3A_449, %get3A_450] {strides = array<i32>} : memref<1x64x384xf32, #tpu.memory_space<vmem>>, vector<1x1x16xf32>,
        %get3A_452 = vector.shape_cast %get3A_451 : vector<1x1x16xf32> to vector<16xf32>
        %mul3A_453 = arith.mulf %get3A_452, %get3A_157 : vector<16xf32>
        %mul3A_454 = arith.constant 16 : i32
        %mul3A_455 = arith.muli %add3A_444, %mul3A_454 : i32
        %swap3A_456 = arith.constant 0 : i32
        %swap3A_457 = arith.index_cast %swap3A_456 : i32 to index
        %swap3A_458 = arith.index_cast %add3A_291 : i32 to index
        %swap3A_459 = arith.index_cast %mul3A_455 : i32 to index
        %swap3A_460 = tpu.vector_load %arg10[%swap3A_457, %swap3A_458, %swap3A_459] {strides = array<i32>} : memref<1x64x384xf32, #tpu.memory_space<vmem>>, vector<1x1x16xf32>,
        %swap3A_461 = vector.shape_cast %swap3A_460 : vector<1x1x16xf32> to vector<16xf32>
        %swap3A_462 = vector.shape_cast %mul3A_453 : vector<16xf32> to vector<1x1x16xf32>
        tpu.vector_store %arg10[%swap3A_457, %swap3A_458, %swap3A_459], %swap3A_462 {strides = array<i32>} : memref<1x64x384xf32, #tpu.memory_space<vmem>>, vector<1x1x16xf32>,
        %scan3A_463 = arith.constant 7 : i32
        %scan3A_464 = arith.addi %scan3A_297, %scan3A_463 : i32
        %mul3A_465 = arith.constant 1 : i32
        %mul3A_466 = arith.muli %scan3A_464, %mul3A_465 : i32
        %add3A_467 = arith.constant 0 : i32
        %add3A_468 = arith.addi %add3A_467, %mul3A_466 : i32
        %mul3A_469 = arith.constant 16 : i32
        %mul3A_470 = arith.muli %add3A_468, %mul3A_469 : i32
        %get3A_471 = arith.constant 0 : i32
        %get3A_472 = arith.index_cast %get3A_471 : i32 to index
        %get3A_473 = arith.index_cast %add3A_291 : i32 to index
        %get3A_474 = arith.index_cast %mul3A_470 : i32 to index
        %get3A_475 = tpu.vector_load %arg10[%get3A_472, %get3A_473, %get3A_474] {strides = array<i32>} : memref<1x64x384xf32, #tpu.memory_space<vmem>>, vector<1x1x16xf32>,
        %get3A_476 = vector.shape_cast %get3A_475 : vector<1x1x16xf32> to vector<16xf32>
        %mul3A_477 = arith.mulf %get3A_476, %get3A_157 : vector<16xf32>
        %mul3A_478 = arith.constant 16 : i32
        %mul3A_479 = arith.muli %add3A_468, %mul3A_478 : i32
        %swap3A_480 = arith.constant 0 : i32
        %swap3A_481 = arith.index_cast %swap3A_480 : i32 to index
        %swap3A_482 = arith.index_cast %add3A_291 : i32 to index
        %swap3A_483 = arith.index_cast %mul3A_479 : i32 to index
        %swap3A_484 = tpu.vector_load %arg10[%swap3A_481, %swap3A_482, %swap3A_483] {strides = array<i32>} : memref<1x64x384xf32, #tpu.memory_space<vmem>>, vector<1x1x16xf32>,
        %swap3A_485 = vector.shape_cast %swap3A_484 : vector<1x1x16xf32> to vector<16xf32>
        %swap3A_486 = vector.shape_cast %mul3A_477 : vector<16xf32> to vector<1x1x16xf32>
        tpu.vector_store %arg10[%swap3A_481, %swap3A_482, %swap3A_483], %swap3A_486 {strides = array<i32>} : memref<1x64x384xf32, #tpu.memory_space<vmem>>, vector<1x1x16xf32>,
      }
      %scan3A_296 = arith.constant 24 : i32
    }
    %scan3A_162 = arith.constant 64 : i32
    %mul3A_163 = arith.constant 49 : i32
    %mul3A_164 = arith.muli %add3A, %mul3A_163 : i32
    %add3A_165 = arith.constant 2 : i32
    %add3A_166 = arith.addi %mul3A_164, %add3A_165 : i32
    %dma_start3A_167 = arith.constant 0 : i32
    %dma_start3A_168 = arith.constant 0 : i32
    %dma_start3A_169 = tpu.memref_slice %arg5[%add3A_166, %dma_start3A_167, %dma_start3A_168] : memref<1568x64x384xf32, #tpu.memory_space<hbm>> -> memref<1x64x384xf32, #tpu.memory_space<hbm>>
    %dma_start3A_170 = arith.constant 0 : i32
    %dma_start3A_171 = arith.constant 0 : i32
    %dma_start3A_172 = tpu.memref_slice %arg5[%add3A_166, %dma_start3A_170, %dma_start3A_171] : memref<1568x64x384xf32, #tpu.memory_space<hbm>> -> memref<1x64x384xf32, #tpu.memory_space<hbm>>
    tpu.enqueue_dma source(%arg10 : memref<1x64x384xf32, #tpu.memory_space<vmem>>) target(%dma_start3A_172 : memref<1x64x384xf32, #tpu.memory_space<hbm>>) target_semaphore(%arg18 : memref<!tpu.dma_semaphore, #tpu.memory_space<semaphore_mem>>)
    %dma_wait3A_173 = arith.constant 0 : i32
    %dma_wait3A_174 = arith.constant 0 : i32
    %dma_wait3A_175 = arith.constant 0 : i32
    %dma_wait3A_176 = tpu.memref_slice %arg4[%dma_wait3A_173, %dma_wait3A_174, %dma_wait3A_175] : memref<392x64x384xf32, #tpu.memory_space<hbm>> -> memref<1x64x384xf32, #tpu.memory_space<hbm>>
    %dma_wait3A_177 = arith.constant 0 : i32
    %dma_wait3A_178 = arith.constant 0 : i32
    %dma_wait3A_179 = arith.constant 0 : i32
    %dma_wait3A_180 = tpu.memref_slice %arg4[%dma_wait3A_177, %dma_wait3A_178, %dma_wait3A_179] : memref<392x64x384xf32, #tpu.memory_space<hbm>> -> memref<1x64x384xf32, #tpu.memory_space<hbm>>
    tpu.wait_dma2 semaphore(%arg15 : memref<!tpu.dma_semaphore, #tpu.memory_space<semaphore_mem>>) src(%dma_wait3A_180 : memref<1x64x384xf32, #tpu.memory_space<hbm>>) dst(%arg11 : memref<1x64x384xf32, #tpu.memory_space<vmem>>)
    %dma_wait3A_181 = arith.constant 0 : i32
    %dma_wait3A_182 = arith.constant 0 : i32
    %dma_wait3A_183 = arith.constant 0 : i32
    %dma_wait3A_184 = tpu.memref_slice %arg5[%dma_wait3A_181, %dma_wait3A_182, %dma_wait3A_183] : memref<1568x64x384xf32, #tpu.memory_space<hbm>> -> memref<1x64x384xf32, #tpu.memory_space<hbm>>
    %dma_wait3A_185 = arith.constant 0 : i32
    %dma_wait3A_186 = arith.constant 0 : i32
    %dma_wait3A_187 = arith.constant 0 : i32
    %dma_wait3A_188 = tpu.memref_slice %arg5[%dma_wait3A_185, %dma_wait3A_186, %dma_wait3A_187] : memref<1568x64x384xf32, #tpu.memory_space<hbm>> -> memref<1x64x384xf32, #tpu.memory_space<hbm>>
    tpu.wait_dma2 semaphore(%arg18 : memref<!tpu.dma_semaphore, #tpu.memory_space<semaphore_mem>>) src(%arg10 : memref<1x64x384xf32, #tpu.memory_space<vmem>>) dst(%dma_wait3A_188 : memref<1x64x384xf32, #tpu.memory_space<hbm>>)
    %get3A_189 = arith.constant 0 : i32
    %get3A_190 = arith.index_cast %get3A_189 : i32 to index
    %get3A_191 = arith.constant 96 : index
    %get3A_192 = tpu.vector_load %arg6[%get3A_190, %get3A_191] {strides = array<i32>} : memref<8x128xi32, #tpu.memory_space<vmem>>, vector<1x16xi32>,
    %get3A_193 = vector.shape_cast %get3A_192 : vector<1x16xi32> to vector<16xi32>
    %slice3A_194 = vector.extract_strided_slice %get3A_193 {offsets = [0], sizes = [1], strides = [1]} : vector<16xi32> to vector<1xi32>
    %squeeze3A_195 = vector.extract %slice3A_194[0] : i32 from vector<1xi32>
    %dma_start3A_196 = arith.constant 0 : i32
    %dma_start3A_197 = arith.constant 0 : i32
    %dma_start3A_198 = tpu.memref_slice %arg4[%squeeze3A_195, %dma_start3A_196, %dma_start3A_197] : memref<392x64x384xf32, #tpu.memory_space<hbm>> -> memref<1x64x384xf32, #tpu.memory_space<hbm>>
    %dma_start3A_199 = arith.constant 0 : i32
    %dma_start3A_200 = arith.constant 0 : i32
    %dma_start3A_201 = tpu.memref_slice %arg4[%squeeze3A_195, %dma_start3A_199, %dma_start3A_200] : memref<392x64x384xf32, #tpu.memory_space<hbm>> -> memref<1x64x384xf32, #tpu.memory_space<hbm>>
    tpu.enqueue_dma source(%dma_start3A_201 : memref<1x64x384xf32, #tpu.memory_space<hbm>>) target(%arg10 : memref<1x64x384xf32, #tpu.memory_space<vmem>>) target_semaphore(%arg14 : memref<!tpu.dma_semaphore, #tpu.memory_space<semaphore_mem>>)
    %get3A_202 = arith.constant 0 : i32
    %get3A_203 = arith.index_cast %get3A_202 : i32 to index
    %get3A_204 = arith.constant 48 : index
    %get3A_205 = tpu.vector_load %arg7[%get3A_203, %get3A_204] {strides = array<i32>} : memref<8x128xf32, #tpu.memory_space<vmem>>, vector<1x16xf32>,
    %get3A_206 = vector.shape_cast %get3A_205 : vector<1x16xf32> to vector<16xf32>
    %scan3A_207 = arith.constant 0 : i32
    %scan3A_208 = arith.constant 64 : i32
    %scan3A_209 = arith.addi %scan3A_207, %scan3A_208 : i32
    %scan3A_210 = arith.constant 1 : i32
    scf.for %scan3A_287 = %scan3A_207 to %scan3A_209 step %scan3A_210  : i32 {
      %mul3A_288 = arith.constant 1 : i32
      %mul3A_289 = arith.muli %scan3A_287, %mul3A_288 : i32
      %add3A_290 = arith.constant 0 : i32
      %add3A_291 = arith.addi %add3A_290, %mul3A_289 : i32
      %scan3A_292 = arith.constant 0 : i32
      %scan3A_293 = arith.constant 24 : i32
      %scan3A_294 = arith.addi %scan3A_292, %scan3A_293 : i32
      %scan3A_295 = arith.constant 8 : i32
      scf.for %scan3A_297 = %scan3A_292 to %scan3A_294 step %scan3A_295  : i32 {
        %mul3A_298 = arith.constant 1 : i32
        %mul3A_299 = arith.muli %scan3A_297, %mul3A_298 : i32
        %add3A_300 = arith.constant 0 : i32
        %add3A_301 = arith.addi %add3A_300, %mul3A_299 : i32
        %mul3A_302 = arith.constant 16 : i32
        %mul3A_303 = arith.muli %add3A_301, %mul3A_302 : i32
        %get3A_304 = arith.constant 0 : i32
        %get3A_305 = arith.index_cast %get3A_304 : i32 to index
        %get3A_306 = arith.index_cast %add3A_291 : i32 to index
        %get3A_307 = arith.index_cast %mul3A_303 : i32 to index
        %get3A_308 = tpu.vector_load %arg11[%get3A_305, %get3A_306, %get3A_307] {strides = array<i32>} : memref<1x64x384xf32, #tpu.memory_space<vmem>>, vector<1x1x16xf32>,
        %get3A_309 = vector.shape_cast %get3A_308 : vector<1x1x16xf32> to vector<16xf32>
        %mul3A_310 = arith.mulf %get3A_309, %get3A_206 : vector<16xf32>
        %mul3A_311 = arith.constant 16 : i32
        %mul3A_312 = arith.muli %add3A_301, %mul3A_311 : i32
        %swap3A = arith.constant 0 : i32
        %swap3A_313 = arith.index_cast %swap3A : i32 to index
        %swap3A_314 = arith.index_cast %add3A_291 : i32 to index
        %swap3A_315 = arith.index_cast %mul3A_312 : i32 to index
        %swap3A_316 = tpu.vector_load %arg11[%swap3A_313, %swap3A_314, %swap3A_315] {strides = array<i32>} : memref<1x64x384xf32, #tpu.memory_space<vmem>>, vector<1x1x16xf32>,
        %swap3A_317 = vector.shape_cast %swap3A_316 : vector<1x1x16xf32> to vector<16xf32>
        %swap3A_318 = vector.shape_cast %mul3A_310 : vector<16xf32> to vector<1x1x16xf32>
        tpu.vector_store %arg11[%swap3A_313, %swap3A_314, %swap3A_315], %swap3A_318 {strides = array<i32>} : memref<1x64x384xf32, #tpu.memory_space<vmem>>, vector<1x1x16xf32>,
        %scan3A_319 = arith.constant 1 : i32
        %scan3A_320 = arith.addi %scan3A_297, %scan3A_319 : i32
        %mul3A_321 = arith.constant 1 : i32
        %mul3A_322 = arith.muli %scan3A_320, %mul3A_321 : i32
        %add3A_323 = arith.constant 0 : i32
        %add3A_324 = arith.addi %add3A_323, %mul3A_322 : i32
        %mul3A_325 = arith.constant 16 : i32
        %mul3A_326 = arith.muli %add3A_324, %mul3A_325 : i32
        %get3A_327 = arith.constant 0 : i32
        %get3A_328 = arith.index_cast %get3A_327 : i32 to index
        %get3A_329 = arith.index_cast %add3A_291 : i32 to index
        %get3A_330 = arith.index_cast %mul3A_326 : i32 to index
        %get3A_331 = tpu.vector_load %arg11[%get3A_328, %get3A_329, %get3A_330] {strides = array<i32>} : memref<1x64x384xf32, #tpu.memory_space<vmem>>, vector<1x1x16xf32>,
        %get3A_332 = vector.shape_cast %get3A_331 : vector<1x1x16xf32> to vector<16xf32>
        %mul3A_333 = arith.mulf %get3A_332, %get3A_206 : vector<16xf32>
        %mul3A_334 = arith.constant 16 : i32
        %mul3A_335 = arith.muli %add3A_324, %mul3A_334 : i32
        %swap3A_336 = arith.constant 0 : i32
        %swap3A_337 = arith.index_cast %swap3A_336 : i32 to index
        %swap3A_338 = arith.index_cast %add3A_291 : i32 to index
        %swap3A_339 = arith.index_cast %mul3A_335 : i32 to index
        %swap3A_340 = tpu.vector_load %arg11[%swap3A_337, %swap3A_338, %swap3A_339] {strides = array<i32>} : memref<1x64x384xf32, #tpu.memory_space<vmem>>, vector<1x1x16xf32>,
        %swap3A_341 = vector.shape_cast %swap3A_340 : vector<1x1x16xf32> to vector<16xf32>
        %swap3A_342 = vector.shape_cast %mul3A_333 : vector<16xf32> to vector<1x1x16xf32>
        tpu.vector_store %arg11[%swap3A_337, %swap3A_338, %swap3A_339], %swap3A_342 {strides = array<i32>} : memref<1x64x384xf32, #tpu.memory_space<vmem>>, vector<1x1x16xf32>,
        %scan3A_343 = arith.constant 2 : i32
        %scan3A_344 = arith.addi %scan3A_297, %scan3A_343 : i32
        %mul3A_345 = arith.constant 1 : i32
        %mul3A_346 = arith.muli %scan3A_344, %mul3A_345 : i32
        %add3A_347 = arith.constant 0 : i32
        %add3A_348 = arith.addi %add3A_347, %mul3A_346 : i32
        %mul3A_349 = arith.constant 16 : i32
        %mul3A_350 = arith.muli %add3A_348, %mul3A_349 : i32
        %get3A_351 = arith.constant 0 : i32
        %get3A_352 = arith.index_cast %get3A_351 : i32 to index
        %get3A_353 = arith.index_cast %add3A_291 : i32 to index
        %get3A_354 = arith.index_cast %mul3A_350 : i32 to index
        %get3A_355 = tpu.vector_load %arg11[%get3A_352, %get3A_353, %get3A_354] {strides = array<i32>} : memref<1x64x384xf32, #tpu.memory_space<vmem>>, vector<1x1x16xf32>,
        %get3A_356 = vector.shape_cast %get3A_355 : vector<1x1x16xf32> to vector<16xf32>
        %mul3A_357 = arith.mulf %get3A_356, %get3A_206 : vector<16xf32>
        %mul3A_358 = arith.constant 16 : i32
        %mul3A_359 = arith.muli %add3A_348, %mul3A_358 : i32
        %swap3A_360 = arith.constant 0 : i32
        %swap3A_361 = arith.index_cast %swap3A_360 : i32 to index
        %swap3A_362 = arith.index_cast %add3A_291 : i32 to index
        %swap3A_363 = arith.index_cast %mul3A_359 : i32 to index
        %swap3A_364 = tpu.vector_load %arg11[%swap3A_361, %swap3A_362, %swap3A_363] {strides = array<i32>} : memref<1x64x384xf32, #tpu.memory_space<vmem>>, vector<1x1x16xf32>,
        %swap3A_365 = vector.shape_cast %swap3A_364 : vector<1x1x16xf32> to vector<16xf32>
        %swap3A_366 = vector.shape_cast %mul3A_357 : vector<16xf32> to vector<1x1x16xf32>
        tpu.vector_store %arg11[%swap3A_361, %swap3A_362, %swap3A_363], %swap3A_366 {strides = array<i32>} : memref<1x64x384xf32, #tpu.memory_space<vmem>>, vector<1x1x16xf32>,
        %scan3A_367 = arith.constant 3 : i32
        %scan3A_368 = arith.addi %scan3A_297, %scan3A_367 : i32
        %mul3A_369 = arith.constant 1 : i32
        %mul3A_370 = arith.muli %scan3A_368, %mul3A_369 : i32
        %add3A_371 = arith.constant 0 : i32
        %add3A_372 = arith.addi %add3A_371, %mul3A_370 : i32
        %mul3A_373 = arith.constant 16 : i32
        %mul3A_374 = arith.muli %add3A_372, %mul3A_373 : i32
        %get3A_375 = arith.constant 0 : i32
        %get3A_376 = arith.index_cast %get3A_375 : i32 to index
        %get3A_377 = arith.index_cast %add3A_291 : i32 to index
        %get3A_378 = arith.index_cast %mul3A_374 : i32 to index
        %get3A_379 = tpu.vector_load %arg11[%get3A_376, %get3A_377, %get3A_378] {strides = array<i32>} : memref<1x64x384xf32, #tpu.memory_space<vmem>>, vector<1x1x16xf32>,
        %get3A_380 = vector.shape_cast %get3A_379 : vector<1x1x16xf32> to vector<16xf32>
        %mul3A_381 = arith.mulf %get3A_380, %get3A_206 : vector<16xf32>
        %mul3A_382 = arith.constant 16 : i32
        %mul3A_383 = arith.muli %add3A_372, %mul3A_382 : i32
        %swap3A_384 = arith.constant 0 : i32
        %swap3A_385 = arith.index_cast %swap3A_384 : i32 to index
        %swap3A_386 = arith.index_cast %add3A_291 : i32 to index
        %swap3A_387 = arith.index_cast %mul3A_383 : i32 to index
        %swap3A_388 = tpu.vector_load %arg11[%swap3A_385, %swap3A_386, %swap3A_387] {strides = array<i32>} : memref<1x64x384xf32, #tpu.memory_space<vmem>>, vector<1x1x16xf32>,
        %swap3A_389 = vector.shape_cast %swap3A_388 : vector<1x1x16xf32> to vector<16xf32>
        %swap3A_390 = vector.shape_cast %mul3A_381 : vector<16xf32> to vector<1x1x16xf32>
        tpu.vector_store %arg11[%swap3A_385, %swap3A_386, %swap3A_387], %swap3A_390 {strides = array<i32>} : memref<1x64x384xf32, #tpu.memory_space<vmem>>, vector<1x1x16xf32>,
        %scan3A_391 = arith.constant 4 : i32
        %scan3A_392 = arith.addi %scan3A_297, %scan3A_391 : i32
        %mul3A_393 = arith.constant 1 : i32
        %mul3A_394 = arith.muli %scan3A_392, %mul3A_393 : i32
        %add3A_395 = arith.constant 0 : i32
        %add3A_396 = arith.addi %add3A_395, %mul3A_394 : i32
        %mul3A_397 = arith.constant 16 : i32
        %mul3A_398 = arith.muli %add3A_396, %mul3A_397 : i32
        %get3A_399 = arith.constant 0 : i32
        %get3A_400 = arith.index_cast %get3A_399 : i32 to index
        %get3A_401 = arith.index_cast %add3A_291 : i32 to index
        %get3A_402 = arith.index_cast %mul3A_398 : i32 to index
        %get3A_403 = tpu.vector_load %arg11[%get3A_400, %get3A_401, %get3A_402] {strides = array<i32>} : memref<1x64x384xf32, #tpu.memory_space<vmem>>, vector<1x1x16xf32>,
        %get3A_404 = vector.shape_cast %get3A_403 : vector<1x1x16xf32> to vector<16xf32>
        %mul3A_405 = arith.mulf %get3A_404, %get3A_206 : vector<16xf32>
        %mul3A_406 = arith.constant 16 : i32
        %mul3A_407 = arith.muli %add3A_396, %mul3A_406 : i32
        %swap3A_408 = arith.constant 0 : i32
        %swap3A_409 = arith.index_cast %swap3A_408 : i32 to index
        %swap3A_410 = arith.index_cast %add3A_291 : i32 to index
        %swap3A_411 = arith.index_cast %mul3A_407 : i32 to index
        %swap3A_412 = tpu.vector_load %arg11[%swap3A_409, %swap3A_410, %swap3A_411] {strides = array<i32>} : memref<1x64x384xf32, #tpu.memory_space<vmem>>, vector<1x1x16xf32>,
        %swap3A_413 = vector.shape_cast %swap3A_412 : vector<1x1x16xf32> to vector<16xf32>
        %swap3A_414 = vector.shape_cast %mul3A_405 : vector<16xf32> to vector<1x1x16xf32>
        tpu.vector_store %arg11[%swap3A_409, %swap3A_410, %swap3A_411], %swap3A_414 {strides = array<i32>} : memref<1x64x384xf32, #tpu.memory_space<vmem>>, vector<1x1x16xf32>,
        %scan3A_415 = arith.constant 5 : i32
        %scan3A_416 = arith.addi %scan3A_297, %scan3A_415 : i32
        %mul3A_417 = arith.constant 1 : i32
        %mul3A_418 = arith.muli %scan3A_416, %mul3A_417 : i32
        %add3A_419 = arith.constant 0 : i32
        %add3A_420 = arith.addi %add3A_419, %mul3A_418 : i32
        %mul3A_421 = arith.constant 16 : i32
        %mul3A_422 = arith.muli %add3A_420, %mul3A_421 : i32
        %get3A_423 = arith.constant 0 : i32
        %get3A_424 = arith.index_cast %get3A_423 : i32 to index
        %get3A_425 = arith.index_cast %add3A_291 : i32 to index
        %get3A_426 = arith.index_cast %mul3A_422 : i32 to index
        %get3A_427 = tpu.vector_load %arg11[%get3A_424, %get3A_425, %get3A_426] {strides = array<i32>} : memref<1x64x384xf32, #tpu.memory_space<vmem>>, vector<1x1x16xf32>,
        %get3A_428 = vector.shape_cast %get3A_427 : vector<1x1x16xf32> to vector<16xf32>
        %mul3A_429 = arith.mulf %get3A_428, %get3A_206 : vector<16xf32>
        %mul3A_430 = arith.constant 16 : i32
        %mul3A_431 = arith.muli %add3A_420, %mul3A_430 : i32
        %swap3A_432 = arith.constant 0 : i32
        %swap3A_433 = arith.index_cast %swap3A_432 : i32 to index
        %swap3A_434 = arith.index_cast %add3A_291 : i32 to index
        %swap3A_435 = arith.index_cast %mul3A_431 : i32 to index
        %swap3A_436 = tpu.vector_load %arg11[%swap3A_433, %swap3A_434, %swap3A_435] {strides = array<i32>} : memref<1x64x384xf32, #tpu.memory_space<vmem>>, vector<1x1x16xf32>,
        %swap3A_437 = vector.shape_cast %swap3A_436 : vector<1x1x16xf32> to vector<16xf32>
        %swap3A_438 = vector.shape_cast %mul3A_429 : vector<16xf32> to vector<1x1x16xf32>
        tpu.vector_store %arg11[%swap3A_433, %swap3A_434, %swap3A_435], %swap3A_438 {strides = array<i32>} : memref<1x64x384xf32, #tpu.memory_space<vmem>>, vector<1x1x16xf32>,
        %scan3A_439 = arith.constant 6 : i32
        %scan3A_440 = arith.addi %scan3A_297, %scan3A_439 : i32
        %mul3A_441 = arith.constant 1 : i32
        %mul3A_442 = arith.muli %scan3A_440, %mul3A_441 : i32
        %add3A_443 = arith.constant 0 : i32
        %add3A_444 = arith.addi %add3A_443, %mul3A_442 : i32
        %mul3A_445 = arith.constant 16 : i32
        %mul3A_446 = arith.muli %add3A_444, %mul3A_445 : i32
        %get3A_447 = arith.constant 0 : i32
        %get3A_448 = arith.index_cast %get3A_447 : i32 to index
        %get3A_449 = arith.index_cast %add3A_291 : i32 to index
        %get3A_450 = arith.index_cast %mul3A_446 : i32 to index
        %get3A_451 = tpu.vector_load %arg11[%get3A_448, %get3A_449, %get3A_450] {strides = array<i32>} : memref<1x64x384xf32, #tpu.memory_space<vmem>>, vector<1x1x16xf32>,
        %get3A_452 = vector.shape_cast %get3A_451 : vector<1x1x16xf32> to vector<16xf32>
        %mul3A_453 = arith.mulf %get3A_452, %get3A_206 : vector<16xf32>
        %mul3A_454 = arith.constant 16 : i32
        %mul3A_455 = arith.muli %add3A_444, %mul3A_454 : i32
        %swap3A_456 = arith.constant 0 : i32
        %swap3A_457 = arith.index_cast %swap3A_456 : i32 to index
        %swap3A_458 = arith.index_cast %add3A_291 : i32 to index
        %swap3A_459 = arith.index_cast %mul3A_455 : i32 to index
        %swap3A_460 = tpu.vector_load %arg11[%swap3A_457, %swap3A_458, %swap3A_459] {strides = array<i32>} : memref<1x64x384xf32, #tpu.memory_space<vmem>>, vector<1x1x16xf32>,
        %swap3A_461 = vector.shape_cast %swap3A_460 : vector<1x1x16xf32> to vector<16xf32>
        %swap3A_462 = vector.shape_cast %mul3A_453 : vector<16xf32> to vector<1x1x16xf32>
        tpu.vector_store %arg11[%swap3A_457, %swap3A_458, %swap3A_459], %swap3A_462 {strides = array<i32>} : memref<1x64x384xf32, #tpu.memory_space<vmem>>, vector<1x1x16xf32>,
        %scan3A_463 = arith.constant 7 : i32
        %scan3A_464 = arith.addi %scan3A_297, %scan3A_463 : i32
        %mul3A_465 = arith.constant 1 : i32
        %mul3A_466 = arith.muli %scan3A_464, %mul3A_465 : i32
        %add3A_467 = arith.constant 0 : i32
        %add3A_468 = arith.addi %add3A_467, %mul3A_466 : i32
        %mul3A_469 = arith.constant 16 : i32
        %mul3A_470 = arith.muli %add3A_468, %mul3A_469 : i32
        %get3A_471 = arith.constant 0 : i32
        %get3A_472 = arith.index_cast %get3A_471 : i32 to index
        %get3A_473 = arith.index_cast %add3A_291 : i32 to index
        %get3A_474 = arith.index_cast %mul3A_470 : i32 to index
        %get3A_475 = tpu.vector_load %arg11[%get3A_472, %get3A_473, %get3A_474] {strides = array<i32>} : memref<1x64x384xf32, #tpu.memory_space<vmem>>, vector<1x1x16xf32>,
        %get3A_476 = vector.shape_cast %get3A_475 : vector<1x1x16xf32> to vector<16xf32>
        %mul3A_477 = arith.mulf %get3A_476, %get3A_206 : vector<16xf32>
        %mul3A_478 = arith.constant 16 : i32
        %mul3A_479 = arith.muli %add3A_468, %mul3A_478 : i32
        %swap3A_480 = arith.constant 0 : i32
        %swap3A_481 = arith.index_cast %swap3A_480 : i32 to index
        %swap3A_482 = arith.index_cast %add3A_291 : i32 to index
        %swap3A_483 = arith.index_cast %mul3A_479 : i32 to index
        %swap3A_484 = tpu.vector_load %arg11[%swap3A_481, %swap3A_482, %swap3A_483] {strides = array<i32>} : memref<1x64x384xf32, #tpu.memory_space<vmem>>, vector<1x1x16xf32>,
        %swap3A_485 = vector.shape_cast %swap3A_484 : vector<1x1x16xf32> to vector<16xf32>
        %swap3A_486 = vector.shape_cast %mul3A_477 : vector<16xf32> to vector<1x1x16xf32>
        tpu.vector_store %arg11[%swap3A_481, %swap3A_482, %swap3A_483], %swap3A_486 {strides = array<i32>} : memref<1x64x384xf32, #tpu.memory_space<vmem>>, vector<1x1x16xf32>,
      }
      %scan3A_296 = arith.constant 24 : i32
    }
    %scan3A_211 = arith.constant 64 : i32
    %mul3A_212 = arith.constant 49 : i32
    %mul3A_213 = arith.muli %add3A, %mul3A_212 : i32
    %add3A_214 = arith.constant 3 : i32
    %add3A_215 = arith.addi %mul3A_213, %add3A_214 : i32
    %dma_start3A_216 = arith.constant 0 : i32
    %dma_start3A_217 = arith.constant 0 : i32
    %dma_start3A_218 = tpu.memref_slice %arg5[%add3A_215, %dma_start3A_216, %dma_start3A_217] : memref<1568x64x384xf32, #tpu.memory_space<hbm>> -> memref<1x64x384xf32, #tpu.memory_space<hbm>>
    %dma_start3A_219 = arith.constant 0 : i32
    %dma_start3A_220 = arith.constant 0 : i32
    %dma_start3A_221 = tpu.memref_slice %arg5[%add3A_215, %dma_start3A_219, %dma_start3A_220] : memref<1568x64x384xf32, #tpu.memory_space<hbm>> -> memref<1x64x384xf32, #tpu.memory_space<hbm>>
    tpu.enqueue_dma source(%arg11 : memref<1x64x384xf32, #tpu.memory_space<vmem>>) target(%dma_start3A_221 : memref<1x64x384xf32, #tpu.memory_space<hbm>>) target_semaphore(%arg19 : memref<!tpu.dma_semaphore, #tpu.memory_space<semaphore_mem>>)
    %scan3A_222 = arith.constant 0 : i32
    %scan3A_223 = arith.constant 11 : i32
    %scan3A_224 = arith.addi %scan3A_222, %scan3A_223 : i32
    %scan3A_225 = arith.constant 1 : i32
    scf.for %scan3A_287 = %scan3A_222 to %scan3A_224 step %scan3A_225  : i32 {
      %mul3A_288 = arith.constant 4 : i32
      %mul3A_289 = arith.muli %scan3A_287, %mul3A_288 : i32
      %add3A_290 = arith.constant 4 : i32
      %add3A_291 = arith.addi %add3A_290, %mul3A_289 : i32
      %add3A_292 = arith.constant 0 : i32
      %add3A_293 = arith.addi %add3A_291, %add3A_292 : i32
      %dma_wait3A_294 = arith.constant 0 : i32
      %dma_wait3A_295 = arith.constant 0 : i32
      %dma_wait3A_296 = arith.constant 0 : i32
      %dma_wait3A_297 = tpu.memref_slice %arg4[%dma_wait3A_294, %dma_wait3A_295, %dma_wait3A_296] : memref<392x64x384xf32, #tpu.memory_space<hbm>> -> memref<1x64x384xf32, #tpu.memory_space<hbm>>
      %dma_wait3A_298 = arith.constant 0 : i32
      %dma_wait3A_299 = arith.constant 0 : i32
      %dma_wait3A_300 = arith.constant 0 : i32
      %dma_wait3A_301 = tpu.memref_slice %arg4[%dma_wait3A_298, %dma_wait3A_299, %dma_wait3A_300] : memref<392x64x384xf32, #tpu.memory_space<hbm>> -> memref<1x64x384xf32, #tpu.memory_space<hbm>>
      tpu.wait_dma2 semaphore(%arg12 : memref<!tpu.dma_semaphore, #tpu.memory_space<semaphore_mem>>) src(%dma_wait3A_301 : memref<1x64x384xf32, #tpu.memory_space<hbm>>) dst(%arg8 : memref<1x64x384xf32, #tpu.memory_space<vmem>>)
      %add3A_302 = arith.constant 4 : i32
      %add3A_303 = arith.addi %add3A_293, %add3A_302 : i32
      %sub3A = arith.constant 1 : i32
      %sub3A_304 = arith.subi %add3A_303, %sub3A : i32
      %lt3A = arith.constant 49 : i32
      %lt3A_305 = arith.cmpi slt, %sub3A_304, %lt3A : i32
      %convert_element_type3A = arith.extui %lt3A_305 : i1 to i32
      %cond3A = arith.constant 0 : i32
      %cond3A_306 = arith.cmpi ne, %convert_element_type3A, %cond3A : i32
      scf.if %cond3A_306 {
        %dma_wait3A_596 = arith.constant 0 : i32
        %dma_wait3A_597 = arith.constant 0 : i32
        %dma_wait3A_598 = arith.constant 0 : i32
        %dma_wait3A_599 = tpu.memref_slice %arg5[%dma_wait3A_596, %dma_wait3A_597, %dma_wait3A_598] : memref<1568x64x384xf32, #tpu.memory_space<hbm>> -> memref<1x64x384xf32, #tpu.memory_space<hbm>>
        %dma_wait3A_600 = arith.constant 0 : i32
        %dma_wait3A_601 = arith.constant 0 : i32
        %dma_wait3A_602 = arith.constant 0 : i32
        %dma_wait3A_603 = tpu.memref_slice %arg5[%dma_wait3A_600, %dma_wait3A_601, %dma_wait3A_602] : memref<1568x64x384xf32, #tpu.memory_space<hbm>> -> memref<1x64x384xf32, #tpu.memory_space<hbm>>
        tpu.wait_dma2 semaphore(%arg19 : memref<!tpu.dma_semaphore, #tpu.memory_space<semaphore_mem>>) src(%arg11 : memref<1x64x384xf32, #tpu.memory_space<vmem>>) dst(%dma_wait3A_603 : memref<1x64x384xf32, #tpu.memory_space<hbm>>)
        %jit3A_604 = arith.constant 8 : i32
        %div3A_605 = arith.divsi %sub3A_304, %jit3A_604 : i32
        %sign3A_606 = arith.constant 0 : i32
        %sign3A_607 = arith.cmpi sgt, %sub3A_304, %sign3A_606 : i32
        %sign3A_608 = arith.extui %sign3A_607 : i1 to i32
        %sign3A_609 = arith.constant 0 : i32
        %sign3A_610 = arith.cmpi slt, %sub3A_304, %sign3A_609 : i32
        %sign3A_611 = arith.extui %sign3A_610 : i1 to i32
        %sign3A_612 = arith.subi %sign3A_608, %sign3A_611 : i32
        %sign3A_613 = arith.constant 0 : i32
        %sign3A_614 = arith.cmpi sgt, %jit3A_604, %sign3A_613 : i32
        %sign3A_615 = arith.extui %sign3A_614 : i1 to i32
        %sign3A_616 = arith.constant 0 : i32
        %sign3A_617 = arith.cmpi slt, %jit3A_604, %sign3A_616 : i32
        %sign3A_618 = arith.extui %sign3A_617 : i1 to i32
        %sign3A_619 = arith.subi %sign3A_615, %sign3A_618 : i32
        %ne3A_620 = arith.cmpi ne, %sign3A_612, %sign3A_619 : i32
        %rem3A_621 = arith.remsi %sub3A_304, %jit3A_604 : i32
        %ne3A_622 = arith.constant 0 : i32
        %ne3A_623 = arith.cmpi ne, %rem3A_621, %ne3A_622 : i32
        %and3A_624 = arith.andi %ne3A_620, %ne3A_623 : i1
        %sub3A_625 = arith.constant 1 : i32
        %sub3A_626 = arith.subi %div3A_605, %sub3A_625 : i32
        %select_n3A_627 = arith.select %and3A_624, %sub3A_626, %div3A_605 : i32
        %jit3A_628 = arith.constant 8 : i32
        %eq3A_629 = arith.constant 0 : i32
        %eq3A_630 = arith.cmpi eq, %jit3A_628, %eq3A_629 : i32
        %jit3A_631 = arith.constant 1 : i32
        %select_n3A_632 = arith.select %eq3A_630, %jit3A_631, %jit3A_628 : i32
        %rem3A_633 = arith.remsi %sub3A_304, %select_n3A_632 : i32
        %ne3A_634 = arith.constant 0 : i32
        %ne3A_635 = arith.cmpi ne, %rem3A_633, %ne3A_634 : i32
        %lt3A_636 = arith.constant 0 : i32
        %lt3A_637 = arith.cmpi slt, %rem3A_633, %lt3A_636 : i32
        %lt3A_638 = arith.constant 0 : i32
        %lt3A_639 = arith.cmpi slt, %select_n3A_632, %lt3A_638 : i32
        %ne3A_640 = arith.xori %lt3A_637, %lt3A_639 : i1
        %and3A_641 = arith.andi %ne3A_640, %ne3A_635 : i1
        %add3A_642 = arith.addi %rem3A_633, %select_n3A_632 : i32
        %select_n3A_643 = arith.select %and3A_641, %add3A_642, %rem3A_633 : i32
        %mul3A_644 = arith.constant 16 : i32
        %mul3A_645 = arith.muli %select_n3A_643, %mul3A_644 : i32
        %get3A_646 = arith.index_cast %select_n3A_627 : i32 to index
        %get3A_647 = arith.index_cast %mul3A_645 : i32 to index
        %get3A_648 = tpu.vector_load %arg6[%get3A_646, %get3A_647] {strides = array<i32>} : memref<8x128xi32, #tpu.memory_space<vmem>>, vector<1x16xi32>,
        %get3A_649 = vector.shape_cast %get3A_648 : vector<1x16xi32> to vector<16xi32>
        %slice3A_650 = vector.extract_strided_slice %get3A_649 {offsets = [0], sizes = [1], strides = [1]} : vector<16xi32> to vector<1xi32>
        %squeeze3A_651 = vector.extract %slice3A_650[0] : i32 from vector<1xi32>
        %dma_start3A_652 = arith.constant 0 : i32
        %dma_start3A_653 = arith.constant 0 : i32
        %dma_start3A_654 = tpu.memref_slice %arg4[%squeeze3A_651, %dma_start3A_652, %dma_start3A_653] : memref<392x64x384xf32, #tpu.memory_space<hbm>> -> memref<1x64x384xf32, #tpu.memory_space<hbm>>
        %dma_start3A_655 = arith.constant 0 : i32
        %dma_start3A_656 = arith.constant 0 : i32
        %dma_start3A_657 = tpu.memref_slice %arg4[%squeeze3A_651, %dma_start3A_655, %dma_start3A_656] : memref<392x64x384xf32, #tpu.memory_space<hbm>> -> memref<1x64x384xf32, #tpu.memory_space<hbm>>
        tpu.enqueue_dma source(%dma_start3A_657 : memref<1x64x384xf32, #tpu.memory_space<hbm>>) target(%arg11 : memref<1x64x384xf32, #tpu.memory_space<vmem>>) target_semaphore(%arg15 : memref<!tpu.dma_semaphore, #tpu.memory_space<semaphore_mem>>)
      } else {
      }
      %jit3A = arith.constant 8 : i32
      %div3A = arith.divsi %add3A_293, %jit3A : i32
      %sign3A = arith.constant 0 : i32
      %sign3A_307 = arith.cmpi sgt, %add3A_293, %sign3A : i32
      %sign3A_308 = arith.extui %sign3A_307 : i1 to i32
      %sign3A_309 = arith.constant 0 : i32
      %sign3A_310 = arith.cmpi slt, %add3A_293, %sign3A_309 : i32
      %sign3A_311 = arith.extui %sign3A_310 : i1 to i32
      %sign3A_312 = arith.subi %sign3A_308, %sign3A_311 : i32
      %sign3A_313 = arith.constant 0 : i32
      %sign3A_314 = arith.cmpi sgt, %jit3A, %sign3A_313 : i32
      %sign3A_315 = arith.extui %sign3A_314 : i1 to i32
      %sign3A_316 = arith.constant 0 : i32
      %sign3A_317 = arith.cmpi slt, %jit3A, %sign3A_316 : i32
      %sign3A_318 = arith.extui %sign3A_317 : i1 to i32
      %sign3A_319 = arith.subi %sign3A_315, %sign3A_318 : i32
      %ne3A = arith.cmpi ne, %sign3A_312, %sign3A_319 : i32
      %rem3A = arith.remsi %add3A_293, %jit3A : i32
      %ne3A_320 = arith.constant 0 : i32
      %ne3A_321 = arith.cmpi ne, %rem3A, %ne3A_320 : i32
      %and3A = arith.andi %ne3A, %ne3A_321 : i1
      %sub3A_322 = arith.constant 1 : i32
      %sub3A_323 = arith.subi %div3A, %sub3A_322 : i32
      %select_n3A = arith.select %and3A, %sub3A_323, %div3A : i32
      %jit3A_324 = arith.constant 8 : i32
      %eq3A = arith.constant 0 : i32
      %eq3A_325 = arith.cmpi eq, %jit3A_324, %eq3A : i32
      %jit3A_326 = arith.constant 1 : i32
      %select_n3A_327 = arith.select %eq3A_325, %jit3A_326, %jit3A_324 : i32
      %rem3A_328 = arith.remsi %add3A_293, %select_n3A_327 : i32
      %ne3A_329 = arith.constant 0 : i32
      %ne3A_330 = arith.cmpi ne, %rem3A_328, %ne3A_329 : i32
      %lt3A_331 = arith.constant 0 : i32
      %lt3A_332 = arith.cmpi slt, %rem3A_328, %lt3A_331 : i32
      %lt3A_333 = arith.constant 0 : i32
      %lt3A_334 = arith.cmpi slt, %select_n3A_327, %lt3A_333 : i32
      %ne3A_335 = arith.xori %lt3A_332, %lt3A_334 : i1
      %and3A_336 = arith.andi %ne3A_335, %ne3A_330 : i1
      %add3A_337 = arith.addi %rem3A_328, %select_n3A_327 : i32
      %select_n3A_338 = arith.select %and3A_336, %add3A_337, %rem3A_328 : i32
      %mul3A_339 = arith.constant 16 : i32
      %mul3A_340 = arith.muli %select_n3A_338, %mul3A_339 : i32
      %get3A_341 = arith.index_cast %select_n3A : i32 to index
      %get3A_342 = arith.index_cast %mul3A_340 : i32 to index
      %get3A_343 = tpu.vector_load %arg7[%get3A_341, %get3A_342] {strides = array<i32>} : memref<8x128xf32, #tpu.memory_space<vmem>>, vector<1x16xf32>,
      %get3A_344 = vector.shape_cast %get3A_343 : vector<1x16xf32> to vector<16xf32>
      %scan3A_345 = arith.constant 0 : i32
      %scan3A_346 = arith.constant 64 : i32
      %scan3A_347 = arith.addi %scan3A_345, %scan3A_346 : i32
      %scan3A_348 = arith.constant 1 : i32
      scf.for %scan3A_596 = %scan3A_345 to %scan3A_347 step %scan3A_348  : i32 {
        %mul3A_597 = arith.constant 1 : i32
        %mul3A_598 = arith.muli %scan3A_596, %mul3A_597 : i32
        %add3A_599 = arith.constant 0 : i32
        %add3A_600 = arith.addi %add3A_599, %mul3A_598 : i32
        %scan3A_601 = arith.constant 0 : i32
        %scan3A_602 = arith.constant 24 : i32
        %scan3A_603 = arith.addi %scan3A_601, %scan3A_602 : i32
        %scan3A_604 = arith.constant 8 : i32
        scf.for %scan3A_606 = %scan3A_601 to %scan3A_603 step %scan3A_604  : i32 {
          %mul3A_607 = arith.constant 1 : i32
          %mul3A_608 = arith.muli %scan3A_606, %mul3A_607 : i32
          %add3A_609 = arith.constant 0 : i32
          %add3A_610 = arith.addi %add3A_609, %mul3A_608 : i32
          %mul3A_611 = arith.constant 16 : i32
          %mul3A_612 = arith.muli %add3A_610, %mul3A_611 : i32
          %get3A_613 = arith.constant 0 : i32
          %get3A_614 = arith.index_cast %get3A_613 : i32 to index
          %get3A_615 = arith.index_cast %add3A_600 : i32 to index
          %get3A_616 = arith.index_cast %mul3A_612 : i32 to index
          %get3A_617 = tpu.vector_load %arg8[%get3A_614, %get3A_615, %get3A_616] {strides = array<i32>} : memref<1x64x384xf32, #tpu.memory_space<vmem>>, vector<1x1x16xf32>,
          %get3A_618 = vector.shape_cast %get3A_617 : vector<1x1x16xf32> to vector<16xf32>
          %mul3A_619 = arith.mulf %get3A_618, %get3A_344 : vector<16xf32>
          %mul3A_620 = arith.constant 16 : i32
          %mul3A_621 = arith.muli %add3A_610, %mul3A_620 : i32
          %swap3A = arith.constant 0 : i32
          %swap3A_622 = arith.index_cast %swap3A : i32 to index
          %swap3A_623 = arith.index_cast %add3A_600 : i32 to index
          %swap3A_624 = arith.index_cast %mul3A_621 : i32 to index
          %swap3A_625 = tpu.vector_load %arg8[%swap3A_622, %swap3A_623, %swap3A_624] {strides = array<i32>} : memref<1x64x384xf32, #tpu.memory_space<vmem>>, vector<1x1x16xf32>,
          %swap3A_626 = vector.shape_cast %swap3A_625 : vector<1x1x16xf32> to vector<16xf32>
          %swap3A_627 = vector.shape_cast %mul3A_619 : vector<16xf32> to vector<1x1x16xf32>
          tpu.vector_store %arg8[%swap3A_622, %swap3A_623, %swap3A_624], %swap3A_627 {strides = array<i32>} : memref<1x64x384xf32, #tpu.memory_space<vmem>>, vector<1x1x16xf32>,
          %scan3A_628 = arith.constant 1 : i32
          %scan3A_629 = arith.addi %scan3A_606, %scan3A_628 : i32
          %mul3A_630 = arith.constant 1 : i32
          %mul3A_631 = arith.muli %scan3A_629, %mul3A_630 : i32
          %add3A_632 = arith.constant 0 : i32
          %add3A_633 = arith.addi %add3A_632, %mul3A_631 : i32
          %mul3A_634 = arith.constant 16 : i32
          %mul3A_635 = arith.muli %add3A_633, %mul3A_634 : i32
          %get3A_636 = arith.constant 0 : i32
          %get3A_637 = arith.index_cast %get3A_636 : i32 to index
          %get3A_638 = arith.index_cast %add3A_600 : i32 to index
          %get3A_639 = arith.index_cast %mul3A_635 : i32 to index
          %get3A_640 = tpu.vector_load %arg8[%get3A_637, %get3A_638, %get3A_639] {strides = array<i32>} : memref<1x64x384xf32, #tpu.memory_space<vmem>>, vector<1x1x16xf32>,
          %get3A_641 = vector.shape_cast %get3A_640 : vector<1x1x16xf32> to vector<16xf32>
          %mul3A_642 = arith.mulf %get3A_641, %get3A_344 : vector<16xf32>
          %mul3A_643 = arith.constant 16 : i32
          %mul3A_644 = arith.muli %add3A_633, %mul3A_643 : i32
          %swap3A_645 = arith.constant 0 : i32
          %swap3A_646 = arith.index_cast %swap3A_645 : i32 to index
          %swap3A_647 = arith.index_cast %add3A_600 : i32 to index
          %swap3A_648 = arith.index_cast %mul3A_644 : i32 to index
          %swap3A_649 = tpu.vector_load %arg8[%swap3A_646, %swap3A_647, %swap3A_648] {strides = array<i32>} : memref<1x64x384xf32, #tpu.memory_space<vmem>>, vector<1x1x16xf32>,
          %swap3A_650 = vector.shape_cast %swap3A_649 : vector<1x1x16xf32> to vector<16xf32>
          %swap3A_651 = vector.shape_cast %mul3A_642 : vector<16xf32> to vector<1x1x16xf32>
          tpu.vector_store %arg8[%swap3A_646, %swap3A_647, %swap3A_648], %swap3A_651 {strides = array<i32>} : memref<1x64x384xf32, #tpu.memory_space<vmem>>, vector<1x1x16xf32>,
          %scan3A_652 = arith.constant 2 : i32
          %scan3A_653 = arith.addi %scan3A_606, %scan3A_652 : i32
          %mul3A_654 = arith.constant 1 : i32
          %mul3A_655 = arith.muli %scan3A_653, %mul3A_654 : i32
          %add3A_656 = arith.constant 0 : i32
          %add3A_657 = arith.addi %add3A_656, %mul3A_655 : i32
          %mul3A_658 = arith.constant 16 : i32
          %mul3A_659 = arith.muli %add3A_657, %mul3A_658 : i32
          %get3A_660 = arith.constant 0 : i32
          %get3A_661 = arith.index_cast %get3A_660 : i32 to index
          %get3A_662 = arith.index_cast %add3A_600 : i32 to index
          %get3A_663 = arith.index_cast %mul3A_659 : i32 to index
          %get3A_664 = tpu.vector_load %arg8[%get3A_661, %get3A_662, %get3A_663] {strides = array<i32>} : memref<1x64x384xf32, #tpu.memory_space<vmem>>, vector<1x1x16xf32>,
          %get3A_665 = vector.shape_cast %get3A_664 : vector<1x1x16xf32> to vector<16xf32>
          %mul3A_666 = arith.mulf %get3A_665, %get3A_344 : vector<16xf32>
          %mul3A_667 = arith.constant 16 : i32
          %mul3A_668 = arith.muli %add3A_657, %mul3A_667 : i32
          %swap3A_669 = arith.constant 0 : i32
          %swap3A_670 = arith.index_cast %swap3A_669 : i32 to index
          %swap3A_671 = arith.index_cast %add3A_600 : i32 to index
          %swap3A_672 = arith.index_cast %mul3A_668 : i32 to index
          %swap3A_673 = tpu.vector_load %arg8[%swap3A_670, %swap3A_671, %swap3A_672] {strides = array<i32>} : memref<1x64x384xf32, #tpu.memory_space<vmem>>, vector<1x1x16xf32>,
          %swap3A_674 = vector.shape_cast %swap3A_673 : vector<1x1x16xf32> to vector<16xf32>
          %swap3A_675 = vector.shape_cast %mul3A_666 : vector<16xf32> to vector<1x1x16xf32>
          tpu.vector_store %arg8[%swap3A_670, %swap3A_671, %swap3A_672], %swap3A_675 {strides = array<i32>} : memref<1x64x384xf32, #tpu.memory_space<vmem>>, vector<1x1x16xf32>,
          %scan3A_676 = arith.constant 3 : i32
          %scan3A_677 = arith.addi %scan3A_606, %scan3A_676 : i32
          %mul3A_678 = arith.constant 1 : i32
          %mul3A_679 = arith.muli %scan3A_677, %mul3A_678 : i32
          %add3A_680 = arith.constant 0 : i32
          %add3A_681 = arith.addi %add3A_680, %mul3A_679 : i32
          %mul3A_682 = arith.constant 16 : i32
          %mul3A_683 = arith.muli %add3A_681, %mul3A_682 : i32
          %get3A_684 = arith.constant 0 : i32
          %get3A_685 = arith.index_cast %get3A_684 : i32 to index
          %get3A_686 = arith.index_cast %add3A_600 : i32 to index
          %get3A_687 = arith.index_cast %mul3A_683 : i32 to index
          %get3A_688 = tpu.vector_load %arg8[%get3A_685, %get3A_686, %get3A_687] {strides = array<i32>} : memref<1x64x384xf32, #tpu.memory_space<vmem>>, vector<1x1x16xf32>,
          %get3A_689 = vector.shape_cast %get3A_688 : vector<1x1x16xf32> to vector<16xf32>
          %mul3A_690 = arith.mulf %get3A_689, %get3A_344 : vector<16xf32>
          %mul3A_691 = arith.constant 16 : i32
          %mul3A_692 = arith.muli %add3A_681, %mul3A_691 : i32
          %swap3A_693 = arith.constant 0 : i32
          %swap3A_694 = arith.index_cast %swap3A_693 : i32 to index
          %swap3A_695 = arith.index_cast %add3A_600 : i32 to index
          %swap3A_696 = arith.index_cast %mul3A_692 : i32 to index
          %swap3A_697 = tpu.vector_load %arg8[%swap3A_694, %swap3A_695, %swap3A_696] {strides = array<i32>} : memref<1x64x384xf32, #tpu.memory_space<vmem>>, vector<1x1x16xf32>,
          %swap3A_698 = vector.shape_cast %swap3A_697 : vector<1x1x16xf32> to vector<16xf32>
          %swap3A_699 = vector.shape_cast %mul3A_690 : vector<16xf32> to vector<1x1x16xf32>
          tpu.vector_store %arg8[%swap3A_694, %swap3A_695, %swap3A_696], %swap3A_699 {strides = array<i32>} : memref<1x64x384xf32, #tpu.memory_space<vmem>>, vector<1x1x16xf32>,
          %scan3A_700 = arith.constant 4 : i32
          %scan3A_701 = arith.addi %scan3A_606, %scan3A_700 : i32
          %mul3A_702 = arith.constant 1 : i32
          %mul3A_703 = arith.muli %scan3A_701, %mul3A_702 : i32
          %add3A_704 = arith.constant 0 : i32
          %add3A_705 = arith.addi %add3A_704, %mul3A_703 : i32
          %mul3A_706 = arith.constant 16 : i32
          %mul3A_707 = arith.muli %add3A_705, %mul3A_706 : i32
          %get3A_708 = arith.constant 0 : i32
          %get3A_709 = arith.index_cast %get3A_708 : i32 to index
          %get3A_710 = arith.index_cast %add3A_600 : i32 to index
          %get3A_711 = arith.index_cast %mul3A_707 : i32 to index
          %get3A_712 = tpu.vector_load %arg8[%get3A_709, %get3A_710, %get3A_711] {strides = array<i32>} : memref<1x64x384xf32, #tpu.memory_space<vmem>>, vector<1x1x16xf32>,
          %get3A_713 = vector.shape_cast %get3A_712 : vector<1x1x16xf32> to vector<16xf32>
          %mul3A_714 = arith.mulf %get3A_713, %get3A_344 : vector<16xf32>
          %mul3A_715 = arith.constant 16 : i32
          %mul3A_716 = arith.muli %add3A_705, %mul3A_715 : i32
          %swap3A_717 = arith.constant 0 : i32
          %swap3A_718 = arith.index_cast %swap3A_717 : i32 to index
          %swap3A_719 = arith.index_cast %add3A_600 : i32 to index
          %swap3A_720 = arith.index_cast %mul3A_716 : i32 to index
          %swap3A_721 = tpu.vector_load %arg8[%swap3A_718, %swap3A_719, %swap3A_720] {strides = array<i32>} : memref<1x64x384xf32, #tpu.memory_space<vmem>>, vector<1x1x16xf32>,
          %swap3A_722 = vector.shape_cast %swap3A_721 : vector<1x1x16xf32> to vector<16xf32>
          %swap3A_723 = vector.shape_cast %mul3A_714 : vector<16xf32> to vector<1x1x16xf32>
          tpu.vector_store %arg8[%swap3A_718, %swap3A_719, %swap3A_720], %swap3A_723 {strides = array<i32>} : memref<1x64x384xf32, #tpu.memory_space<vmem>>, vector<1x1x16xf32>,
          %scan3A_724 = arith.constant 5 : i32
          %scan3A_725 = arith.addi %scan3A_606, %scan3A_724 : i32
          %mul3A_726 = arith.constant 1 : i32
          %mul3A_727 = arith.muli %scan3A_725, %mul3A_726 : i32
          %add3A_728 = arith.constant 0 : i32
          %add3A_729 = arith.addi %add3A_728, %mul3A_727 : i32
          %mul3A_730 = arith.constant 16 : i32
          %mul3A_731 = arith.muli %add3A_729, %mul3A_730 : i32
          %get3A_732 = arith.constant 0 : i32
          %get3A_733 = arith.index_cast %get3A_732 : i32 to index
          %get3A_734 = arith.index_cast %add3A_600 : i32 to index
          %get3A_735 = arith.index_cast %mul3A_731 : i32 to index
          %get3A_736 = tpu.vector_load %arg8[%get3A_733, %get3A_734, %get3A_735] {strides = array<i32>} : memref<1x64x384xf32, #tpu.memory_space<vmem>>, vector<1x1x16xf32>,
          %get3A_737 = vector.shape_cast %get3A_736 : vector<1x1x16xf32> to vector<16xf32>
          %mul3A_738 = arith.mulf %get3A_737, %get3A_344 : vector<16xf32>
          %mul3A_739 = arith.constant 16 : i32
          %mul3A_740 = arith.muli %add3A_729, %mul3A_739 : i32
          %swap3A_741 = arith.constant 0 : i32
          %swap3A_742 = arith.index_cast %swap3A_741 : i32 to index
          %swap3A_743 = arith.index_cast %add3A_600 : i32 to index
          %swap3A_744 = arith.index_cast %mul3A_740 : i32 to index
          %swap3A_745 = tpu.vector_load %arg8[%swap3A_742, %swap3A_743, %swap3A_744] {strides = array<i32>} : memref<1x64x384xf32, #tpu.memory_space<vmem>>, vector<1x1x16xf32>,
          %swap3A_746 = vector.shape_cast %swap3A_745 : vector<1x1x16xf32> to vector<16xf32>
          %swap3A_747 = vector.shape_cast %mul3A_738 : vector<16xf32> to vector<1x1x16xf32>
          tpu.vector_store %arg8[%swap3A_742, %swap3A_743, %swap3A_744], %swap3A_747 {strides = array<i32>} : memref<1x64x384xf32, #tpu.memory_space<vmem>>, vector<1x1x16xf32>,
          %scan3A_748 = arith.constant 6 : i32
          %scan3A_749 = arith.addi %scan3A_606, %scan3A_748 : i32
          %mul3A_750 = arith.constant 1 : i32
          %mul3A_751 = arith.muli %scan3A_749, %mul3A_750 : i32
          %add3A_752 = arith.constant 0 : i32
          %add3A_753 = arith.addi %add3A_752, %mul3A_751 : i32
          %mul3A_754 = arith.constant 16 : i32
          %mul3A_755 = arith.muli %add3A_753, %mul3A_754 : i32
          %get3A_756 = arith.constant 0 : i32
          %get3A_757 = arith.index_cast %get3A_756 : i32 to index
          %get3A_758 = arith.index_cast %add3A_600 : i32 to index
          %get3A_759 = arith.index_cast %mul3A_755 : i32 to index
          %get3A_760 = tpu.vector_load %arg8[%get3A_757, %get3A_758, %get3A_759] {strides = array<i32>} : memref<1x64x384xf32, #tpu.memory_space<vmem>>, vector<1x1x16xf32>,
          %get3A_761 = vector.shape_cast %get3A_760 : vector<1x1x16xf32> to vector<16xf32>
          %mul3A_762 = arith.mulf %get3A_761, %get3A_344 : vector<16xf32>
          %mul3A_763 = arith.constant 16 : i32
          %mul3A_764 = arith.muli %add3A_753, %mul3A_763 : i32
          %swap3A_765 = arith.constant 0 : i32
          %swap3A_766 = arith.index_cast %swap3A_765 : i32 to index
          %swap3A_767 = arith.index_cast %add3A_600 : i32 to index
          %swap3A_768 = arith.index_cast %mul3A_764 : i32 to index
          %swap3A_769 = tpu.vector_load %arg8[%swap3A_766, %swap3A_767, %swap3A_768] {strides = array<i32>} : memref<1x64x384xf32, #tpu.memory_space<vmem>>, vector<1x1x16xf32>,
          %swap3A_770 = vector.shape_cast %swap3A_769 : vector<1x1x16xf32> to vector<16xf32>
          %swap3A_771 = vector.shape_cast %mul3A_762 : vector<16xf32> to vector<1x1x16xf32>
          tpu.vector_store %arg8[%swap3A_766, %swap3A_767, %swap3A_768], %swap3A_771 {strides = array<i32>} : memref<1x64x384xf32, #tpu.memory_space<vmem>>, vector<1x1x16xf32>,
          %scan3A_772 = arith.constant 7 : i32
          %scan3A_773 = arith.addi %scan3A_606, %scan3A_772 : i32
          %mul3A_774 = arith.constant 1 : i32
          %mul3A_775 = arith.muli %scan3A_773, %mul3A_774 : i32
          %add3A_776 = arith.constant 0 : i32
          %add3A_777 = arith.addi %add3A_776, %mul3A_775 : i32
          %mul3A_778 = arith.constant 16 : i32
          %mul3A_779 = arith.muli %add3A_777, %mul3A_778 : i32
          %get3A_780 = arith.constant 0 : i32
          %get3A_781 = arith.index_cast %get3A_780 : i32 to index
          %get3A_782 = arith.index_cast %add3A_600 : i32 to index
          %get3A_783 = arith.index_cast %mul3A_779 : i32 to index
          %get3A_784 = tpu.vector_load %arg8[%get3A_781, %get3A_782, %get3A_783] {strides = array<i32>} : memref<1x64x384xf32, #tpu.memory_space<vmem>>, vector<1x1x16xf32>,
          %get3A_785 = vector.shape_cast %get3A_784 : vector<1x1x16xf32> to vector<16xf32>
          %mul3A_786 = arith.mulf %get3A_785, %get3A_344 : vector<16xf32>
          %mul3A_787 = arith.constant 16 : i32
          %mul3A_788 = arith.muli %add3A_777, %mul3A_787 : i32
          %swap3A_789 = arith.constant 0 : i32
          %swap3A_790 = arith.index_cast %swap3A_789 : i32 to index
          %swap3A_791 = arith.index_cast %add3A_600 : i32 to index
          %swap3A_792 = arith.index_cast %mul3A_788 : i32 to index
          %swap3A_793 = tpu.vector_load %arg8[%swap3A_790, %swap3A_791, %swap3A_792] {strides = array<i32>} : memref<1x64x384xf32, #tpu.memory_space<vmem>>, vector<1x1x16xf32>,
          %swap3A_794 = vector.shape_cast %swap3A_793 : vector<1x1x16xf32> to vector<16xf32>
          %swap3A_795 = vector.shape_cast %mul3A_786 : vector<16xf32> to vector<1x1x16xf32>
          tpu.vector_store %arg8[%swap3A_790, %swap3A_791, %swap3A_792], %swap3A_795 {strides = array<i32>} : memref<1x64x384xf32, #tpu.memory_space<vmem>>, vector<1x1x16xf32>,
        }
        %scan3A_605 = arith.constant 24 : i32
      }
      %scan3A_349 = arith.constant 64 : i32
      %mul3A_350 = arith.constant 49 : i32
      %mul3A_351 = arith.muli %add3A, %mul3A_350 : i32
      %add3A_352 = arith.addi %mul3A_351, %add3A_293 : i32
      %dma_start3A_353 = arith.constant 0 : i32
      %dma_start3A_354 = arith.constant 0 : i32
      %dma_start3A_355 = tpu.memref_slice %arg5[%add3A_352, %dma_start3A_353, %dma_start3A_354] : memref<1568x64x384xf32, #tpu.memory_space<hbm>> -> memref<1x64x384xf32, #tpu.memory_space<hbm>>
      %dma_start3A_356 = arith.constant 0 : i32
      %dma_start3A_357 = arith.constant 0 : i32
      %dma_start3A_358 = tpu.memref_slice %arg5[%add3A_352, %dma_start3A_356, %dma_start3A_357] : memref<1568x64x384xf32, #tpu.memory_space<hbm>> -> memref<1x64x384xf32, #tpu.memory_space<hbm>>
      tpu.enqueue_dma source(%arg8 : memref<1x64x384xf32, #tpu.memory_space<vmem>>) target(%dma_start3A_358 : memref<1x64x384xf32, #tpu.memory_space<hbm>>) target_semaphore(%arg16 : memref<!tpu.dma_semaphore, #tpu.memory_space<semaphore_mem>>)
      %add3A_359 = arith.constant 1 : i32
      %add3A_360 = arith.addi %add3A_291, %add3A_359 : i32
      %dma_wait3A_361 = arith.constant 0 : i32
      %dma_wait3A_362 = arith.constant 0 : i32
      %dma_wait3A_363 = arith.constant 0 : i32
      %dma_wait3A_364 = tpu.memref_slice %arg4[%dma_wait3A_361, %dma_wait3A_362, %dma_wait3A_363] : memref<392x64x384xf32, #tpu.memory_space<hbm>> -> memref<1x64x384xf32, #tpu.memory_space<hbm>>
      %dma_wait3A_365 = arith.constant 0 : i32
      %dma_wait3A_366 = arith.constant 0 : i32
      %dma_wait3A_367 = arith.constant 0 : i32
      %dma_wait3A_368 = tpu.memref_slice %arg4[%dma_wait3A_365, %dma_wait3A_366, %dma_wait3A_367] : memref<392x64x384xf32, #tpu.memory_space<hbm>> -> memref<1x64x384xf32, #tpu.memory_space<hbm>>
      tpu.wait_dma2 semaphore(%arg13 : memref<!tpu.dma_semaphore, #tpu.memory_space<semaphore_mem>>) src(%dma_wait3A_368 : memref<1x64x384xf32, #tpu.memory_space<hbm>>) dst(%arg9 : memref<1x64x384xf32, #tpu.memory_space<vmem>>)
      %add3A_369 = arith.constant 4 : i32
      %add3A_370 = arith.addi %add3A_360, %add3A_369 : i32
      %sub3A_371 = arith.constant 1 : i32
      %sub3A_372 = arith.subi %add3A_370, %sub3A_371 : i32
      %lt3A_373 = arith.constant 49 : i32
      %lt3A_374 = arith.cmpi slt, %sub3A_372, %lt3A_373 : i32
      %convert_element_type3A_375 = arith.extui %lt3A_374 : i1 to i32
      %cond3A_376 = arith.constant 0 : i32
      %cond3A_377 = arith.cmpi ne, %convert_element_type3A_375, %cond3A_376 : i32
      scf.if %cond3A_377 {
        %dma_wait3A_596 = arith.constant 0 : i32
        %dma_wait3A_597 = arith.constant 0 : i32
        %dma_wait3A_598 = arith.constant 0 : i32
        %dma_wait3A_599 = tpu.memref_slice %arg5[%dma_wait3A_596, %dma_wait3A_597, %dma_wait3A_598] : memref<1568x64x384xf32, #tpu.memory_space<hbm>> -> memref<1x64x384xf32, #tpu.memory_space<hbm>>
        %dma_wait3A_600 = arith.constant 0 : i32
        %dma_wait3A_601 = arith.constant 0 : i32
        %dma_wait3A_602 = arith.constant 0 : i32
        %dma_wait3A_603 = tpu.memref_slice %arg5[%dma_wait3A_600, %dma_wait3A_601, %dma_wait3A_602] : memref<1568x64x384xf32, #tpu.memory_space<hbm>> -> memref<1x64x384xf32, #tpu.memory_space<hbm>>
        tpu.wait_dma2 semaphore(%arg16 : memref<!tpu.dma_semaphore, #tpu.memory_space<semaphore_mem>>) src(%arg8 : memref<1x64x384xf32, #tpu.memory_space<vmem>>) dst(%dma_wait3A_603 : memref<1x64x384xf32, #tpu.memory_space<hbm>>)
        %jit3A_604 = arith.constant 8 : i32
        %div3A_605 = arith.divsi %sub3A_372, %jit3A_604 : i32
        %sign3A_606 = arith.constant 0 : i32
        %sign3A_607 = arith.cmpi sgt, %sub3A_372, %sign3A_606 : i32
        %sign3A_608 = arith.extui %sign3A_607 : i1 to i32
        %sign3A_609 = arith.constant 0 : i32
        %sign3A_610 = arith.cmpi slt, %sub3A_372, %sign3A_609 : i32
        %sign3A_611 = arith.extui %sign3A_610 : i1 to i32
        %sign3A_612 = arith.subi %sign3A_608, %sign3A_611 : i32
        %sign3A_613 = arith.constant 0 : i32
        %sign3A_614 = arith.cmpi sgt, %jit3A_604, %sign3A_613 : i32
        %sign3A_615 = arith.extui %sign3A_614 : i1 to i32
        %sign3A_616 = arith.constant 0 : i32
        %sign3A_617 = arith.cmpi slt, %jit3A_604, %sign3A_616 : i32
        %sign3A_618 = arith.extui %sign3A_617 : i1 to i32
        %sign3A_619 = arith.subi %sign3A_615, %sign3A_618 : i32
        %ne3A_620 = arith.cmpi ne, %sign3A_612, %sign3A_619 : i32
        %rem3A_621 = arith.remsi %sub3A_372, %jit3A_604 : i32
        %ne3A_622 = arith.constant 0 : i32
        %ne3A_623 = arith.cmpi ne, %rem3A_621, %ne3A_622 : i32
        %and3A_624 = arith.andi %ne3A_620, %ne3A_623 : i1
        %sub3A_625 = arith.constant 1 : i32
        %sub3A_626 = arith.subi %div3A_605, %sub3A_625 : i32
        %select_n3A_627 = arith.select %and3A_624, %sub3A_626, %div3A_605 : i32
        %jit3A_628 = arith.constant 8 : i32
        %eq3A_629 = arith.constant 0 : i32
        %eq3A_630 = arith.cmpi eq, %jit3A_628, %eq3A_629 : i32
        %jit3A_631 = arith.constant 1 : i32
        %select_n3A_632 = arith.select %eq3A_630, %jit3A_631, %jit3A_628 : i32
        %rem3A_633 = arith.remsi %sub3A_372, %select_n3A_632 : i32
        %ne3A_634 = arith.constant 0 : i32
        %ne3A_635 = arith.cmpi ne, %rem3A_633, %ne3A_634 : i32
        %lt3A_636 = arith.constant 0 : i32
        %lt3A_637 = arith.cmpi slt, %rem3A_633, %lt3A_636 : i32
        %lt3A_638 = arith.constant 0 : i32
        %lt3A_639 = arith.cmpi slt, %select_n3A_632, %lt3A_638 : i32
        %ne3A_640 = arith.xori %lt3A_637, %lt3A_639 : i1
        %and3A_641 = arith.andi %ne3A_640, %ne3A_635 : i1
        %add3A_642 = arith.addi %rem3A_633, %select_n3A_632 : i32
        %select_n3A_643 = arith.select %and3A_641, %add3A_642, %rem3A_633 : i32
        %mul3A_644 = arith.constant 16 : i32
        %mul3A_645 = arith.muli %select_n3A_643, %mul3A_644 : i32
        %get3A_646 = arith.index_cast %select_n3A_627 : i32 to index
        %get3A_647 = arith.index_cast %mul3A_645 : i32 to index
        %get3A_648 = tpu.vector_load %arg6[%get3A_646, %get3A_647] {strides = array<i32>} : memref<8x128xi32, #tpu.memory_space<vmem>>, vector<1x16xi32>,
        %get3A_649 = vector.shape_cast %get3A_648 : vector<1x16xi32> to vector<16xi32>
        %slice3A_650 = vector.extract_strided_slice %get3A_649 {offsets = [0], sizes = [1], strides = [1]} : vector<16xi32> to vector<1xi32>
        %squeeze3A_651 = vector.extract %slice3A_650[0] : i32 from vector<1xi32>
        %dma_start3A_652 = arith.constant 0 : i32
        %dma_start3A_653 = arith.constant 0 : i32
        %dma_start3A_654 = tpu.memref_slice %arg4[%squeeze3A_651, %dma_start3A_652, %dma_start3A_653] : memref<392x64x384xf32, #tpu.memory_space<hbm>> -> memref<1x64x384xf32, #tpu.memory_space<hbm>>
        %dma_start3A_655 = arith.constant 0 : i32
        %dma_start3A_656 = arith.constant 0 : i32
        %dma_start3A_657 = tpu.memref_slice %arg4[%squeeze3A_651, %dma_start3A_655, %dma_start3A_656] : memref<392x64x384xf32, #tpu.memory_space<hbm>> -> memref<1x64x384xf32, #tpu.memory_space<hbm>>
        tpu.enqueue_dma source(%dma_start3A_657 : memref<1x64x384xf32, #tpu.memory_space<hbm>>) target(%arg8 : memref<1x64x384xf32, #tpu.memory_space<vmem>>) target_semaphore(%arg12 : memref<!tpu.dma_semaphore, #tpu.memory_space<semaphore_mem>>)
      } else {
      }
      %jit3A_378 = arith.constant 8 : i32
      %div3A_379 = arith.divsi %add3A_360, %jit3A_378 : i32
      %sign3A_380 = arith.constant 0 : i32
      %sign3A_381 = arith.cmpi sgt, %add3A_360, %sign3A_380 : i32
      %sign3A_382 = arith.extui %sign3A_381 : i1 to i32
      %sign3A_383 = arith.constant 0 : i32
      %sign3A_384 = arith.cmpi slt, %add3A_360, %sign3A_383 : i32
      %sign3A_385 = arith.extui %sign3A_384 : i1 to i32
      %sign3A_386 = arith.subi %sign3A_382, %sign3A_385 : i32
      %sign3A_387 = arith.constant 0 : i32
      %sign3A_388 = arith.cmpi sgt, %jit3A_378, %sign3A_387 : i32
      %sign3A_389 = arith.extui %sign3A_388 : i1 to i32
      %sign3A_390 = arith.constant 0 : i32
      %sign3A_391 = arith.cmpi slt, %jit3A_378, %sign3A_390 : i32
      %sign3A_392 = arith.extui %sign3A_391 : i1 to i32
      %sign3A_393 = arith.subi %sign3A_389, %sign3A_392 : i32
      %ne3A_394 = arith.cmpi ne, %sign3A_386, %sign3A_393 : i32
      %rem3A_395 = arith.remsi %add3A_360, %jit3A_378 : i32
      %ne3A_396 = arith.constant 0 : i32
      %ne3A_397 = arith.cmpi ne, %rem3A_395, %ne3A_396 : i32
      %and3A_398 = arith.andi %ne3A_394, %ne3A_397 : i1
      %sub3A_399 = arith.constant 1 : i32
      %sub3A_400 = arith.subi %div3A_379, %sub3A_399 : i32
      %select_n3A_401 = arith.select %and3A_398, %sub3A_400, %div3A_379 : i32
      %jit3A_402 = arith.constant 8 : i32
      %eq3A_403 = arith.constant 0 : i32
      %eq3A_404 = arith.cmpi eq, %jit3A_402, %eq3A_403 : i32
      %jit3A_405 = arith.constant 1 : i32
      %select_n3A_406 = arith.select %eq3A_404, %jit3A_405, %jit3A_402 : i32
      %rem3A_407 = arith.remsi %add3A_360, %select_n3A_406 : i32
      %ne3A_408 = arith.constant 0 : i32
      %ne3A_409 = arith.cmpi ne, %rem3A_407, %ne3A_408 : i32
      %lt3A_410 = arith.constant 0 : i32
      %lt3A_411 = arith.cmpi slt, %rem3A_407, %lt3A_410 : i32
      %lt3A_412 = arith.constant 0 : i32
      %lt3A_413 = arith.cmpi slt, %select_n3A_406, %lt3A_412 : i32
      %ne3A_414 = arith.xori %lt3A_411, %lt3A_413 : i1
      %and3A_415 = arith.andi %ne3A_414, %ne3A_409 : i1
      %add3A_416 = arith.addi %rem3A_407, %select_n3A_406 : i32
      %select_n3A_417 = arith.select %and3A_415, %add3A_416, %rem3A_407 : i32
      %mul3A_418 = arith.constant 16 : i32
      %mul3A_419 = arith.muli %select_n3A_417, %mul3A_418 : i32
      %get3A_420 = arith.index_cast %select_n3A_401 : i32 to index
      %get3A_421 = arith.index_cast %mul3A_419 : i32 to index
      %get3A_422 = tpu.vector_load %arg7[%get3A_420, %get3A_421] {strides = array<i32>} : memref<8x128xf32, #tpu.memory_space<vmem>>, vector<1x16xf32>,
      %get3A_423 = vector.shape_cast %get3A_422 : vector<1x16xf32> to vector<16xf32>
      %scan3A_424 = arith.constant 0 : i32
      %scan3A_425 = arith.constant 64 : i32
      %scan3A_426 = arith.addi %scan3A_424, %scan3A_425 : i32
      %scan3A_427 = arith.constant 1 : i32
      scf.for %scan3A_596 = %scan3A_424 to %scan3A_426 step %scan3A_427  : i32 {
        %mul3A_597 = arith.constant 1 : i32
        %mul3A_598 = arith.muli %scan3A_596, %mul3A_597 : i32
        %add3A_599 = arith.constant 0 : i32
        %add3A_600 = arith.addi %add3A_599, %mul3A_598 : i32
        %scan3A_601 = arith.constant 0 : i32
        %scan3A_602 = arith.constant 24 : i32
        %scan3A_603 = arith.addi %scan3A_601, %scan3A_602 : i32
        %scan3A_604 = arith.constant 8 : i32
        scf.for %scan3A_606 = %scan3A_601 to %scan3A_603 step %scan3A_604  : i32 {
          %mul3A_607 = arith.constant 1 : i32
          %mul3A_608 = arith.muli %scan3A_606, %mul3A_607 : i32
          %add3A_609 = arith.constant 0 : i32
          %add3A_610 = arith.addi %add3A_609, %mul3A_608 : i32
          %mul3A_611 = arith.constant 16 : i32
          %mul3A_612 = arith.muli %add3A_610, %mul3A_611 : i32
          %get3A_613 = arith.constant 0 : i32
          %get3A_614 = arith.index_cast %get3A_613 : i32 to index
          %get3A_615 = arith.index_cast %add3A_600 : i32 to index
          %get3A_616 = arith.index_cast %mul3A_612 : i32 to index
          %get3A_617 = tpu.vector_load %arg9[%get3A_614, %get3A_615, %get3A_616] {strides = array<i32>} : memref<1x64x384xf32, #tpu.memory_space<vmem>>, vector<1x1x16xf32>,
          %get3A_618 = vector.shape_cast %get3A_617 : vector<1x1x16xf32> to vector<16xf32>
          %mul3A_619 = arith.mulf %get3A_618, %get3A_423 : vector<16xf32>
          %mul3A_620 = arith.constant 16 : i32
          %mul3A_621 = arith.muli %add3A_610, %mul3A_620 : i32
          %swap3A = arith.constant 0 : i32
          %swap3A_622 = arith.index_cast %swap3A : i32 to index
          %swap3A_623 = arith.index_cast %add3A_600 : i32 to index
          %swap3A_624 = arith.index_cast %mul3A_621 : i32 to index
          %swap3A_625 = tpu.vector_load %arg9[%swap3A_622, %swap3A_623, %swap3A_624] {strides = array<i32>} : memref<1x64x384xf32, #tpu.memory_space<vmem>>, vector<1x1x16xf32>,
          %swap3A_626 = vector.shape_cast %swap3A_625 : vector<1x1x16xf32> to vector<16xf32>
          %swap3A_627 = vector.shape_cast %mul3A_619 : vector<16xf32> to vector<1x1x16xf32>
          tpu.vector_store %arg9[%swap3A_622, %swap3A_623, %swap3A_624], %swap3A_627 {strides = array<i32>} : memref<1x64x384xf32, #tpu.memory_space<vmem>>, vector<1x1x16xf32>,
          %scan3A_628 = arith.constant 1 : i32
          %scan3A_629 = arith.addi %scan3A_606, %scan3A_628 : i32
          %mul3A_630 = arith.constant 1 : i32
          %mul3A_631 = arith.muli %scan3A_629, %mul3A_630 : i32
          %add3A_632 = arith.constant 0 : i32
          %add3A_633 = arith.addi %add3A_632, %mul3A_631 : i32
          %mul3A_634 = arith.constant 16 : i32
          %mul3A_635 = arith.muli %add3A_633, %mul3A_634 : i32
          %get3A_636 = arith.constant 0 : i32
          %get3A_637 = arith.index_cast %get3A_636 : i32 to index
          %get3A_638 = arith.index_cast %add3A_600 : i32 to index
          %get3A_639 = arith.index_cast %mul3A_635 : i32 to index
          %get3A_640 = tpu.vector_load %arg9[%get3A_637, %get3A_638, %get3A_639] {strides = array<i32>} : memref<1x64x384xf32, #tpu.memory_space<vmem>>, vector<1x1x16xf32>,
          %get3A_641 = vector.shape_cast %get3A_640 : vector<1x1x16xf32> to vector<16xf32>
          %mul3A_642 = arith.mulf %get3A_641, %get3A_423 : vector<16xf32>
          %mul3A_643 = arith.constant 16 : i32
          %mul3A_644 = arith.muli %add3A_633, %mul3A_643 : i32
          %swap3A_645 = arith.constant 0 : i32
          %swap3A_646 = arith.index_cast %swap3A_645 : i32 to index
          %swap3A_647 = arith.index_cast %add3A_600 : i32 to index
          %swap3A_648 = arith.index_cast %mul3A_644 : i32 to index
          %swap3A_649 = tpu.vector_load %arg9[%swap3A_646, %swap3A_647, %swap3A_648] {strides = array<i32>} : memref<1x64x384xf32, #tpu.memory_space<vmem>>, vector<1x1x16xf32>,
          %swap3A_650 = vector.shape_cast %swap3A_649 : vector<1x1x16xf32> to vector<16xf32>
          %swap3A_651 = vector.shape_cast %mul3A_642 : vector<16xf32> to vector<1x1x16xf32>
          tpu.vector_store %arg9[%swap3A_646, %swap3A_647, %swap3A_648], %swap3A_651 {strides = array<i32>} : memref<1x64x384xf32, #tpu.memory_space<vmem>>, vector<1x1x16xf32>,
          %scan3A_652 = arith.constant 2 : i32
          %scan3A_653 = arith.addi %scan3A_606, %scan3A_652 : i32
          %mul3A_654 = arith.constant 1 : i32
          %mul3A_655 = arith.muli %scan3A_653, %mul3A_654 : i32
          %add3A_656 = arith.constant 0 : i32
          %add3A_657 = arith.addi %add3A_656, %mul3A_655 : i32
          %mul3A_658 = arith.constant 16 : i32
          %mul3A_659 = arith.muli %add3A_657, %mul3A_658 : i32
          %get3A_660 = arith.constant 0 : i32
          %get3A_661 = arith.index_cast %get3A_660 : i32 to index
          %get3A_662 = arith.index_cast %add3A_600 : i32 to index
          %get3A_663 = arith.index_cast %mul3A_659 : i32 to index
          %get3A_664 = tpu.vector_load %arg9[%get3A_661, %get3A_662, %get3A_663] {strides = array<i32>} : memref<1x64x384xf32, #tpu.memory_space<vmem>>, vector<1x1x16xf32>,
          %get3A_665 = vector.shape_cast %get3A_664 : vector<1x1x16xf32> to vector<16xf32>
          %mul3A_666 = arith.mulf %get3A_665, %get3A_423 : vector<16xf32>
          %mul3A_667 = arith.constant 16 : i32
          %mul3A_668 = arith.muli %add3A_657, %mul3A_667 : i32
          %swap3A_669 = arith.constant 0 : i32
          %swap3A_670 = arith.index_cast %swap3A_669 : i32 to index
          %swap3A_671 = arith.index_cast %add3A_600 : i32 to index
          %swap3A_672 = arith.index_cast %mul3A_668 : i32 to index
          %swap3A_673 = tpu.vector_load %arg9[%swap3A_670, %swap3A_671, %swap3A_672] {strides = array<i32>} : memref<1x64x384xf32, #tpu.memory_space<vmem>>, vector<1x1x16xf32>,
          %swap3A_674 = vector.shape_cast %swap3A_673 : vector<1x1x16xf32> to vector<16xf32>
          %swap3A_675 = vector.shape_cast %mul3A_666 : vector<16xf32> to vector<1x1x16xf32>
          tpu.vector_store %arg9[%swap3A_670, %swap3A_671, %swap3A_672], %swap3A_675 {strides = array<i32>} : memref<1x64x384xf32, #tpu.memory_space<vmem>>, vector<1x1x16xf32>,
          %scan3A_676 = arith.constant 3 : i32
          %scan3A_677 = arith.addi %scan3A_606, %scan3A_676 : i32
          %mul3A_678 = arith.constant 1 : i32
          %mul3A_679 = arith.muli %scan3A_677, %mul3A_678 : i32
          %add3A_680 = arith.constant 0 : i32
          %add3A_681 = arith.addi %add3A_680, %mul3A_679 : i32
          %mul3A_682 = arith.constant 16 : i32
          %mul3A_683 = arith.muli %add3A_681, %mul3A_682 : i32
          %get3A_684 = arith.constant 0 : i32
          %get3A_685 = arith.index_cast %get3A_684 : i32 to index
          %get3A_686 = arith.index_cast %add3A_600 : i32 to index
          %get3A_687 = arith.index_cast %mul3A_683 : i32 to index
          %get3A_688 = tpu.vector_load %arg9[%get3A_685, %get3A_686, %get3A_687] {strides = array<i32>} : memref<1x64x384xf32, #tpu.memory_space<vmem>>, vector<1x1x16xf32>,
          %get3A_689 = vector.shape_cast %get3A_688 : vector<1x1x16xf32> to vector<16xf32>
          %mul3A_690 = arith.mulf %get3A_689, %get3A_423 : vector<16xf32>
          %mul3A_691 = arith.constant 16 : i32
          %mul3A_692 = arith.muli %add3A_681, %mul3A_691 : i32
          %swap3A_693 = arith.constant 0 : i32
          %swap3A_694 = arith.index_cast %swap3A_693 : i32 to index
          %swap3A_695 = arith.index_cast %add3A_600 : i32 to index
          %swap3A_696 = arith.index_cast %mul3A_692 : i32 to index
          %swap3A_697 = tpu.vector_load %arg9[%swap3A_694, %swap3A_695, %swap3A_696] {strides = array<i32>} : memref<1x64x384xf32, #tpu.memory_space<vmem>>, vector<1x1x16xf32>,
          %swap3A_698 = vector.shape_cast %swap3A_697 : vector<1x1x16xf32> to vector<16xf32>
          %swap3A_699 = vector.shape_cast %mul3A_690 : vector<16xf32> to vector<1x1x16xf32>
          tpu.vector_store %arg9[%swap3A_694, %swap3A_695, %swap3A_696], %swap3A_699 {strides = array<i32>} : memref<1x64x384xf32, #tpu.memory_space<vmem>>, vector<1x1x16xf32>,
          %scan3A_700 = arith.constant 4 : i32
          %scan3A_701 = arith.addi %scan3A_606, %scan3A_700 : i32
          %mul3A_702 = arith.constant 1 : i32
          %mul3A_703 = arith.muli %scan3A_701, %mul3A_702 : i32
          %add3A_704 = arith.constant 0 : i32
          %add3A_705 = arith.addi %add3A_704, %mul3A_703 : i32
          %mul3A_706 = arith.constant 16 : i32
          %mul3A_707 = arith.muli %add3A_705, %mul3A_706 : i32
          %get3A_708 = arith.constant 0 : i32
          %get3A_709 = arith.index_cast %get3A_708 : i32 to index
          %get3A_710 = arith.index_cast %add3A_600 : i32 to index
          %get3A_711 = arith.index_cast %mul3A_707 : i32 to index
          %get3A_712 = tpu.vector_load %arg9[%get3A_709, %get3A_710, %get3A_711] {strides = array<i32>} : memref<1x64x384xf32, #tpu.memory_space<vmem>>, vector<1x1x16xf32>,
          %get3A_713 = vector.shape_cast %get3A_712 : vector<1x1x16xf32> to vector<16xf32>
          %mul3A_714 = arith.mulf %get3A_713, %get3A_423 : vector<16xf32>
          %mul3A_715 = arith.constant 16 : i32
          %mul3A_716 = arith.muli %add3A_705, %mul3A_715 : i32
          %swap3A_717 = arith.constant 0 : i32
          %swap3A_718 = arith.index_cast %swap3A_717 : i32 to index
          %swap3A_719 = arith.index_cast %add3A_600 : i32 to index
          %swap3A_720 = arith.index_cast %mul3A_716 : i32 to index
          %swap3A_721 = tpu.vector_load %arg9[%swap3A_718, %swap3A_719, %swap3A_720] {strides = array<i32>} : memref<1x64x384xf32, #tpu.memory_space<vmem>>, vector<1x1x16xf32>,
          %swap3A_722 = vector.shape_cast %swap3A_721 : vector<1x1x16xf32> to vector<16xf32>
          %swap3A_723 = vector.shape_cast %mul3A_714 : vector<16xf32> to vector<1x1x16xf32>
          tpu.vector_store %arg9[%swap3A_718, %swap3A_719, %swap3A_720], %swap3A_723 {strides = array<i32>} : memref<1x64x384xf32, #tpu.memory_space<vmem>>, vector<1x1x16xf32>,
          %scan3A_724 = arith.constant 5 : i32
          %scan3A_725 = arith.addi %scan3A_606, %scan3A_724 : i32
          %mul3A_726 = arith.constant 1 : i32
          %mul3A_727 = arith.muli %scan3A_725, %mul3A_726 : i32
          %add3A_728 = arith.constant 0 : i32
          %add3A_729 = arith.addi %add3A_728, %mul3A_727 : i32
          %mul3A_730 = arith.constant 16 : i32
          %mul3A_731 = arith.muli %add3A_729, %mul3A_730 : i32
          %get3A_732 = arith.constant 0 : i32
          %get3A_733 = arith.index_cast %get3A_732 : i32 to index
          %get3A_734 = arith.index_cast %add3A_600 : i32 to index
          %get3A_735 = arith.index_cast %mul3A_731 : i32 to index
          %get3A_736 = tpu.vector_load %arg9[%get3A_733, %get3A_734, %get3A_735] {strides = array<i32>} : memref<1x64x384xf32, #tpu.memory_space<vmem>>, vector<1x1x16xf32>,
          %get3A_737 = vector.shape_cast %get3A_736 : vector<1x1x16xf32> to vector<16xf32>
          %mul3A_738 = arith.mulf %get3A_737, %get3A_423 : vector<16xf32>
          %mul3A_739 = arith.constant 16 : i32
          %mul3A_740 = arith.muli %add3A_729, %mul3A_739 : i32
          %swap3A_741 = arith.constant 0 : i32
          %swap3A_742 = arith.index_cast %swap3A_741 : i32 to index
          %swap3A_743 = arith.index_cast %add3A_600 : i32 to index
          %swap3A_744 = arith.index_cast %mul3A_740 : i32 to index
          %swap3A_745 = tpu.vector_load %arg9[%swap3A_742, %swap3A_743, %swap3A_744] {strides = array<i32>} : memref<1x64x384xf32, #tpu.memory_space<vmem>>, vector<1x1x16xf32>,
          %swap3A_746 = vector.shape_cast %swap3A_745 : vector<1x1x16xf32> to vector<16xf32>
          %swap3A_747 = vector.shape_cast %mul3A_738 : vector<16xf32> to vector<1x1x16xf32>
          tpu.vector_store %arg9[%swap3A_742, %swap3A_743, %swap3A_744], %swap3A_747 {strides = array<i32>} : memref<1x64x384xf32, #tpu.memory_space<vmem>>, vector<1x1x16xf32>,
          %scan3A_748 = arith.constant 6 : i32
          %scan3A_749 = arith.addi %scan3A_606, %scan3A_748 : i32
          %mul3A_750 = arith.constant 1 : i32
          %mul3A_751 = arith.muli %scan3A_749, %mul3A_750 : i32
          %add3A_752 = arith.constant 0 : i32
          %add3A_753 = arith.addi %add3A_752, %mul3A_751 : i32
          %mul3A_754 = arith.constant 16 : i32
          %mul3A_755 = arith.muli %add3A_753, %mul3A_754 : i32
          %get3A_756 = arith.constant 0 : i32
          %get3A_757 = arith.index_cast %get3A_756 : i32 to index
          %get3A_758 = arith.index_cast %add3A_600 : i32 to index
          %get3A_759 = arith.index_cast %mul3A_755 : i32 to index
          %get3A_760 = tpu.vector_load %arg9[%get3A_757, %get3A_758, %get3A_759] {strides = array<i32>} : memref<1x64x384xf32, #tpu.memory_space<vmem>>, vector<1x1x16xf32>,
          %get3A_761 = vector.shape_cast %get3A_760 : vector<1x1x16xf32> to vector<16xf32>
          %mul3A_762 = arith.mulf %get3A_761, %get3A_423 : vector<16xf32>
          %mul3A_763 = arith.constant 16 : i32
          %mul3A_764 = arith.muli %add3A_753, %mul3A_763 : i32
          %swap3A_765 = arith.constant 0 : i32
          %swap3A_766 = arith.index_cast %swap3A_765 : i32 to index
          %swap3A_767 = arith.index_cast %add3A_600 : i32 to index
          %swap3A_768 = arith.index_cast %mul3A_764 : i32 to index
          %swap3A_769 = tpu.vector_load %arg9[%swap3A_766, %swap3A_767, %swap3A_768] {strides = array<i32>} : memref<1x64x384xf32, #tpu.memory_space<vmem>>, vector<1x1x16xf32>,
          %swap3A_770 = vector.shape_cast %swap3A_769 : vector<1x1x16xf32> to vector<16xf32>
          %swap3A_771 = vector.shape_cast %mul3A_762 : vector<16xf32> to vector<1x1x16xf32>
          tpu.vector_store %arg9[%swap3A_766, %swap3A_767, %swap3A_768], %swap3A_771 {strides = array<i32>} : memref<1x64x384xf32, #tpu.memory_space<vmem>>, vector<1x1x16xf32>,
          %scan3A_772 = arith.constant 7 : i32
          %scan3A_773 = arith.addi %scan3A_606, %scan3A_772 : i32
          %mul3A_774 = arith.constant 1 : i32
          %mul3A_775 = arith.muli %scan3A_773, %mul3A_774 : i32
          %add3A_776 = arith.constant 0 : i32
          %add3A_777 = arith.addi %add3A_776, %mul3A_775 : i32
          %mul3A_778 = arith.constant 16 : i32
          %mul3A_779 = arith.muli %add3A_777, %mul3A_778 : i32
          %get3A_780 = arith.constant 0 : i32
          %get3A_781 = arith.index_cast %get3A_780 : i32 to index
          %get3A_782 = arith.index_cast %add3A_600 : i32 to index
          %get3A_783 = arith.index_cast %mul3A_779 : i32 to index
          %get3A_784 = tpu.vector_load %arg9[%get3A_781, %get3A_782, %get3A_783] {strides = array<i32>} : memref<1x64x384xf32, #tpu.memory_space<vmem>>, vector<1x1x16xf32>,
          %get3A_785 = vector.shape_cast %get3A_784 : vector<1x1x16xf32> to vector<16xf32>
          %mul3A_786 = arith.mulf %get3A_785, %get3A_423 : vector<16xf32>
          %mul3A_787 = arith.constant 16 : i32
          %mul3A_788 = arith.muli %add3A_777, %mul3A_787 : i32
          %swap3A_789 = arith.constant 0 : i32
          %swap3A_790 = arith.index_cast %swap3A_789 : i32 to index
          %swap3A_791 = arith.index_cast %add3A_600 : i32 to index
          %swap3A_792 = arith.index_cast %mul3A_788 : i32 to index
          %swap3A_793 = tpu.vector_load %arg9[%swap3A_790, %swap3A_791, %swap3A_792] {strides = array<i32>} : memref<1x64x384xf32, #tpu.memory_space<vmem>>, vector<1x1x16xf32>,
          %swap3A_794 = vector.shape_cast %swap3A_793 : vector<1x1x16xf32> to vector<16xf32>
          %swap3A_795 = vector.shape_cast %mul3A_786 : vector<16xf32> to vector<1x1x16xf32>
          tpu.vector_store %arg9[%swap3A_790, %swap3A_791, %swap3A_792], %swap3A_795 {strides = array<i32>} : memref<1x64x384xf32, #tpu.memory_space<vmem>>, vector<1x1x16xf32>,
        }
        %scan3A_605 = arith.constant 24 : i32
      }
      %scan3A_428 = arith.constant 64 : i32
      %mul3A_429 = arith.constant 49 : i32
      %mul3A_430 = arith.muli %add3A, %mul3A_429 : i32
      %add3A_431 = arith.addi %mul3A_430, %add3A_360 : i32
      %dma_start3A_432 = arith.constant 0 : i32
      %dma_start3A_433 = arith.constant 0 : i32
      %dma_start3A_434 = tpu.memref_slice %arg5[%add3A_431, %dma_start3A_432, %dma_start3A_433] : memref<1568x64x384xf32, #tpu.memory_space<hbm>> -> memref<1x64x384xf32, #tpu.memory_space<hbm>>
      %dma_start3A_435 = arith.constant 0 : i32
      %dma_start3A_436 = arith.constant 0 : i32
      %dma_start3A_437 = tpu.memref_slice %arg5[%add3A_431, %dma_start3A_435, %dma_start3A_436] : memref<1568x64x384xf32, #tpu.memory_space<hbm>> -> memref<1x64x384xf32, #tpu.memory_space<hbm>>
      tpu.enqueue_dma source(%arg9 : memref<1x64x384xf32, #tpu.memory_space<vmem>>) target(%dma_start3A_437 : memref<1x64x384xf32, #tpu.memory_space<hbm>>) target_semaphore(%arg17 : memref<!tpu.dma_semaphore, #tpu.memory_space<semaphore_mem>>)
      %add3A_438 = arith.constant 2 : i32
      %add3A_439 = arith.addi %add3A_291, %add3A_438 : i32
      %dma_wait3A_440 = arith.constant 0 : i32
      %dma_wait3A_441 = arith.constant 0 : i32
      %dma_wait3A_442 = arith.constant 0 : i32
      %dma_wait3A_443 = tpu.memref_slice %arg4[%dma_wait3A_440, %dma_wait3A_441, %dma_wait3A_442] : memref<392x64x384xf32, #tpu.memory_space<hbm>> -> memref<1x64x384xf32, #tpu.memory_space<hbm>>
      %dma_wait3A_444 = arith.constant 0 : i32
      %dma_wait3A_445 = arith.constant 0 : i32
      %dma_wait3A_446 = arith.constant 0 : i32
      %dma_wait3A_447 = tpu.memref_slice %arg4[%dma_wait3A_444, %dma_wait3A_445, %dma_wait3A_446] : memref<392x64x384xf32, #tpu.memory_space<hbm>> -> memref<1x64x384xf32, #tpu.memory_space<hbm>>
      tpu.wait_dma2 semaphore(%arg14 : memref<!tpu.dma_semaphore, #tpu.memory_space<semaphore_mem>>) src(%dma_wait3A_447 : memref<1x64x384xf32, #tpu.memory_space<hbm>>) dst(%arg10 : memref<1x64x384xf32, #tpu.memory_space<vmem>>)
      %add3A_448 = arith.constant 4 : i32
      %add3A_449 = arith.addi %add3A_439, %add3A_448 : i32
      %sub3A_450 = arith.constant 1 : i32
      %sub3A_451 = arith.subi %add3A_449, %sub3A_450 : i32
      %lt3A_452 = arith.constant 49 : i32
      %lt3A_453 = arith.cmpi slt, %sub3A_451, %lt3A_452 : i32
      %convert_element_type3A_454 = arith.extui %lt3A_453 : i1 to i32
      %cond3A_455 = arith.constant 0 : i32
      %cond3A_456 = arith.cmpi ne, %convert_element_type3A_454, %cond3A_455 : i32
      scf.if %cond3A_456 {
        %dma_wait3A_596 = arith.constant 0 : i32
        %dma_wait3A_597 = arith.constant 0 : i32
        %dma_wait3A_598 = arith.constant 0 : i32
        %dma_wait3A_599 = tpu.memref_slice %arg5[%dma_wait3A_596, %dma_wait3A_597, %dma_wait3A_598] : memref<1568x64x384xf32, #tpu.memory_space<hbm>> -> memref<1x64x384xf32, #tpu.memory_space<hbm>>
        %dma_wait3A_600 = arith.constant 0 : i32
        %dma_wait3A_601 = arith.constant 0 : i32
        %dma_wait3A_602 = arith.constant 0 : i32
        %dma_wait3A_603 = tpu.memref_slice %arg5[%dma_wait3A_600, %dma_wait3A_601, %dma_wait3A_602] : memref<1568x64x384xf32, #tpu.memory_space<hbm>> -> memref<1x64x384xf32, #tpu.memory_space<hbm>>
        tpu.wait_dma2 semaphore(%arg17 : memref<!tpu.dma_semaphore, #tpu.memory_space<semaphore_mem>>) src(%arg9 : memref<1x64x384xf32, #tpu.memory_space<vmem>>) dst(%dma_wait3A_603 : memref<1x64x384xf32, #tpu.memory_space<hbm>>)
        %jit3A_604 = arith.constant 8 : i32
        %div3A_605 = arith.divsi %sub3A_451, %jit3A_604 : i32
        %sign3A_606 = arith.constant 0 : i32
        %sign3A_607 = arith.cmpi sgt, %sub3A_451, %sign3A_606 : i32
        %sign3A_608 = arith.extui %sign3A_607 : i1 to i32
        %sign3A_609 = arith.constant 0 : i32
        %sign3A_610 = arith.cmpi slt, %sub3A_451, %sign3A_609 : i32
        %sign3A_611 = arith.extui %sign3A_610 : i1 to i32
        %sign3A_612 = arith.subi %sign3A_608, %sign3A_611 : i32
        %sign3A_613 = arith.constant 0 : i32
        %sign3A_614 = arith.cmpi sgt, %jit3A_604, %sign3A_613 : i32
        %sign3A_615 = arith.extui %sign3A_614 : i1 to i32
        %sign3A_616 = arith.constant 0 : i32
        %sign3A_617 = arith.cmpi slt, %jit3A_604, %sign3A_616 : i32
        %sign3A_618 = arith.extui %sign3A_617 : i1 to i32
        %sign3A_619 = arith.subi %sign3A_615, %sign3A_618 : i32
        %ne3A_620 = arith.cmpi ne, %sign3A_612, %sign3A_619 : i32
        %rem3A_621 = arith.remsi %sub3A_451, %jit3A_604 : i32
        %ne3A_622 = arith.constant 0 : i32
        %ne3A_623 = arith.cmpi ne, %rem3A_621, %ne3A_622 : i32
        %and3A_624 = arith.andi %ne3A_620, %ne3A_623 : i1
        %sub3A_625 = arith.constant 1 : i32
        %sub3A_626 = arith.subi %div3A_605, %sub3A_625 : i32
        %select_n3A_627 = arith.select %and3A_624, %sub3A_626, %div3A_605 : i32
        %jit3A_628 = arith.constant 8 : i32
        %eq3A_629 = arith.constant 0 : i32
        %eq3A_630 = arith.cmpi eq, %jit3A_628, %eq3A_629 : i32
        %jit3A_631 = arith.constant 1 : i32
        %select_n3A_632 = arith.select %eq3A_630, %jit3A_631, %jit3A_628 : i32
        %rem3A_633 = arith.remsi %sub3A_451, %select_n3A_632 : i32
        %ne3A_634 = arith.constant 0 : i32
        %ne3A_635 = arith.cmpi ne, %rem3A_633, %ne3A_634 : i32
        %lt3A_636 = arith.constant 0 : i32
        %lt3A_637 = arith.cmpi slt, %rem3A_633, %lt3A_636 : i32
        %lt3A_638 = arith.constant 0 : i32
        %lt3A_639 = arith.cmpi slt, %select_n3A_632, %lt3A_638 : i32
        %ne3A_640 = arith.xori %lt3A_637, %lt3A_639 : i1
        %and3A_641 = arith.andi %ne3A_640, %ne3A_635 : i1
        %add3A_642 = arith.addi %rem3A_633, %select_n3A_632 : i32
        %select_n3A_643 = arith.select %and3A_641, %add3A_642, %rem3A_633 : i32
        %mul3A_644 = arith.constant 16 : i32
        %mul3A_645 = arith.muli %select_n3A_643, %mul3A_644 : i32
        %get3A_646 = arith.index_cast %select_n3A_627 : i32 to index
        %get3A_647 = arith.index_cast %mul3A_645 : i32 to index
        %get3A_648 = tpu.vector_load %arg6[%get3A_646, %get3A_647] {strides = array<i32>} : memref<8x128xi32, #tpu.memory_space<vmem>>, vector<1x16xi32>,
        %get3A_649 = vector.shape_cast %get3A_648 : vector<1x16xi32> to vector<16xi32>
        %slice3A_650 = vector.extract_strided_slice %get3A_649 {offsets = [0], sizes = [1], strides = [1]} : vector<16xi32> to vector<1xi32>
        %squeeze3A_651 = vector.extract %slice3A_650[0] : i32 from vector<1xi32>
        %dma_start3A_652 = arith.constant 0 : i32
        %dma_start3A_653 = arith.constant 0 : i32
        %dma_start3A_654 = tpu.memref_slice %arg4[%squeeze3A_651, %dma_start3A_652, %dma_start3A_653] : memref<392x64x384xf32, #tpu.memory_space<hbm>> -> memref<1x64x384xf32, #tpu.memory_space<hbm>>
        %dma_start3A_655 = arith.constant 0 : i32
        %dma_start3A_656 = arith.constant 0 : i32
        %dma_start3A_657 = tpu.memref_slice %arg4[%squeeze3A_651, %dma_start3A_655, %dma_start3A_656] : memref<392x64x384xf32, #tpu.memory_space<hbm>> -> memref<1x64x384xf32, #tpu.memory_space<hbm>>
        tpu.enqueue_dma source(%dma_start3A_657 : memref<1x64x384xf32, #tpu.memory_space<hbm>>) target(%arg9 : memref<1x64x384xf32, #tpu.memory_space<vmem>>) target_semaphore(%arg13 : memref<!tpu.dma_semaphore, #tpu.memory_space<semaphore_mem>>)
      } else {
      }
      %jit3A_457 = arith.constant 8 : i32
      %div3A_458 = arith.divsi %add3A_439, %jit3A_457 : i32
      %sign3A_459 = arith.constant 0 : i32
      %sign3A_460 = arith.cmpi sgt, %add3A_439, %sign3A_459 : i32
      %sign3A_461 = arith.extui %sign3A_460 : i1 to i32
      %sign3A_462 = arith.constant 0 : i32
      %sign3A_463 = arith.cmpi slt, %add3A_439, %sign3A_462 : i32
      %sign3A_464 = arith.extui %sign3A_463 : i1 to i32
      %sign3A_465 = arith.subi %sign3A_461, %sign3A_464 : i32
      %sign3A_466 = arith.constant 0 : i32
      %sign3A_467 = arith.cmpi sgt, %jit3A_457, %sign3A_466 : i32
      %sign3A_468 = arith.extui %sign3A_467 : i1 to i32
      %sign3A_469 = arith.constant 0 : i32
      %sign3A_470 = arith.cmpi slt, %jit3A_457, %sign3A_469 : i32
      %sign3A_471 = arith.extui %sign3A_470 : i1 to i32
      %sign3A_472 = arith.subi %sign3A_468, %sign3A_471 : i32
      %ne3A_473 = arith.cmpi ne, %sign3A_465, %sign3A_472 : i32
      %rem3A_474 = arith.remsi %add3A_439, %jit3A_457 : i32
      %ne3A_475 = arith.constant 0 : i32
      %ne3A_476 = arith.cmpi ne, %rem3A_474, %ne3A_475 : i32
      %and3A_477 = arith.andi %ne3A_473, %ne3A_476 : i1
      %sub3A_478 = arith.constant 1 : i32
      %sub3A_479 = arith.subi %div3A_458, %sub3A_478 : i32
      %select_n3A_480 = arith.select %and3A_477, %sub3A_479, %div3A_458 : i32
      %jit3A_481 = arith.constant 8 : i32
      %eq3A_482 = arith.constant 0 : i32
      %eq3A_483 = arith.cmpi eq, %jit3A_481, %eq3A_482 : i32
      %jit3A_484 = arith.constant 1 : i32
      %select_n3A_485 = arith.select %eq3A_483, %jit3A_484, %jit3A_481 : i32
      %rem3A_486 = arith.remsi %add3A_439, %select_n3A_485 : i32
      %ne3A_487 = arith.constant 0 : i32
      %ne3A_488 = arith.cmpi ne, %rem3A_486, %ne3A_487 : i32
      %lt3A_489 = arith.constant 0 : i32
      %lt3A_490 = arith.cmpi slt, %rem3A_486, %lt3A_489 : i32
      %lt3A_491 = arith.constant 0 : i32
      %lt3A_492 = arith.cmpi slt, %select_n3A_485, %lt3A_491 : i32
      %ne3A_493 = arith.xori %lt3A_490, %lt3A_492 : i1
      %and3A_494 = arith.andi %ne3A_493, %ne3A_488 : i1
      %add3A_495 = arith.addi %rem3A_486, %select_n3A_485 : i32
      %select_n3A_496 = arith.select %and3A_494, %add3A_495, %rem3A_486 : i32
      %mul3A_497 = arith.constant 16 : i32
      %mul3A_498 = arith.muli %select_n3A_496, %mul3A_497 : i32
      %get3A_499 = arith.index_cast %select_n3A_480 : i32 to index
      %get3A_500 = arith.index_cast %mul3A_498 : i32 to index
      %get3A_501 = tpu.vector_load %arg7[%get3A_499, %get3A_500] {strides = array<i32>} : memref<8x128xf32, #tpu.memory_space<vmem>>, vector<1x16xf32>,
      %get3A_502 = vector.shape_cast %get3A_501 : vector<1x16xf32> to vector<16xf32>
      %scan3A_503 = arith.constant 0 : i32
      %scan3A_504 = arith.constant 64 : i32
      %scan3A_505 = arith.addi %scan3A_503, %scan3A_504 : i32
      %scan3A_506 = arith.constant 1 : i32
      scf.for %scan3A_596 = %scan3A_503 to %scan3A_505 step %scan3A_506  : i32 {
        %mul3A_597 = arith.constant 1 : i32
        %mul3A_598 = arith.muli %scan3A_596, %mul3A_597 : i32
        %add3A_599 = arith.constant 0 : i32
        %add3A_600 = arith.addi %add3A_599, %mul3A_598 : i32
        %scan3A_601 = arith.constant 0 : i32
        %scan3A_602 = arith.constant 24 : i32
        %scan3A_603 = arith.addi %scan3A_601, %scan3A_602 : i32
        %scan3A_604 = arith.constant 8 : i32
        scf.for %scan3A_606 = %scan3A_601 to %scan3A_603 step %scan3A_604  : i32 {
          %mul3A_607 = arith.constant 1 : i32
          %mul3A_608 = arith.muli %scan3A_606, %mul3A_607 : i32
          %add3A_609 = arith.constant 0 : i32
          %add3A_610 = arith.addi %add3A_609, %mul3A_608 : i32
          %mul3A_611 = arith.constant 16 : i32
          %mul3A_612 = arith.muli %add3A_610, %mul3A_611 : i32
          %get3A_613 = arith.constant 0 : i32
          %get3A_614 = arith.index_cast %get3A_613 : i32 to index
          %get3A_615 = arith.index_cast %add3A_600 : i32 to index
          %get3A_616 = arith.index_cast %mul3A_612 : i32 to index
          %get3A_617 = tpu.vector_load %arg10[%get3A_614, %get3A_615, %get3A_616] {strides = array<i32>} : memref<1x64x384xf32, #tpu.memory_space<vmem>>, vector<1x1x16xf32>,
          %get3A_618 = vector.shape_cast %get3A_617 : vector<1x1x16xf32> to vector<16xf32>
          %mul3A_619 = arith.mulf %get3A_618, %get3A_502 : vector<16xf32>
          %mul3A_620 = arith.constant 16 : i32
          %mul3A_621 = arith.muli %add3A_610, %mul3A_620 : i32
          %swap3A = arith.constant 0 : i32
          %swap3A_622 = arith.index_cast %swap3A : i32 to index
          %swap3A_623 = arith.index_cast %add3A_600 : i32 to index
          %swap3A_624 = arith.index_cast %mul3A_621 : i32 to index
          %swap3A_625 = tpu.vector_load %arg10[%swap3A_622, %swap3A_623, %swap3A_624] {strides = array<i32>} : memref<1x64x384xf32, #tpu.memory_space<vmem>>, vector<1x1x16xf32>,
          %swap3A_626 = vector.shape_cast %swap3A_625 : vector<1x1x16xf32> to vector<16xf32>
          %swap3A_627 = vector.shape_cast %mul3A_619 : vector<16xf32> to vector<1x1x16xf32>
          tpu.vector_store %arg10[%swap3A_622, %swap3A_623, %swap3A_624], %swap3A_627 {strides = array<i32>} : memref<1x64x384xf32, #tpu.memory_space<vmem>>, vector<1x1x16xf32>,
          %scan3A_628 = arith.constant 1 : i32
          %scan3A_629 = arith.addi %scan3A_606, %scan3A_628 : i32
          %mul3A_630 = arith.constant 1 : i32
          %mul3A_631 = arith.muli %scan3A_629, %mul3A_630 : i32
          %add3A_632 = arith.constant 0 : i32
          %add3A_633 = arith.addi %add3A_632, %mul3A_631 : i32
          %mul3A_634 = arith.constant 16 : i32
          %mul3A_635 = arith.muli %add3A_633, %mul3A_634 : i32
          %get3A_636 = arith.constant 0 : i32
          %get3A_637 = arith.index_cast %get3A_636 : i32 to index
          %get3A_638 = arith.index_cast %add3A_600 : i32 to index
          %get3A_639 = arith.index_cast %mul3A_635 : i32 to index
          %get3A_640 = tpu.vector_load %arg10[%get3A_637, %get3A_638, %get3A_639] {strides = array<i32>} : memref<1x64x384xf32, #tpu.memory_space<vmem>>, vector<1x1x16xf32>,
          %get3A_641 = vector.shape_cast %get3A_640 : vector<1x1x16xf32> to vector<16xf32>
          %mul3A_642 = arith.mulf %get3A_641, %get3A_502 : vector<16xf32>
          %mul3A_643 = arith.constant 16 : i32
          %mul3A_644 = arith.muli %add3A_633, %mul3A_643 : i32
          %swap3A_645 = arith.constant 0 : i32
          %swap3A_646 = arith.index_cast %swap3A_645 : i32 to index
          %swap3A_647 = arith.index_cast %add3A_600 : i32 to index
          %swap3A_648 = arith.index_cast %mul3A_644 : i32 to index
          %swap3A_649 = tpu.vector_load %arg10[%swap3A_646, %swap3A_647, %swap3A_648] {strides = array<i32>} : memref<1x64x384xf32, #tpu.memory_space<vmem>>, vector<1x1x16xf32>,
          %swap3A_650 = vector.shape_cast %swap3A_649 : vector<1x1x16xf32> to vector<16xf32>
          %swap3A_651 = vector.shape_cast %mul3A_642 : vector<16xf32> to vector<1x1x16xf32>
          tpu.vector_store %arg10[%swap3A_646, %swap3A_647, %swap3A_648], %swap3A_651 {strides = array<i32>} : memref<1x64x384xf32, #tpu.memory_space<vmem>>, vector<1x1x16xf32>,
          %scan3A_652 = arith.constant 2 : i32
          %scan3A_653 = arith.addi %scan3A_606, %scan3A_652 : i32
          %mul3A_654 = arith.constant 1 : i32
          %mul3A_655 = arith.muli %scan3A_653, %mul3A_654 : i32
          %add3A_656 = arith.constant 0 : i32
          %add3A_657 = arith.addi %add3A_656, %mul3A_655 : i32
          %mul3A_658 = arith.constant 16 : i32
          %mul3A_659 = arith.muli %add3A_657, %mul3A_658 : i32
          %get3A_660 = arith.constant 0 : i32
          %get3A_661 = arith.index_cast %get3A_660 : i32 to index
          %get3A_662 = arith.index_cast %add3A_600 : i32 to index
          %get3A_663 = arith.index_cast %mul3A_659 : i32 to index
          %get3A_664 = tpu.vector_load %arg10[%get3A_661, %get3A_662, %get3A_663] {strides = array<i32>} : memref<1x64x384xf32, #tpu.memory_space<vmem>>, vector<1x1x16xf32>,
          %get3A_665 = vector.shape_cast %get3A_664 : vector<1x1x16xf32> to vector<16xf32>
          %mul3A_666 = arith.mulf %get3A_665, %get3A_502 : vector<16xf32>
          %mul3A_667 = arith.constant 16 : i32
          %mul3A_668 = arith.muli %add3A_657, %mul3A_667 : i32
          %swap3A_669 = arith.constant 0 : i32
          %swap3A_670 = arith.index_cast %swap3A_669 : i32 to index
          %swap3A_671 = arith.index_cast %add3A_600 : i32 to index
          %swap3A_672 = arith.index_cast %mul3A_668 : i32 to index
          %swap3A_673 = tpu.vector_load %arg10[%swap3A_670, %swap3A_671, %swap3A_672] {strides = array<i32>} : memref<1x64x384xf32, #tpu.memory_space<vmem>>, vector<1x1x16xf32>,
          %swap3A_674 = vector.shape_cast %swap3A_673 : vector<1x1x16xf32> to vector<16xf32>
          %swap3A_675 = vector.shape_cast %mul3A_666 : vector<16xf32> to vector<1x1x16xf32>
          tpu.vector_store %arg10[%swap3A_670, %swap3A_671, %swap3A_672], %swap3A_675 {strides = array<i32>} : memref<1x64x384xf32, #tpu.memory_space<vmem>>, vector<1x1x16xf32>,
          %scan3A_676 = arith.constant 3 : i32
          %scan3A_677 = arith.addi %scan3A_606, %scan3A_676 : i32
          %mul3A_678 = arith.constant 1 : i32
          %mul3A_679 = arith.muli %scan3A_677, %mul3A_678 : i32
          %add3A_680 = arith.constant 0 : i32
          %add3A_681 = arith.addi %add3A_680, %mul3A_679 : i32
          %mul3A_682 = arith.constant 16 : i32
          %mul3A_683 = arith.muli %add3A_681, %mul3A_682 : i32
          %get3A_684 = arith.constant 0 : i32
          %get3A_685 = arith.index_cast %get3A_684 : i32 to index
          %get3A_686 = arith.index_cast %add3A_600 : i32 to index
          %get3A_687 = arith.index_cast %mul3A_683 : i32 to index
          %get3A_688 = tpu.vector_load %arg10[%get3A_685, %get3A_686, %get3A_687] {strides = array<i32>} : memref<1x64x384xf32, #tpu.memory_space<vmem>>, vector<1x1x16xf32>,
          %get3A_689 = vector.shape_cast %get3A_688 : vector<1x1x16xf32> to vector<16xf32>
          %mul3A_690 = arith.mulf %get3A_689, %get3A_502 : vector<16xf32>
          %mul3A_691 = arith.constant 16 : i32
          %mul3A_692 = arith.muli %add3A_681, %mul3A_691 : i32
          %swap3A_693 = arith.constant 0 : i32
          %swap3A_694 = arith.index_cast %swap3A_693 : i32 to index
          %swap3A_695 = arith.index_cast %add3A_600 : i32 to index
          %swap3A_696 = arith.index_cast %mul3A_692 : i32 to index
          %swap3A_697 = tpu.vector_load %arg10[%swap3A_694, %swap3A_695, %swap3A_696] {strides = array<i32>} : memref<1x64x384xf32, #tpu.memory_space<vmem>>, vector<1x1x16xf32>,
          %swap3A_698 = vector.shape_cast %swap3A_697 : vector<1x1x16xf32> to vector<16xf32>
          %swap3A_699 = vector.shape_cast %mul3A_690 : vector<16xf32> to vector<1x1x16xf32>
          tpu.vector_store %arg10[%swap3A_694, %swap3A_695, %swap3A_696], %swap3A_699 {strides = array<i32>} : memref<1x64x384xf32, #tpu.memory_space<vmem>>, vector<1x1x16xf32>,
          %scan3A_700 = arith.constant 4 : i32
          %scan3A_701 = arith.addi %scan3A_606, %scan3A_700 : i32
          %mul3A_702 = arith.constant 1 : i32
          %mul3A_703 = arith.muli %scan3A_701, %mul3A_702 : i32
          %add3A_704 = arith.constant 0 : i32
          %add3A_705 = arith.addi %add3A_704, %mul3A_703 : i32
          %mul3A_706 = arith.constant 16 : i32
          %mul3A_707 = arith.muli %add3A_705, %mul3A_706 : i32
          %get3A_708 = arith.constant 0 : i32
          %get3A_709 = arith.index_cast %get3A_708 : i32 to index
          %get3A_710 = arith.index_cast %add3A_600 : i32 to index
          %get3A_711 = arith.index_cast %mul3A_707 : i32 to index
          %get3A_712 = tpu.vector_load %arg10[%get3A_709, %get3A_710, %get3A_711] {strides = array<i32>} : memref<1x64x384xf32, #tpu.memory_space<vmem>>, vector<1x1x16xf32>,
          %get3A_713 = vector.shape_cast %get3A_712 : vector<1x1x16xf32> to vector<16xf32>
          %mul3A_714 = arith.mulf %get3A_713, %get3A_502 : vector<16xf32>
          %mul3A_715 = arith.constant 16 : i32
          %mul3A_716 = arith.muli %add3A_705, %mul3A_715 : i32
          %swap3A_717 = arith.constant 0 : i32
          %swap3A_718 = arith.index_cast %swap3A_717 : i32 to index
          %swap3A_719 = arith.index_cast %add3A_600 : i32 to index
          %swap3A_720 = arith.index_cast %mul3A_716 : i32 to index
          %swap3A_721 = tpu.vector_load %arg10[%swap3A_718, %swap3A_719, %swap3A_720] {strides = array<i32>} : memref<1x64x384xf32, #tpu.memory_space<vmem>>, vector<1x1x16xf32>,
          %swap3A_722 = vector.shape_cast %swap3A_721 : vector<1x1x16xf32> to vector<16xf32>
          %swap3A_723 = vector.shape_cast %mul3A_714 : vector<16xf32> to vector<1x1x16xf32>
          tpu.vector_store %arg10[%swap3A_718, %swap3A_719, %swap3A_720], %swap3A_723 {strides = array<i32>} : memref<1x64x384xf32, #tpu.memory_space<vmem>>, vector<1x1x16xf32>,
          %scan3A_724 = arith.constant 5 : i32
          %scan3A_725 = arith.addi %scan3A_606, %scan3A_724 : i32
          %mul3A_726 = arith.constant 1 : i32
          %mul3A_727 = arith.muli %scan3A_725, %mul3A_726 : i32
          %add3A_728 = arith.constant 0 : i32
          %add3A_729 = arith.addi %add3A_728, %mul3A_727 : i32
          %mul3A_730 = arith.constant 16 : i32
          %mul3A_731 = arith.muli %add3A_729, %mul3A_730 : i32
          %get3A_732 = arith.constant 0 : i32
          %get3A_733 = arith.index_cast %get3A_732 : i32 to index
          %get3A_734 = arith.index_cast %add3A_600 : i32 to index
          %get3A_735 = arith.index_cast %mul3A_731 : i32 to index
          %get3A_736 = tpu.vector_load %arg10[%get3A_733, %get3A_734, %get3A_735] {strides = array<i32>} : memref<1x64x384xf32, #tpu.memory_space<vmem>>, vector<1x1x16xf32>,
          %get3A_737 = vector.shape_cast %get3A_736 : vector<1x1x16xf32> to vector<16xf32>
          %mul3A_738 = arith.mulf %get3A_737, %get3A_502 : vector<16xf32>
          %mul3A_739 = arith.constant 16 : i32
          %mul3A_740 = arith.muli %add3A_729, %mul3A_739 : i32
          %swap3A_741 = arith.constant 0 : i32
          %swap3A_742 = arith.index_cast %swap3A_741 : i32 to index
          %swap3A_743 = arith.index_cast %add3A_600 : i32 to index
          %swap3A_744 = arith.index_cast %mul3A_740 : i32 to index
          %swap3A_745 = tpu.vector_load %arg10[%swap3A_742, %swap3A_743, %swap3A_744] {strides = array<i32>} : memref<1x64x384xf32, #tpu.memory_space<vmem>>, vector<1x1x16xf32>,
          %swap3A_746 = vector.shape_cast %swap3A_745 : vector<1x1x16xf32> to vector<16xf32>
          %swap3A_747 = vector.shape_cast %mul3A_738 : vector<16xf32> to vector<1x1x16xf32>
          tpu.vector_store %arg10[%swap3A_742, %swap3A_743, %swap3A_744], %swap3A_747 {strides = array<i32>} : memref<1x64x384xf32, #tpu.memory_space<vmem>>, vector<1x1x16xf32>,
          %scan3A_748 = arith.constant 6 : i32
          %scan3A_749 = arith.addi %scan3A_606, %scan3A_748 : i32
          %mul3A_750 = arith.constant 1 : i32
          %mul3A_751 = arith.muli %scan3A_749, %mul3A_750 : i32
          %add3A_752 = arith.constant 0 : i32
          %add3A_753 = arith.addi %add3A_752, %mul3A_751 : i32
          %mul3A_754 = arith.constant 16 : i32
          %mul3A_755 = arith.muli %add3A_753, %mul3A_754 : i32
          %get3A_756 = arith.constant 0 : i32
          %get3A_757 = arith.index_cast %get3A_756 : i32 to index
          %get3A_758 = arith.index_cast %add3A_600 : i32 to index
          %get3A_759 = arith.index_cast %mul3A_755 : i32 to index
          %get3A_760 = tpu.vector_load %arg10[%get3A_757, %get3A_758, %get3A_759] {strides = array<i32>} : memref<1x64x384xf32, #tpu.memory_space<vmem>>, vector<1x1x16xf32>,
          %get3A_761 = vector.shape_cast %get3A_760 : vector<1x1x16xf32> to vector<16xf32>
          %mul3A_762 = arith.mulf %get3A_761, %get3A_502 : vector<16xf32>
          %mul3A_763 = arith.constant 16 : i32
          %mul3A_764 = arith.muli %add3A_753, %mul3A_763 : i32
          %swap3A_765 = arith.constant 0 : i32
          %swap3A_766 = arith.index_cast %swap3A_765 : i32 to index
          %swap3A_767 = arith.index_cast %add3A_600 : i32 to index
          %swap3A_768 = arith.index_cast %mul3A_764 : i32 to index
          %swap3A_769 = tpu.vector_load %arg10[%swap3A_766, %swap3A_767, %swap3A_768] {strides = array<i32>} : memref<1x64x384xf32, #tpu.memory_space<vmem>>, vector<1x1x16xf32>,
          %swap3A_770 = vector.shape_cast %swap3A_769 : vector<1x1x16xf32> to vector<16xf32>
          %swap3A_771 = vector.shape_cast %mul3A_762 : vector<16xf32> to vector<1x1x16xf32>
          tpu.vector_store %arg10[%swap3A_766, %swap3A_767, %swap3A_768], %swap3A_771 {strides = array<i32>} : memref<1x64x384xf32, #tpu.memory_space<vmem>>, vector<1x1x16xf32>,
          %scan3A_772 = arith.constant 7 : i32
          %scan3A_773 = arith.addi %scan3A_606, %scan3A_772 : i32
          %mul3A_774 = arith.constant 1 : i32
          %mul3A_775 = arith.muli %scan3A_773, %mul3A_774 : i32
          %add3A_776 = arith.constant 0 : i32
          %add3A_777 = arith.addi %add3A_776, %mul3A_775 : i32
          %mul3A_778 = arith.constant 16 : i32
          %mul3A_779 = arith.muli %add3A_777, %mul3A_778 : i32
          %get3A_780 = arith.constant 0 : i32
          %get3A_781 = arith.index_cast %get3A_780 : i32 to index
          %get3A_782 = arith.index_cast %add3A_600 : i32 to index
          %get3A_783 = arith.index_cast %mul3A_779 : i32 to index
          %get3A_784 = tpu.vector_load %arg10[%get3A_781, %get3A_782, %get3A_783] {strides = array<i32>} : memref<1x64x384xf32, #tpu.memory_space<vmem>>, vector<1x1x16xf32>,
          %get3A_785 = vector.shape_cast %get3A_784 : vector<1x1x16xf32> to vector<16xf32>
          %mul3A_786 = arith.mulf %get3A_785, %get3A_502 : vector<16xf32>
          %mul3A_787 = arith.constant 16 : i32
          %mul3A_788 = arith.muli %add3A_777, %mul3A_787 : i32
          %swap3A_789 = arith.constant 0 : i32
          %swap3A_790 = arith.index_cast %swap3A_789 : i32 to index
          %swap3A_791 = arith.index_cast %add3A_600 : i32 to index
          %swap3A_792 = arith.index_cast %mul3A_788 : i32 to index
          %swap3A_793 = tpu.vector_load %arg10[%swap3A_790, %swap3A_791, %swap3A_792] {strides = array<i32>} : memref<1x64x384xf32, #tpu.memory_space<vmem>>, vector<1x1x16xf32>,
          %swap3A_794 = vector.shape_cast %swap3A_793 : vector<1x1x16xf32> to vector<16xf32>
          %swap3A_795 = vector.shape_cast %mul3A_786 : vector<16xf32> to vector<1x1x16xf32>
          tpu.vector_store %arg10[%swap3A_790, %swap3A_791, %swap3A_792], %swap3A_795 {strides = array<i32>} : memref<1x64x384xf32, #tpu.memory_space<vmem>>, vector<1x1x16xf32>,
        }
        %scan3A_605 = arith.constant 24 : i32
      }
      %scan3A_507 = arith.constant 64 : i32
      %mul3A_508 = arith.constant 49 : i32
      %mul3A_509 = arith.muli %add3A, %mul3A_508 : i32
      %add3A_510 = arith.addi %mul3A_509, %add3A_439 : i32
      %dma_start3A_511 = arith.constant 0 : i32
      %dma_start3A_512 = arith.constant 0 : i32
      %dma_start3A_513 = tpu.memref_slice %arg5[%add3A_510, %dma_start3A_511, %dma_start3A_512] : memref<1568x64x384xf32, #tpu.memory_space<hbm>> -> memref<1x64x384xf32, #tpu.memory_space<hbm>>
      %dma_start3A_514 = arith.constant 0 : i32
      %dma_start3A_515 = arith.constant 0 : i32
      %dma_start3A_516 = tpu.memref_slice %arg5[%add3A_510, %dma_start3A_514, %dma_start3A_515] : memref<1568x64x384xf32, #tpu.memory_space<hbm>> -> memref<1x64x384xf32, #tpu.memory_space<hbm>>
      tpu.enqueue_dma source(%arg10 : memref<1x64x384xf32, #tpu.memory_space<vmem>>) target(%dma_start3A_516 : memref<1x64x384xf32, #tpu.memory_space<hbm>>) target_semaphore(%arg18 : memref<!tpu.dma_semaphore, #tpu.memory_space<semaphore_mem>>)
      %add3A_517 = arith.constant 3 : i32
      %add3A_518 = arith.addi %add3A_291, %add3A_517 : i32
      %dma_wait3A_519 = arith.constant 0 : i32
      %dma_wait3A_520 = arith.constant 0 : i32
      %dma_wait3A_521 = arith.constant 0 : i32
      %dma_wait3A_522 = tpu.memref_slice %arg4[%dma_wait3A_519, %dma_wait3A_520, %dma_wait3A_521] : memref<392x64x384xf32, #tpu.memory_space<hbm>> -> memref<1x64x384xf32, #tpu.memory_space<hbm>>
      %dma_wait3A_523 = arith.constant 0 : i32
      %dma_wait3A_524 = arith.constant 0 : i32
      %dma_wait3A_525 = arith.constant 0 : i32
      %dma_wait3A_526 = tpu.memref_slice %arg4[%dma_wait3A_523, %dma_wait3A_524, %dma_wait3A_525] : memref<392x64x384xf32, #tpu.memory_space<hbm>> -> memref<1x64x384xf32, #tpu.memory_space<hbm>>
      tpu.wait_dma2 semaphore(%arg15 : memref<!tpu.dma_semaphore, #tpu.memory_space<semaphore_mem>>) src(%dma_wait3A_526 : memref<1x64x384xf32, #tpu.memory_space<hbm>>) dst(%arg11 : memref<1x64x384xf32, #tpu.memory_space<vmem>>)
      %add3A_527 = arith.constant 4 : i32
      %add3A_528 = arith.addi %add3A_518, %add3A_527 : i32
      %sub3A_529 = arith.constant 1 : i32
      %sub3A_530 = arith.subi %add3A_528, %sub3A_529 : i32
      %lt3A_531 = arith.constant 49 : i32
      %lt3A_532 = arith.cmpi slt, %sub3A_530, %lt3A_531 : i32
      %convert_element_type3A_533 = arith.extui %lt3A_532 : i1 to i32
      %cond3A_534 = arith.constant 0 : i32
      %cond3A_535 = arith.cmpi ne, %convert_element_type3A_533, %cond3A_534 : i32
      scf.if %cond3A_535 {
        %dma_wait3A_596 = arith.constant 0 : i32
        %dma_wait3A_597 = arith.constant 0 : i32
        %dma_wait3A_598 = arith.constant 0 : i32
        %dma_wait3A_599 = tpu.memref_slice %arg5[%dma_wait3A_596, %dma_wait3A_597, %dma_wait3A_598] : memref<1568x64x384xf32, #tpu.memory_space<hbm>> -> memref<1x64x384xf32, #tpu.memory_space<hbm>>
        %dma_wait3A_600 = arith.constant 0 : i32
        %dma_wait3A_601 = arith.constant 0 : i32
        %dma_wait3A_602 = arith.constant 0 : i32
        %dma_wait3A_603 = tpu.memref_slice %arg5[%dma_wait3A_600, %dma_wait3A_601, %dma_wait3A_602] : memref<1568x64x384xf32, #tpu.memory_space<hbm>> -> memref<1x64x384xf32, #tpu.memory_space<hbm>>
        tpu.wait_dma2 semaphore(%arg18 : memref<!tpu.dma_semaphore, #tpu.memory_space<semaphore_mem>>) src(%arg10 : memref<1x64x384xf32, #tpu.memory_space<vmem>>) dst(%dma_wait3A_603 : memref<1x64x384xf32, #tpu.memory_space<hbm>>)
        %jit3A_604 = arith.constant 8 : i32
        %div3A_605 = arith.divsi %sub3A_530, %jit3A_604 : i32
        %sign3A_606 = arith.constant 0 : i32
        %sign3A_607 = arith.cmpi sgt, %sub3A_530, %sign3A_606 : i32
        %sign3A_608 = arith.extui %sign3A_607 : i1 to i32
        %sign3A_609 = arith.constant 0 : i32
        %sign3A_610 = arith.cmpi slt, %sub3A_530, %sign3A_609 : i32
        %sign3A_611 = arith.extui %sign3A_610 : i1 to i32
        %sign3A_612 = arith.subi %sign3A_608, %sign3A_611 : i32
        %sign3A_613 = arith.constant 0 : i32
        %sign3A_614 = arith.cmpi sgt, %jit3A_604, %sign3A_613 : i32
        %sign3A_615 = arith.extui %sign3A_614 : i1 to i32
        %sign3A_616 = arith.constant 0 : i32
        %sign3A_617 = arith.cmpi slt, %jit3A_604, %sign3A_616 : i32
        %sign3A_618 = arith.extui %sign3A_617 : i1 to i32
        %sign3A_619 = arith.subi %sign3A_615, %sign3A_618 : i32
        %ne3A_620 = arith.cmpi ne, %sign3A_612, %sign3A_619 : i32
        %rem3A_621 = arith.remsi %sub3A_530, %jit3A_604 : i32
        %ne3A_622 = arith.constant 0 : i32
        %ne3A_623 = arith.cmpi ne, %rem3A_621, %ne3A_622 : i32
        %and3A_624 = arith.andi %ne3A_620, %ne3A_623 : i1
        %sub3A_625 = arith.constant 1 : i32
        %sub3A_626 = arith.subi %div3A_605, %sub3A_625 : i32
        %select_n3A_627 = arith.select %and3A_624, %sub3A_626, %div3A_605 : i32
        %jit3A_628 = arith.constant 8 : i32
        %eq3A_629 = arith.constant 0 : i32
        %eq3A_630 = arith.cmpi eq, %jit3A_628, %eq3A_629 : i32
        %jit3A_631 = arith.constant 1 : i32
        %select_n3A_632 = arith.select %eq3A_630, %jit3A_631, %jit3A_628 : i32
        %rem3A_633 = arith.remsi %sub3A_530, %select_n3A_632 : i32
        %ne3A_634 = arith.constant 0 : i32
        %ne3A_635 = arith.cmpi ne, %rem3A_633, %ne3A_634 : i32
        %lt3A_636 = arith.constant 0 : i32
        %lt3A_637 = arith.cmpi slt, %rem3A_633, %lt3A_636 : i32
        %lt3A_638 = arith.constant 0 : i32
        %lt3A_639 = arith.cmpi slt, %select_n3A_632, %lt3A_638 : i32
        %ne3A_640 = arith.xori %lt3A_637, %lt3A_639 : i1
        %and3A_641 = arith.andi %ne3A_640, %ne3A_635 : i1
        %add3A_642 = arith.addi %rem3A_633, %select_n3A_632 : i32
        %select_n3A_643 = arith.select %and3A_641, %add3A_642, %rem3A_633 : i32
        %mul3A_644 = arith.constant 16 : i32
        %mul3A_645 = arith.muli %select_n3A_643, %mul3A_644 : i32
        %get3A_646 = arith.index_cast %select_n3A_627 : i32 to index
        %get3A_647 = arith.index_cast %mul3A_645 : i32 to index
        %get3A_648 = tpu.vector_load %arg6[%get3A_646, %get3A_647] {strides = array<i32>} : memref<8x128xi32, #tpu.memory_space<vmem>>, vector<1x16xi32>,
        %get3A_649 = vector.shape_cast %get3A_648 : vector<1x16xi32> to vector<16xi32>
        %slice3A_650 = vector.extract_strided_slice %get3A_649 {offsets = [0], sizes = [1], strides = [1]} : vector<16xi32> to vector<1xi32>
        %squeeze3A_651 = vector.extract %slice3A_650[0] : i32 from vector<1xi32>
        %dma_start3A_652 = arith.constant 0 : i32
        %dma_start3A_653 = arith.constant 0 : i32
        %dma_start3A_654 = tpu.memref_slice %arg4[%squeeze3A_651, %dma_start3A_652, %dma_start3A_653] : memref<392x64x384xf32, #tpu.memory_space<hbm>> -> memref<1x64x384xf32, #tpu.memory_space<hbm>>
        %dma_start3A_655 = arith.constant 0 : i32
        %dma_start3A_656 = arith.constant 0 : i32
        %dma_start3A_657 = tpu.memref_slice %arg4[%squeeze3A_651, %dma_start3A_655, %dma_start3A_656] : memref<392x64x384xf32, #tpu.memory_space<hbm>> -> memref<1x64x384xf32, #tpu.memory_space<hbm>>
        tpu.enqueue_dma source(%dma_start3A_657 : memref<1x64x384xf32, #tpu.memory_space<hbm>>) target(%arg10 : memref<1x64x384xf32, #tpu.memory_space<vmem>>) target_semaphore(%arg14 : memref<!tpu.dma_semaphore, #tpu.memory_space<semaphore_mem>>)
      } else {
      }
      %jit3A_536 = arith.constant 8 : i32
      %div3A_537 = arith.divsi %add3A_518, %jit3A_536 : i32
      %sign3A_538 = arith.constant 0 : i32
      %sign3A_539 = arith.cmpi sgt, %add3A_518, %sign3A_538 : i32
      %sign3A_540 = arith.extui %sign3A_539 : i1 to i32
      %sign3A_541 = arith.constant 0 : i32
      %sign3A_542 = arith.cmpi slt, %add3A_518, %sign3A_541 : i32
      %sign3A_543 = arith.extui %sign3A_542 : i1 to i32
      %sign3A_544 = arith.subi %sign3A_540, %sign3A_543 : i32
      %sign3A_545 = arith.constant 0 : i32
      %sign3A_546 = arith.cmpi sgt, %jit3A_536, %sign3A_545 : i32
      %sign3A_547 = arith.extui %sign3A_546 : i1 to i32
      %sign3A_548 = arith.constant 0 : i32
      %sign3A_549 = arith.cmpi slt, %jit3A_536, %sign3A_548 : i32
      %sign3A_550 = arith.extui %sign3A_549 : i1 to i32
      %sign3A_551 = arith.subi %sign3A_547, %sign3A_550 : i32
      %ne3A_552 = arith.cmpi ne, %sign3A_544, %sign3A_551 : i32
      %rem3A_553 = arith.remsi %add3A_518, %jit3A_536 : i32
      %ne3A_554 = arith.constant 0 : i32
      %ne3A_555 = arith.cmpi ne, %rem3A_553, %ne3A_554 : i32
      %and3A_556 = arith.andi %ne3A_552, %ne3A_555 : i1
      %sub3A_557 = arith.constant 1 : i32
      %sub3A_558 = arith.subi %div3A_537, %sub3A_557 : i32
      %select_n3A_559 = arith.select %and3A_556, %sub3A_558, %div3A_537 : i32
      %jit3A_560 = arith.constant 8 : i32
      %eq3A_561 = arith.constant 0 : i32
      %eq3A_562 = arith.cmpi eq, %jit3A_560, %eq3A_561 : i32
      %jit3A_563 = arith.constant 1 : i32
      %select_n3A_564 = arith.select %eq3A_562, %jit3A_563, %jit3A_560 : i32
      %rem3A_565 = arith.remsi %add3A_518, %select_n3A_564 : i32
      %ne3A_566 = arith.constant 0 : i32
      %ne3A_567 = arith.cmpi ne, %rem3A_565, %ne3A_566 : i32
      %lt3A_568 = arith.constant 0 : i32
      %lt3A_569 = arith.cmpi slt, %rem3A_565, %lt3A_568 : i32
      %lt3A_570 = arith.constant 0 : i32
      %lt3A_571 = arith.cmpi slt, %select_n3A_564, %lt3A_570 : i32
      %ne3A_572 = arith.xori %lt3A_569, %lt3A_571 : i1
      %and3A_573 = arith.andi %ne3A_572, %ne3A_567 : i1
      %add3A_574 = arith.addi %rem3A_565, %select_n3A_564 : i32
      %select_n3A_575 = arith.select %and3A_573, %add3A_574, %rem3A_565 : i32
      %mul3A_576 = arith.constant 16 : i32
      %mul3A_577 = arith.muli %select_n3A_575, %mul3A_576 : i32
      %get3A_578 = arith.index_cast %select_n3A_559 : i32 to index
      %get3A_579 = arith.index_cast %mul3A_577 : i32 to index
      %get3A_580 = tpu.vector_load %arg7[%get3A_578, %get3A_579] {strides = array<i32>} : memref<8x128xf32, #tpu.memory_space<vmem>>, vector<1x16xf32>,
      %get3A_581 = vector.shape_cast %get3A_580 : vector<1x16xf32> to vector<16xf32>
      %scan3A_582 = arith.constant 0 : i32
      %scan3A_583 = arith.constant 64 : i32
      %scan3A_584 = arith.addi %scan3A_582, %scan3A_583 : i32
      %scan3A_585 = arith.constant 1 : i32
      scf.for %scan3A_596 = %scan3A_582 to %scan3A_584 step %scan3A_585  : i32 {
        %mul3A_597 = arith.constant 1 : i32
        %mul3A_598 = arith.muli %scan3A_596, %mul3A_597 : i32
        %add3A_599 = arith.constant 0 : i32
        %add3A_600 = arith.addi %add3A_599, %mul3A_598 : i32
        %scan3A_601 = arith.constant 0 : i32
        %scan3A_602 = arith.constant 24 : i32
        %scan3A_603 = arith.addi %scan3A_601, %scan3A_602 : i32
        %scan3A_604 = arith.constant 8 : i32
        scf.for %scan3A_606 = %scan3A_601 to %scan3A_603 step %scan3A_604  : i32 {
          %mul3A_607 = arith.constant 1 : i32
          %mul3A_608 = arith.muli %scan3A_606, %mul3A_607 : i32
          %add3A_609 = arith.constant 0 : i32
          %add3A_610 = arith.addi %add3A_609, %mul3A_608 : i32
          %mul3A_611 = arith.constant 16 : i32
          %mul3A_612 = arith.muli %add3A_610, %mul3A_611 : i32
          %get3A_613 = arith.constant 0 : i32
          %get3A_614 = arith.index_cast %get3A_613 : i32 to index
          %get3A_615 = arith.index_cast %add3A_600 : i32 to index
          %get3A_616 = arith.index_cast %mul3A_612 : i32 to index
          %get3A_617 = tpu.vector_load %arg11[%get3A_614, %get3A_615, %get3A_616] {strides = array<i32>} : memref<1x64x384xf32, #tpu.memory_space<vmem>>, vector<1x1x16xf32>,
          %get3A_618 = vector.shape_cast %get3A_617 : vector<1x1x16xf32> to vector<16xf32>
          %mul3A_619 = arith.mulf %get3A_618, %get3A_581 : vector<16xf32>
          %mul3A_620 = arith.constant 16 : i32
          %mul3A_621 = arith.muli %add3A_610, %mul3A_620 : i32
          %swap3A = arith.constant 0 : i32
          %swap3A_622 = arith.index_cast %swap3A : i32 to index
          %swap3A_623 = arith.index_cast %add3A_600 : i32 to index
          %swap3A_624 = arith.index_cast %mul3A_621 : i32 to index
          %swap3A_625 = tpu.vector_load %arg11[%swap3A_622, %swap3A_623, %swap3A_624] {strides = array<i32>} : memref<1x64x384xf32, #tpu.memory_space<vmem>>, vector<1x1x16xf32>,
          %swap3A_626 = vector.shape_cast %swap3A_625 : vector<1x1x16xf32> to vector<16xf32>
          %swap3A_627 = vector.shape_cast %mul3A_619 : vector<16xf32> to vector<1x1x16xf32>
          tpu.vector_store %arg11[%swap3A_622, %swap3A_623, %swap3A_624], %swap3A_627 {strides = array<i32>} : memref<1x64x384xf32, #tpu.memory_space<vmem>>, vector<1x1x16xf32>,
          %scan3A_628 = arith.constant 1 : i32
          %scan3A_629 = arith.addi %scan3A_606, %scan3A_628 : i32
          %mul3A_630 = arith.constant 1 : i32
          %mul3A_631 = arith.muli %scan3A_629, %mul3A_630 : i32
          %add3A_632 = arith.constant 0 : i32
          %add3A_633 = arith.addi %add3A_632, %mul3A_631 : i32
          %mul3A_634 = arith.constant 16 : i32
          %mul3A_635 = arith.muli %add3A_633, %mul3A_634 : i32
          %get3A_636 = arith.constant 0 : i32
          %get3A_637 = arith.index_cast %get3A_636 : i32 to index
          %get3A_638 = arith.index_cast %add3A_600 : i32 to index
          %get3A_639 = arith.index_cast %mul3A_635 : i32 to index
          %get3A_640 = tpu.vector_load %arg11[%get3A_637, %get3A_638, %get3A_639] {strides = array<i32>} : memref<1x64x384xf32, #tpu.memory_space<vmem>>, vector<1x1x16xf32>,
          %get3A_641 = vector.shape_cast %get3A_640 : vector<1x1x16xf32> to vector<16xf32>
          %mul3A_642 = arith.mulf %get3A_641, %get3A_581 : vector<16xf32>
          %mul3A_643 = arith.constant 16 : i32
          %mul3A_644 = arith.muli %add3A_633, %mul3A_643 : i32
          %swap3A_645 = arith.constant 0 : i32
          %swap3A_646 = arith.index_cast %swap3A_645 : i32 to index
          %swap3A_647 = arith.index_cast %add3A_600 : i32 to index
          %swap3A_648 = arith.index_cast %mul3A_644 : i32 to index
          %swap3A_649 = tpu.vector_load %arg11[%swap3A_646, %swap3A_647, %swap3A_648] {strides = array<i32>} : memref<1x64x384xf32, #tpu.memory_space<vmem>>, vector<1x1x16xf32>,
          %swap3A_650 = vector.shape_cast %swap3A_649 : vector<1x1x16xf32> to vector<16xf32>
          %swap3A_651 = vector.shape_cast %mul3A_642 : vector<16xf32> to vector<1x1x16xf32>
          tpu.vector_store %arg11[%swap3A_646, %swap3A_647, %swap3A_648], %swap3A_651 {strides = array<i32>} : memref<1x64x384xf32, #tpu.memory_space<vmem>>, vector<1x1x16xf32>,
          %scan3A_652 = arith.constant 2 : i32
          %scan3A_653 = arith.addi %scan3A_606, %scan3A_652 : i32
          %mul3A_654 = arith.constant 1 : i32
          %mul3A_655 = arith.muli %scan3A_653, %mul3A_654 : i32
          %add3A_656 = arith.constant 0 : i32
          %add3A_657 = arith.addi %add3A_656, %mul3A_655 : i32
          %mul3A_658 = arith.constant 16 : i32
          %mul3A_659 = arith.muli %add3A_657, %mul3A_658 : i32
          %get3A_660 = arith.constant 0 : i32
          %get3A_661 = arith.index_cast %get3A_660 : i32 to index
          %get3A_662 = arith.index_cast %add3A_600 : i32 to index
          %get3A_663 = arith.index_cast %mul3A_659 : i32 to index
          %get3A_664 = tpu.vector_load %arg11[%get3A_661, %get3A_662, %get3A_663] {strides = array<i32>} : memref<1x64x384xf32, #tpu.memory_space<vmem>>, vector<1x1x16xf32>,
          %get3A_665 = vector.shape_cast %get3A_664 : vector<1x1x16xf32> to vector<16xf32>
          %mul3A_666 = arith.mulf %get3A_665, %get3A_581 : vector<16xf32>
          %mul3A_667 = arith.constant 16 : i32
          %mul3A_668 = arith.muli %add3A_657, %mul3A_667 : i32
          %swap3A_669 = arith.constant 0 : i32
          %swap3A_670 = arith.index_cast %swap3A_669 : i32 to index
          %swap3A_671 = arith.index_cast %add3A_600 : i32 to index
          %swap3A_672 = arith.index_cast %mul3A_668 : i32 to index
          %swap3A_673 = tpu.vector_load %arg11[%swap3A_670, %swap3A_671, %swap3A_672] {strides = array<i32>} : memref<1x64x384xf32, #tpu.memory_space<vmem>>, vector<1x1x16xf32>,
          %swap3A_674 = vector.shape_cast %swap3A_673 : vector<1x1x16xf32> to vector<16xf32>
          %swap3A_675 = vector.shape_cast %mul3A_666 : vector<16xf32> to vector<1x1x16xf32>
          tpu.vector_store %arg11[%swap3A_670, %swap3A_671, %swap3A_672], %swap3A_675 {strides = array<i32>} : memref<1x64x384xf32, #tpu.memory_space<vmem>>, vector<1x1x16xf32>,
          %scan3A_676 = arith.constant 3 : i32
          %scan3A_677 = arith.addi %scan3A_606, %scan3A_676 : i32
          %mul3A_678 = arith.constant 1 : i32
          %mul3A_679 = arith.muli %scan3A_677, %mul3A_678 : i32
          %add3A_680 = arith.constant 0 : i32
          %add3A_681 = arith.addi %add3A_680, %mul3A_679 : i32
          %mul3A_682 = arith.constant 16 : i32
          %mul3A_683 = arith.muli %add3A_681, %mul3A_682 : i32
          %get3A_684 = arith.constant 0 : i32
          %get3A_685 = arith.index_cast %get3A_684 : i32 to index
          %get3A_686 = arith.index_cast %add3A_600 : i32 to index
          %get3A_687 = arith.index_cast %mul3A_683 : i32 to index
          %get3A_688 = tpu.vector_load %arg11[%get3A_685, %get3A_686, %get3A_687] {strides = array<i32>} : memref<1x64x384xf32, #tpu.memory_space<vmem>>, vector<1x1x16xf32>,
          %get3A_689 = vector.shape_cast %get3A_688 : vector<1x1x16xf32> to vector<16xf32>
          %mul3A_690 = arith.mulf %get3A_689, %get3A_581 : vector<16xf32>
          %mul3A_691 = arith.constant 16 : i32
          %mul3A_692 = arith.muli %add3A_681, %mul3A_691 : i32
          %swap3A_693 = arith.constant 0 : i32
          %swap3A_694 = arith.index_cast %swap3A_693 : i32 to index
          %swap3A_695 = arith.index_cast %add3A_600 : i32 to index
          %swap3A_696 = arith.index_cast %mul3A_692 : i32 to index
          %swap3A_697 = tpu.vector_load %arg11[%swap3A_694, %swap3A_695, %swap3A_696] {strides = array<i32>} : memref<1x64x384xf32, #tpu.memory_space<vmem>>, vector<1x1x16xf32>,
          %swap3A_698 = vector.shape_cast %swap3A_697 : vector<1x1x16xf32> to vector<16xf32>
          %swap3A_699 = vector.shape_cast %mul3A_690 : vector<16xf32> to vector<1x1x16xf32>
          tpu.vector_store %arg11[%swap3A_694, %swap3A_695, %swap3A_696], %swap3A_699 {strides = array<i32>} : memref<1x64x384xf32, #tpu.memory_space<vmem>>, vector<1x1x16xf32>,
          %scan3A_700 = arith.constant 4 : i32
          %scan3A_701 = arith.addi %scan3A_606, %scan3A_700 : i32
          %mul3A_702 = arith.constant 1 : i32
          %mul3A_703 = arith.muli %scan3A_701, %mul3A_702 : i32
          %add3A_704 = arith.constant 0 : i32
          %add3A_705 = arith.addi %add3A_704, %mul3A_703 : i32
          %mul3A_706 = arith.constant 16 : i32
          %mul3A_707 = arith.muli %add3A_705, %mul3A_706 : i32
          %get3A_708 = arith.constant 0 : i32
          %get3A_709 = arith.index_cast %get3A_708 : i32 to index
          %get3A_710 = arith.index_cast %add3A_600 : i32 to index
          %get3A_711 = arith.index_cast %mul3A_707 : i32 to index
          %get3A_712 = tpu.vector_load %arg11[%get3A_709, %get3A_710, %get3A_711] {strides = array<i32>} : memref<1x64x384xf32, #tpu.memory_space<vmem>>, vector<1x1x16xf32>,
          %get3A_713 = vector.shape_cast %get3A_712 : vector<1x1x16xf32> to vector<16xf32>
          %mul3A_714 = arith.mulf %get3A_713, %get3A_581 : vector<16xf32>
          %mul3A_715 = arith.constant 16 : i32
          %mul3A_716 = arith.muli %add3A_705, %mul3A_715 : i32
          %swap3A_717 = arith.constant 0 : i32
          %swap3A_718 = arith.index_cast %swap3A_717 : i32 to index
          %swap3A_719 = arith.index_cast %add3A_600 : i32 to index
          %swap3A_720 = arith.index_cast %mul3A_716 : i32 to index
          %swap3A_721 = tpu.vector_load %arg11[%swap3A_718, %swap3A_719, %swap3A_720] {strides = array<i32>} : memref<1x64x384xf32, #tpu.memory_space<vmem>>, vector<1x1x16xf32>,
          %swap3A_722 = vector.shape_cast %swap3A_721 : vector<1x1x16xf32> to vector<16xf32>
          %swap3A_723 = vector.shape_cast %mul3A_714 : vector<16xf32> to vector<1x1x16xf32>
          tpu.vector_store %arg11[%swap3A_718, %swap3A_719, %swap3A_720], %swap3A_723 {strides = array<i32>} : memref<1x64x384xf32, #tpu.memory_space<vmem>>, vector<1x1x16xf32>,
          %scan3A_724 = arith.constant 5 : i32
          %scan3A_725 = arith.addi %scan3A_606, %scan3A_724 : i32
          %mul3A_726 = arith.constant 1 : i32
          %mul3A_727 = arith.muli %scan3A_725, %mul3A_726 : i32
          %add3A_728 = arith.constant 0 : i32
          %add3A_729 = arith.addi %add3A_728, %mul3A_727 : i32
          %mul3A_730 = arith.constant 16 : i32
          %mul3A_731 = arith.muli %add3A_729, %mul3A_730 : i32
          %get3A_732 = arith.constant 0 : i32
          %get3A_733 = arith.index_cast %get3A_732 : i32 to index
          %get3A_734 = arith.index_cast %add3A_600 : i32 to index
          %get3A_735 = arith.index_cast %mul3A_731 : i32 to index
          %get3A_736 = tpu.vector_load %arg11[%get3A_733, %get3A_734, %get3A_735] {strides = array<i32>} : memref<1x64x384xf32, #tpu.memory_space<vmem>>, vector<1x1x16xf32>,
          %get3A_737 = vector.shape_cast %get3A_736 : vector<1x1x16xf32> to vector<16xf32>
          %mul3A_738 = arith.mulf %get3A_737, %get3A_581 : vector<16xf32>
          %mul3A_739 = arith.constant 16 : i32
          %mul3A_740 = arith.muli %add3A_729, %mul3A_739 : i32
          %swap3A_741 = arith.constant 0 : i32
          %swap3A_742 = arith.index_cast %swap3A_741 : i32 to index
          %swap3A_743 = arith.index_cast %add3A_600 : i32 to index
          %swap3A_744 = arith.index_cast %mul3A_740 : i32 to index
          %swap3A_745 = tpu.vector_load %arg11[%swap3A_742, %swap3A_743, %swap3A_744] {strides = array<i32>} : memref<1x64x384xf32, #tpu.memory_space<vmem>>, vector<1x1x16xf32>,
          %swap3A_746 = vector.shape_cast %swap3A_745 : vector<1x1x16xf32> to vector<16xf32>
          %swap3A_747 = vector.shape_cast %mul3A_738 : vector<16xf32> to vector<1x1x16xf32>
          tpu.vector_store %arg11[%swap3A_742, %swap3A_743, %swap3A_744], %swap3A_747 {strides = array<i32>} : memref<1x64x384xf32, #tpu.memory_space<vmem>>, vector<1x1x16xf32>,
          %scan3A_748 = arith.constant 6 : i32
          %scan3A_749 = arith.addi %scan3A_606, %scan3A_748 : i32
          %mul3A_750 = arith.constant 1 : i32
          %mul3A_751 = arith.muli %scan3A_749, %mul3A_750 : i32
          %add3A_752 = arith.constant 0 : i32
          %add3A_753 = arith.addi %add3A_752, %mul3A_751 : i32
          %mul3A_754 = arith.constant 16 : i32
          %mul3A_755 = arith.muli %add3A_753, %mul3A_754 : i32
          %get3A_756 = arith.constant 0 : i32
          %get3A_757 = arith.index_cast %get3A_756 : i32 to index
          %get3A_758 = arith.index_cast %add3A_600 : i32 to index
          %get3A_759 = arith.index_cast %mul3A_755 : i32 to index
          %get3A_760 = tpu.vector_load %arg11[%get3A_757, %get3A_758, %get3A_759] {strides = array<i32>} : memref<1x64x384xf32, #tpu.memory_space<vmem>>, vector<1x1x16xf32>,
          %get3A_761 = vector.shape_cast %get3A_760 : vector<1x1x16xf32> to vector<16xf32>
          %mul3A_762 = arith.mulf %get3A_761, %get3A_581 : vector<16xf32>
          %mul3A_763 = arith.constant 16 : i32
          %mul3A_764 = arith.muli %add3A_753, %mul3A_763 : i32
          %swap3A_765 = arith.constant 0 : i32
          %swap3A_766 = arith.index_cast %swap3A_765 : i32 to index
          %swap3A_767 = arith.index_cast %add3A_600 : i32 to index
          %swap3A_768 = arith.index_cast %mul3A_764 : i32 to index
          %swap3A_769 = tpu.vector_load %arg11[%swap3A_766, %swap3A_767, %swap3A_768] {strides = array<i32>} : memref<1x64x384xf32, #tpu.memory_space<vmem>>, vector<1x1x16xf32>,
          %swap3A_770 = vector.shape_cast %swap3A_769 : vector<1x1x16xf32> to vector<16xf32>
          %swap3A_771 = vector.shape_cast %mul3A_762 : vector<16xf32> to vector<1x1x16xf32>
          tpu.vector_store %arg11[%swap3A_766, %swap3A_767, %swap3A_768], %swap3A_771 {strides = array<i32>} : memref<1x64x384xf32, #tpu.memory_space<vmem>>, vector<1x1x16xf32>,
          %scan3A_772 = arith.constant 7 : i32
          %scan3A_773 = arith.addi %scan3A_606, %scan3A_772 : i32
          %mul3A_774 = arith.constant 1 : i32
          %mul3A_775 = arith.muli %scan3A_773, %mul3A_774 : i32
          %add3A_776 = arith.constant 0 : i32
          %add3A_777 = arith.addi %add3A_776, %mul3A_775 : i32
          %mul3A_778 = arith.constant 16 : i32
          %mul3A_779 = arith.muli %add3A_777, %mul3A_778 : i32
          %get3A_780 = arith.constant 0 : i32
          %get3A_781 = arith.index_cast %get3A_780 : i32 to index
          %get3A_782 = arith.index_cast %add3A_600 : i32 to index
          %get3A_783 = arith.index_cast %mul3A_779 : i32 to index
          %get3A_784 = tpu.vector_load %arg11[%get3A_781, %get3A_782, %get3A_783] {strides = array<i32>} : memref<1x64x384xf32, #tpu.memory_space<vmem>>, vector<1x1x16xf32>,
          %get3A_785 = vector.shape_cast %get3A_784 : vector<1x1x16xf32> to vector<16xf32>
          %mul3A_786 = arith.mulf %get3A_785, %get3A_581 : vector<16xf32>
          %mul3A_787 = arith.constant 16 : i32
          %mul3A_788 = arith.muli %add3A_777, %mul3A_787 : i32
          %swap3A_789 = arith.constant 0 : i32
          %swap3A_790 = arith.index_cast %swap3A_789 : i32 to index
          %swap3A_791 = arith.index_cast %add3A_600 : i32 to index
          %swap3A_792 = arith.index_cast %mul3A_788 : i32 to index
          %swap3A_793 = tpu.vector_load %arg11[%swap3A_790, %swap3A_791, %swap3A_792] {strides = array<i32>} : memref<1x64x384xf32, #tpu.memory_space<vmem>>, vector<1x1x16xf32>,
          %swap3A_794 = vector.shape_cast %swap3A_793 : vector<1x1x16xf32> to vector<16xf32>
          %swap3A_795 = vector.shape_cast %mul3A_786 : vector<16xf32> to vector<1x1x16xf32>
          tpu.vector_store %arg11[%swap3A_790, %swap3A_791, %swap3A_792], %swap3A_795 {strides = array<i32>} : memref<1x64x384xf32, #tpu.memory_space<vmem>>, vector<1x1x16xf32>,
        }
        %scan3A_605 = arith.constant 24 : i32
      }
      %scan3A_586 = arith.constant 64 : i32
      %mul3A_587 = arith.constant 49 : i32
      %mul3A_588 = arith.muli %add3A, %mul3A_587 : i32
      %add3A_589 = arith.addi %mul3A_588, %add3A_518 : i32
      %dma_start3A_590 = arith.constant 0 : i32
      %dma_start3A_591 = arith.constant 0 : i32
      %dma_start3A_592 = tpu.memref_slice %arg5[%add3A_589, %dma_start3A_590, %dma_start3A_591] : memref<1568x64x384xf32, #tpu.memory_space<hbm>> -> memref<1x64x384xf32, #tpu.memory_space<hbm>>
      %dma_start3A_593 = arith.constant 0 : i32
      %dma_start3A_594 = arith.constant 0 : i32
      %dma_start3A_595 = tpu.memref_slice %arg5[%add3A_589, %dma_start3A_593, %dma_start3A_594] : memref<1568x64x384xf32, #tpu.memory_space<hbm>> -> memref<1x64x384xf32, #tpu.memory_space<hbm>>
      tpu.enqueue_dma source(%arg11 : memref<1x64x384xf32, #tpu.memory_space<vmem>>) target(%dma_start3A_595 : memref<1x64x384xf32, #tpu.memory_space<hbm>>) target_semaphore(%arg19 : memref<!tpu.dma_semaphore, #tpu.memory_space<semaphore_mem>>)
    }
    %scan3A_226 = arith.constant 11 : i32
    %dma_wait3A_227 = arith.constant 0 : i32
    %dma_wait3A_228 = arith.constant 0 : i32
    %dma_wait3A_229 = arith.constant 0 : i32
    %dma_wait3A_230 = tpu.memref_slice %arg4[%dma_wait3A_227, %dma_wait3A_228, %dma_wait3A_229] : memref<392x64x384xf32, #tpu.memory_space<hbm>> -> memref<1x64x384xf32, #tpu.memory_space<hbm>>
    %dma_wait3A_231 = arith.constant 0 : i32
    %dma_wait3A_232 = arith.constant 0 : i32
    %dma_wait3A_233 = arith.constant 0 : i32
    %dma_wait3A_234 = tpu.memref_slice %arg4[%dma_wait3A_231, %dma_wait3A_232, %dma_wait3A_233] : memref<392x64x384xf32, #tpu.memory_space<hbm>> -> memref<1x64x384xf32, #tpu.memory_space<hbm>>
    tpu.wait_dma2 semaphore(%arg12 : memref<!tpu.dma_semaphore, #tpu.memory_space<semaphore_mem>>) src(%dma_wait3A_234 : memref<1x64x384xf32, #tpu.memory_space<hbm>>) dst(%arg8 : memref<1x64x384xf32, #tpu.memory_space<vmem>>)
    %get3A_235 = arith.constant 6 : i32
    %get3A_236 = arith.index_cast %get3A_235 : i32 to index
    %get3A_237 = arith.constant 0 : index
    %get3A_238 = tpu.vector_load %arg7[%get3A_236, %get3A_237] {strides = array<i32>} : memref<8x128xf32, #tpu.memory_space<vmem>>, vector<1x16xf32>,
    %get3A_239 = vector.shape_cast %get3A_238 : vector<1x16xf32> to vector<16xf32>
    %scan3A_240 = arith.constant 0 : i32
    %scan3A_241 = arith.constant 64 : i32
    %scan3A_242 = arith.addi %scan3A_240, %scan3A_241 : i32
    %scan3A_243 = arith.constant 1 : i32
    scf.for %scan3A_287 = %scan3A_240 to %scan3A_242 step %scan3A_243  : i32 {
      %mul3A_288 = arith.constant 1 : i32
      %mul3A_289 = arith.muli %scan3A_287, %mul3A_288 : i32
      %add3A_290 = arith.constant 0 : i32
      %add3A_291 = arith.addi %add3A_290, %mul3A_289 : i32
      %scan3A_292 = arith.constant 0 : i32
      %scan3A_293 = arith.constant 24 : i32
      %scan3A_294 = arith.addi %scan3A_292, %scan3A_293 : i32
      %scan3A_295 = arith.constant 8 : i32
      scf.for %scan3A_297 = %scan3A_292 to %scan3A_294 step %scan3A_295  : i32 {
        %mul3A_298 = arith.constant 1 : i32
        %mul3A_299 = arith.muli %scan3A_297, %mul3A_298 : i32
        %add3A_300 = arith.constant 0 : i32
        %add3A_301 = arith.addi %add3A_300, %mul3A_299 : i32
        %mul3A_302 = arith.constant 16 : i32
        %mul3A_303 = arith.muli %add3A_301, %mul3A_302 : i32
        %get3A_304 = arith.constant 0 : i32
        %get3A_305 = arith.index_cast %get3A_304 : i32 to index
        %get3A_306 = arith.index_cast %add3A_291 : i32 to index
        %get3A_307 = arith.index_cast %mul3A_303 : i32 to index
        %get3A_308 = tpu.vector_load %arg8[%get3A_305, %get3A_306, %get3A_307] {strides = array<i32>} : memref<1x64x384xf32, #tpu.memory_space<vmem>>, vector<1x1x16xf32>,
        %get3A_309 = vector.shape_cast %get3A_308 : vector<1x1x16xf32> to vector<16xf32>
        %mul3A_310 = arith.mulf %get3A_309, %get3A_239 : vector<16xf32>
        %mul3A_311 = arith.constant 16 : i32
        %mul3A_312 = arith.muli %add3A_301, %mul3A_311 : i32
        %swap3A = arith.constant 0 : i32
        %swap3A_313 = arith.index_cast %swap3A : i32 to index
        %swap3A_314 = arith.index_cast %add3A_291 : i32 to index
        %swap3A_315 = arith.index_cast %mul3A_312 : i32 to index
        %swap3A_316 = tpu.vector_load %arg8[%swap3A_313, %swap3A_314, %swap3A_315] {strides = array<i32>} : memref<1x64x384xf32, #tpu.memory_space<vmem>>, vector<1x1x16xf32>,
        %swap3A_317 = vector.shape_cast %swap3A_316 : vector<1x1x16xf32> to vector<16xf32>
        %swap3A_318 = vector.shape_cast %mul3A_310 : vector<16xf32> to vector<1x1x16xf32>
        tpu.vector_store %arg8[%swap3A_313, %swap3A_314, %swap3A_315], %swap3A_318 {strides = array<i32>} : memref<1x64x384xf32, #tpu.memory_space<vmem>>, vector<1x1x16xf32>,
        %scan3A_319 = arith.constant 1 : i32
        %scan3A_320 = arith.addi %scan3A_297, %scan3A_319 : i32
        %mul3A_321 = arith.constant 1 : i32
        %mul3A_322 = arith.muli %scan3A_320, %mul3A_321 : i32
        %add3A_323 = arith.constant 0 : i32
        %add3A_324 = arith.addi %add3A_323, %mul3A_322 : i32
        %mul3A_325 = arith.constant 16 : i32
        %mul3A_326 = arith.muli %add3A_324, %mul3A_325 : i32
        %get3A_327 = arith.constant 0 : i32
        %get3A_328 = arith.index_cast %get3A_327 : i32 to index
        %get3A_329 = arith.index_cast %add3A_291 : i32 to index
        %get3A_330 = arith.index_cast %mul3A_326 : i32 to index
        %get3A_331 = tpu.vector_load %arg8[%get3A_328, %get3A_329, %get3A_330] {strides = array<i32>} : memref<1x64x384xf32, #tpu.memory_space<vmem>>, vector<1x1x16xf32>,
        %get3A_332 = vector.shape_cast %get3A_331 : vector<1x1x16xf32> to vector<16xf32>
        %mul3A_333 = arith.mulf %get3A_332, %get3A_239 : vector<16xf32>
        %mul3A_334 = arith.constant 16 : i32
        %mul3A_335 = arith.muli %add3A_324, %mul3A_334 : i32
        %swap3A_336 = arith.constant 0 : i32
        %swap3A_337 = arith.index_cast %swap3A_336 : i32 to index
        %swap3A_338 = arith.index_cast %add3A_291 : i32 to index
        %swap3A_339 = arith.index_cast %mul3A_335 : i32 to index
        %swap3A_340 = tpu.vector_load %arg8[%swap3A_337, %swap3A_338, %swap3A_339] {strides = array<i32>} : memref<1x64x384xf32, #tpu.memory_space<vmem>>, vector<1x1x16xf32>,
        %swap3A_341 = vector.shape_cast %swap3A_340 : vector<1x1x16xf32> to vector<16xf32>
        %swap3A_342 = vector.shape_cast %mul3A_333 : vector<16xf32> to vector<1x1x16xf32>
        tpu.vector_store %arg8[%swap3A_337, %swap3A_338, %swap3A_339], %swap3A_342 {strides = array<i32>} : memref<1x64x384xf32, #tpu.memory_space<vmem>>, vector<1x1x16xf32>,
        %scan3A_343 = arith.constant 2 : i32
        %scan3A_344 = arith.addi %scan3A_297, %scan3A_343 : i32
        %mul3A_345 = arith.constant 1 : i32
        %mul3A_346 = arith.muli %scan3A_344, %mul3A_345 : i32
        %add3A_347 = arith.constant 0 : i32
        %add3A_348 = arith.addi %add3A_347, %mul3A_346 : i32
        %mul3A_349 = arith.constant 16 : i32
        %mul3A_350 = arith.muli %add3A_348, %mul3A_349 : i32
        %get3A_351 = arith.constant 0 : i32
        %get3A_352 = arith.index_cast %get3A_351 : i32 to index
        %get3A_353 = arith.index_cast %add3A_291 : i32 to index
        %get3A_354 = arith.index_cast %mul3A_350 : i32 to index
        %get3A_355 = tpu.vector_load %arg8[%get3A_352, %get3A_353, %get3A_354] {strides = array<i32>} : memref<1x64x384xf32, #tpu.memory_space<vmem>>, vector<1x1x16xf32>,
        %get3A_356 = vector.shape_cast %get3A_355 : vector<1x1x16xf32> to vector<16xf32>
        %mul3A_357 = arith.mulf %get3A_356, %get3A_239 : vector<16xf32>
        %mul3A_358 = arith.constant 16 : i32
        %mul3A_359 = arith.muli %add3A_348, %mul3A_358 : i32
        %swap3A_360 = arith.constant 0 : i32
        %swap3A_361 = arith.index_cast %swap3A_360 : i32 to index
        %swap3A_362 = arith.index_cast %add3A_291 : i32 to index
        %swap3A_363 = arith.index_cast %mul3A_359 : i32 to index
        %swap3A_364 = tpu.vector_load %arg8[%swap3A_361, %swap3A_362, %swap3A_363] {strides = array<i32>} : memref<1x64x384xf32, #tpu.memory_space<vmem>>, vector<1x1x16xf32>,
        %swap3A_365 = vector.shape_cast %swap3A_364 : vector<1x1x16xf32> to vector<16xf32>
        %swap3A_366 = vector.shape_cast %mul3A_357 : vector<16xf32> to vector<1x1x16xf32>
        tpu.vector_store %arg8[%swap3A_361, %swap3A_362, %swap3A_363], %swap3A_366 {strides = array<i32>} : memref<1x64x384xf32, #tpu.memory_space<vmem>>, vector<1x1x16xf32>,
        %scan3A_367 = arith.constant 3 : i32
        %scan3A_368 = arith.addi %scan3A_297, %scan3A_367 : i32
        %mul3A_369 = arith.constant 1 : i32
        %mul3A_370 = arith.muli %scan3A_368, %mul3A_369 : i32
        %add3A_371 = arith.constant 0 : i32
        %add3A_372 = arith.addi %add3A_371, %mul3A_370 : i32
        %mul3A_373 = arith.constant 16 : i32
        %mul3A_374 = arith.muli %add3A_372, %mul3A_373 : i32
        %get3A_375 = arith.constant 0 : i32
        %get3A_376 = arith.index_cast %get3A_375 : i32 to index
        %get3A_377 = arith.index_cast %add3A_291 : i32 to index
        %get3A_378 = arith.index_cast %mul3A_374 : i32 to index
        %get3A_379 = tpu.vector_load %arg8[%get3A_376, %get3A_377, %get3A_378] {strides = array<i32>} : memref<1x64x384xf32, #tpu.memory_space<vmem>>, vector<1x1x16xf32>,
        %get3A_380 = vector.shape_cast %get3A_379 : vector<1x1x16xf32> to vector<16xf32>
        %mul3A_381 = arith.mulf %get3A_380, %get3A_239 : vector<16xf32>
        %mul3A_382 = arith.constant 16 : i32
        %mul3A_383 = arith.muli %add3A_372, %mul3A_382 : i32
        %swap3A_384 = arith.constant 0 : i32
        %swap3A_385 = arith.index_cast %swap3A_384 : i32 to index
        %swap3A_386 = arith.index_cast %add3A_291 : i32 to index
        %swap3A_387 = arith.index_cast %mul3A_383 : i32 to index
        %swap3A_388 = tpu.vector_load %arg8[%swap3A_385, %swap3A_386, %swap3A_387] {strides = array<i32>} : memref<1x64x384xf32, #tpu.memory_space<vmem>>, vector<1x1x16xf32>,
        %swap3A_389 = vector.shape_cast %swap3A_388 : vector<1x1x16xf32> to vector<16xf32>
        %swap3A_390 = vector.shape_cast %mul3A_381 : vector<16xf32> to vector<1x1x16xf32>
        tpu.vector_store %arg8[%swap3A_385, %swap3A_386, %swap3A_387], %swap3A_390 {strides = array<i32>} : memref<1x64x384xf32, #tpu.memory_space<vmem>>, vector<1x1x16xf32>,
        %scan3A_391 = arith.constant 4 : i32
        %scan3A_392 = arith.addi %scan3A_297, %scan3A_391 : i32
        %mul3A_393 = arith.constant 1 : i32
        %mul3A_394 = arith.muli %scan3A_392, %mul3A_393 : i32
        %add3A_395 = arith.constant 0 : i32
        %add3A_396 = arith.addi %add3A_395, %mul3A_394 : i32
        %mul3A_397 = arith.constant 16 : i32
        %mul3A_398 = arith.muli %add3A_396, %mul3A_397 : i32
        %get3A_399 = arith.constant 0 : i32
        %get3A_400 = arith.index_cast %get3A_399 : i32 to index
        %get3A_401 = arith.index_cast %add3A_291 : i32 to index
        %get3A_402 = arith.index_cast %mul3A_398 : i32 to index
        %get3A_403 = tpu.vector_load %arg8[%get3A_400, %get3A_401, %get3A_402] {strides = array<i32>} : memref<1x64x384xf32, #tpu.memory_space<vmem>>, vector<1x1x16xf32>,
        %get3A_404 = vector.shape_cast %get3A_403 : vector<1x1x16xf32> to vector<16xf32>
        %mul3A_405 = arith.mulf %get3A_404, %get3A_239 : vector<16xf32>
        %mul3A_406 = arith.constant 16 : i32
        %mul3A_407 = arith.muli %add3A_396, %mul3A_406 : i32
        %swap3A_408 = arith.constant 0 : i32
        %swap3A_409 = arith.index_cast %swap3A_408 : i32 to index
        %swap3A_410 = arith.index_cast %add3A_291 : i32 to index
        %swap3A_411 = arith.index_cast %mul3A_407 : i32 to index
        %swap3A_412 = tpu.vector_load %arg8[%swap3A_409, %swap3A_410, %swap3A_411] {strides = array<i32>} : memref<1x64x384xf32, #tpu.memory_space<vmem>>, vector<1x1x16xf32>,
        %swap3A_413 = vector.shape_cast %swap3A_412 : vector<1x1x16xf32> to vector<16xf32>
        %swap3A_414 = vector.shape_cast %mul3A_405 : vector<16xf32> to vector<1x1x16xf32>
        tpu.vector_store %arg8[%swap3A_409, %swap3A_410, %swap3A_411], %swap3A_414 {strides = array<i32>} : memref<1x64x384xf32, #tpu.memory_space<vmem>>, vector<1x1x16xf32>,
        %scan3A_415 = arith.constant 5 : i32
        %scan3A_416 = arith.addi %scan3A_297, %scan3A_415 : i32
        %mul3A_417 = arith.constant 1 : i32
        %mul3A_418 = arith.muli %scan3A_416, %mul3A_417 : i32
        %add3A_419 = arith.constant 0 : i32
        %add3A_420 = arith.addi %add3A_419, %mul3A_418 : i32
        %mul3A_421 = arith.constant 16 : i32
        %mul3A_422 = arith.muli %add3A_420, %mul3A_421 : i32
        %get3A_423 = arith.constant 0 : i32
        %get3A_424 = arith.index_cast %get3A_423 : i32 to index
        %get3A_425 = arith.index_cast %add3A_291 : i32 to index
        %get3A_426 = arith.index_cast %mul3A_422 : i32 to index
        %get3A_427 = tpu.vector_load %arg8[%get3A_424, %get3A_425, %get3A_426] {strides = array<i32>} : memref<1x64x384xf32, #tpu.memory_space<vmem>>, vector<1x1x16xf32>,
        %get3A_428 = vector.shape_cast %get3A_427 : vector<1x1x16xf32> to vector<16xf32>
        %mul3A_429 = arith.mulf %get3A_428, %get3A_239 : vector<16xf32>
        %mul3A_430 = arith.constant 16 : i32
        %mul3A_431 = arith.muli %add3A_420, %mul3A_430 : i32
        %swap3A_432 = arith.constant 0 : i32
        %swap3A_433 = arith.index_cast %swap3A_432 : i32 to index
        %swap3A_434 = arith.index_cast %add3A_291 : i32 to index
        %swap3A_435 = arith.index_cast %mul3A_431 : i32 to index
        %swap3A_436 = tpu.vector_load %arg8[%swap3A_433, %swap3A_434, %swap3A_435] {strides = array<i32>} : memref<1x64x384xf32, #tpu.memory_space<vmem>>, vector<1x1x16xf32>,
        %swap3A_437 = vector.shape_cast %swap3A_436 : vector<1x1x16xf32> to vector<16xf32>
        %swap3A_438 = vector.shape_cast %mul3A_429 : vector<16xf32> to vector<1x1x16xf32>
        tpu.vector_store %arg8[%swap3A_433, %swap3A_434, %swap3A_435], %swap3A_438 {strides = array<i32>} : memref<1x64x384xf32, #tpu.memory_space<vmem>>, vector<1x1x16xf32>,
        %scan3A_439 = arith.constant 6 : i32
        %scan3A_440 = arith.addi %scan3A_297, %scan3A_439 : i32
        %mul3A_441 = arith.constant 1 : i32
        %mul3A_442 = arith.muli %scan3A_440, %mul3A_441 : i32
        %add3A_443 = arith.constant 0 : i32
        %add3A_444 = arith.addi %add3A_443, %mul3A_442 : i32
        %mul3A_445 = arith.constant 16 : i32
        %mul3A_446 = arith.muli %add3A_444, %mul3A_445 : i32
        %get3A_447 = arith.constant 0 : i32
        %get3A_448 = arith.index_cast %get3A_447 : i32 to index
        %get3A_449 = arith.index_cast %add3A_291 : i32 to index
        %get3A_450 = arith.index_cast %mul3A_446 : i32 to index
        %get3A_451 = tpu.vector_load %arg8[%get3A_448, %get3A_449, %get3A_450] {strides = array<i32>} : memref<1x64x384xf32, #tpu.memory_space<vmem>>, vector<1x1x16xf32>,
        %get3A_452 = vector.shape_cast %get3A_451 : vector<1x1x16xf32> to vector<16xf32>
        %mul3A_453 = arith.mulf %get3A_452, %get3A_239 : vector<16xf32>
        %mul3A_454 = arith.constant 16 : i32
        %mul3A_455 = arith.muli %add3A_444, %mul3A_454 : i32
        %swap3A_456 = arith.constant 0 : i32
        %swap3A_457 = arith.index_cast %swap3A_456 : i32 to index
        %swap3A_458 = arith.index_cast %add3A_291 : i32 to index
        %swap3A_459 = arith.index_cast %mul3A_455 : i32 to index
        %swap3A_460 = tpu.vector_load %arg8[%swap3A_457, %swap3A_458, %swap3A_459] {strides = array<i32>} : memref<1x64x384xf32, #tpu.memory_space<vmem>>, vector<1x1x16xf32>,
        %swap3A_461 = vector.shape_cast %swap3A_460 : vector<1x1x16xf32> to vector<16xf32>
        %swap3A_462 = vector.shape_cast %mul3A_453 : vector<16xf32> to vector<1x1x16xf32>
        tpu.vector_store %arg8[%swap3A_457, %swap3A_458, %swap3A_459], %swap3A_462 {strides = array<i32>} : memref<1x64x384xf32, #tpu.memory_space<vmem>>, vector<1x1x16xf32>,
        %scan3A_463 = arith.constant 7 : i32
        %scan3A_464 = arith.addi %scan3A_297, %scan3A_463 : i32
        %mul3A_465 = arith.constant 1 : i32
        %mul3A_466 = arith.muli %scan3A_464, %mul3A_465 : i32
        %add3A_467 = arith.constant 0 : i32
        %add3A_468 = arith.addi %add3A_467, %mul3A_466 : i32
        %mul3A_469 = arith.constant 16 : i32
        %mul3A_470 = arith.muli %add3A_468, %mul3A_469 : i32
        %get3A_471 = arith.constant 0 : i32
        %get3A_472 = arith.index_cast %get3A_471 : i32 to index
        %get3A_473 = arith.index_cast %add3A_291 : i32 to index
        %get3A_474 = arith.index_cast %mul3A_470 : i32 to index
        %get3A_475 = tpu.vector_load %arg8[%get3A_472, %get3A_473, %get3A_474] {strides = array<i32>} : memref<1x64x384xf32, #tpu.memory_space<vmem>>, vector<1x1x16xf32>,
        %get3A_476 = vector.shape_cast %get3A_475 : vector<1x1x16xf32> to vector<16xf32>
        %mul3A_477 = arith.mulf %get3A_476, %get3A_239 : vector<16xf32>
        %mul3A_478 = arith.constant 16 : i32
        %mul3A_479 = arith.muli %add3A_468, %mul3A_478 : i32
        %swap3A_480 = arith.constant 0 : i32
        %swap3A_481 = arith.index_cast %swap3A_480 : i32 to index
        %swap3A_482 = arith.index_cast %add3A_291 : i32 to index
        %swap3A_483 = arith.index_cast %mul3A_479 : i32 to index
        %swap3A_484 = tpu.vector_load %arg8[%swap3A_481, %swap3A_482, %swap3A_483] {strides = array<i32>} : memref<1x64x384xf32, #tpu.memory_space<vmem>>, vector<1x1x16xf32>,
        %swap3A_485 = vector.shape_cast %swap3A_484 : vector<1x1x16xf32> to vector<16xf32>
        %swap3A_486 = vector.shape_cast %mul3A_477 : vector<16xf32> to vector<1x1x16xf32>
        tpu.vector_store %arg8[%swap3A_481, %swap3A_482, %swap3A_483], %swap3A_486 {strides = array<i32>} : memref<1x64x384xf32, #tpu.memory_space<vmem>>, vector<1x1x16xf32>,
      }
      %scan3A_296 = arith.constant 24 : i32
    }
    %scan3A_244 = arith.constant 64 : i32
    %mul3A_245 = arith.constant 49 : i32
    %mul3A_246 = arith.muli %add3A, %mul3A_245 : i32
    %add3A_247 = arith.constant 48 : i32
    %add3A_248 = arith.addi %mul3A_246, %add3A_247 : i32
    %dma_start3A_249 = arith.constant 0 : i32
    %dma_start3A_250 = arith.constant 0 : i32
    %dma_start3A_251 = tpu.memref_slice %arg5[%add3A_248, %dma_start3A_249, %dma_start3A_250] : memref<1568x64x384xf32, #tpu.memory_space<hbm>> -> memref<1x64x384xf32, #tpu.memory_space<hbm>>
    %dma_start3A_252 = arith.constant 0 : i32
    %dma_start3A_253 = arith.constant 0 : i32
    %dma_start3A_254 = tpu.memref_slice %arg5[%add3A_248, %dma_start3A_252, %dma_start3A_253] : memref<1568x64x384xf32, #tpu.memory_space<hbm>> -> memref<1x64x384xf32, #tpu.memory_space<hbm>>
    tpu.enqueue_dma source(%arg8 : memref<1x64x384xf32, #tpu.memory_space<vmem>>) target(%dma_start3A_254 : memref<1x64x384xf32, #tpu.memory_space<hbm>>) target_semaphore(%arg16 : memref<!tpu.dma_semaphore, #tpu.memory_space<semaphore_mem>>)
    %dma_wait3A_255 = arith.constant 0 : i32
    %dma_wait3A_256 = arith.constant 0 : i32
    %dma_wait3A_257 = arith.constant 0 : i32
    %dma_wait3A_258 = tpu.memref_slice %arg5[%dma_wait3A_255, %dma_wait3A_256, %dma_wait3A_257] : memref<1568x64x384xf32, #tpu.memory_space<hbm>> -> memref<1x64x384xf32, #tpu.memory_space<hbm>>
    %dma_wait3A_259 = arith.constant 0 : i32
    %dma_wait3A_260 = arith.constant 0 : i32
    %dma_wait3A_261 = arith.constant 0 : i32
    %dma_wait3A_262 = tpu.memref_slice %arg5[%dma_wait3A_259, %dma_wait3A_260, %dma_wait3A_261] : memref<1568x64x384xf32, #tpu.memory_space<hbm>> -> memref<1x64x384xf32, #tpu.memory_space<hbm>>
    tpu.wait_dma2 semaphore(%arg16 : memref<!tpu.dma_semaphore, #tpu.memory_space<semaphore_mem>>) src(%arg8 : memref<1x64x384xf32, #tpu.memory_space<vmem>>) dst(%dma_wait3A_262 : memref<1x64x384xf32, #tpu.memory_space<hbm>>)
    %dma_wait3A_263 = arith.constant 0 : i32
    %dma_wait3A_264 = arith.constant 0 : i32
    %dma_wait3A_265 = arith.constant 0 : i32
    %dma_wait3A_266 = tpu.memref_slice %arg5[%dma_wait3A_263, %dma_wait3A_264, %dma_wait3A_265] : memref<1568x64x384xf32, #tpu.memory_space<hbm>> -> memref<1x64x384xf32, #tpu.memory_space<hbm>>
    %dma_wait3A_267 = arith.constant 0 : i32
    %dma_wait3A_268 = arith.constant 0 : i32
    %dma_wait3A_269 = arith.constant 0 : i32
    %dma_wait3A_270 = tpu.memref_slice %arg5[%dma_wait3A_267, %dma_wait3A_268, %dma_wait3A_269] : memref<1568x64x384xf32, #tpu.memory_space<hbm>> -> memref<1x64x384xf32, #tpu.memory_space<hbm>>
    tpu.wait_dma2 semaphore(%arg17 : memref<!tpu.dma_semaphore, #tpu.memory_space<semaphore_mem>>) src(%arg9 : memref<1x64x384xf32, #tpu.memory_space<vmem>>) dst(%dma_wait3A_270 : memref<1x64x384xf32, #tpu.memory_space<hbm>>)
    %dma_wait3A_271 = arith.constant 0 : i32
    %dma_wait3A_272 = arith.constant 0 : i32
    %dma_wait3A_273 = arith.constant 0 : i32
    %dma_wait3A_274 = tpu.memref_slice %arg5[%dma_wait3A_271, %dma_wait3A_272, %dma_wait3A_273] : memref<1568x64x384xf32, #tpu.memory_space<hbm>> -> memref<1x64x384xf32, #tpu.memory_space<hbm>>
    %dma_wait3A_275 = arith.constant 0 : i32
    %dma_wait3A_276 = arith.constant 0 : i32
    %dma_wait3A_277 = arith.constant 0 : i32
    %dma_wait3A_278 = tpu.memref_slice %arg5[%dma_wait3A_275, %dma_wait3A_276, %dma_wait3A_277] : memref<1568x64x384xf32, #tpu.memory_space<hbm>> -> memref<1x64x384xf32, #tpu.memory_space<hbm>>
    tpu.wait_dma2 semaphore(%arg18 : memref<!tpu.dma_semaphore, #tpu.memory_space<semaphore_mem>>) src(%arg10 : memref<1x64x384xf32, #tpu.memory_space<vmem>>) dst(%dma_wait3A_278 : memref<1x64x384xf32, #tpu.memory_space<hbm>>)
    %dma_wait3A_279 = arith.constant 0 : i32
    %dma_wait3A_280 = arith.constant 0 : i32
    %dma_wait3A_281 = arith.constant 0 : i32
    %dma_wait3A_282 = tpu.memref_slice %arg5[%dma_wait3A_279, %dma_wait3A_280, %dma_wait3A_281] : memref<1568x64x384xf32, #tpu.memory_space<hbm>> -> memref<1x64x384xf32, #tpu.memory_space<hbm>>
    %dma_wait3A_283 = arith.constant 0 : i32
    %dma_wait3A_284 = arith.constant 0 : i32
    %dma_wait3A_285 = arith.constant 0 : i32
    %dma_wait3A_286 = tpu.memref_slice %arg5[%dma_wait3A_283, %dma_wait3A_284, %dma_wait3A_285] : memref<1568x64x384xf32, #tpu.memory_space<hbm>> -> memref<1x64x384xf32, #tpu.memory_space<hbm>>
    tpu.wait_dma2 semaphore(%arg19 : memref<!tpu.dma_semaphore, #tpu.memory_space<semaphore_mem>>) src(%arg11 : memref<1x64x384xf32, #tpu.memory_space<vmem>>) dst(%dma_wait3A_286 : memref<1x64x384xf32, #tpu.memory_space<hbm>>)
    return
  }
}

</mosaic_0001>

<sc_bundles>
// kernel: kernel.3.cloned.1.call-start
scs
__scs_entry_jumppad:
0x0: {  	(pc) =	sbr.rel $0x88, $3  }
0x1: {  	(tag) =	ssettag $0x0;
	lr =	simm.s32 $0x1  }
0x2: {  	[smem:$0x3F9E] =	sst lr;
	_ =	strace $0xD0000000  }
0x3: {  	_ = 	snop  }
0x4: {  	_ = 	snop  }
0x5: {  	_ = 	snop  }
0x6: {  	_ = 	snop  }
0x7: {  	_ = 	snop  }
__scs_overlays_trampoline_lowered:
0x8: {  	[smem:$0x3FAD] =	sst s0  }
0x9: {  	[smem:$0x3FAE] =	sst s1  }
0xa: {  	[smem:$0x3FAF] =	sst s2  }
0xb: {  	[smem:$0x3FB0] =	sst s3  }
0xc: {  	[smem:$0x3FB1] =	sst s4  }
0xd: {  	[smem:$0x3FB2] =	sst s5  }
0xe: {  	[smem:$0x3FB3] =	sst s6  }
0xf: {  	[smem:$0x3FB4] =	sst s7  }
0x10: {  	[smem:$0x3FB5] =	sst s8  }
0x11: {  	[smem:$0x3FB6] =	sst s9;
	s0 =	simm.s32 @!p0 $0x0  }
0x12: {  	s1 =	sld [smem:$0x3F9C];
	s0 =	simm.s32 @p0 $0x1  }
0x13: {  	[smem:$0x3FB7] =	sst s0;
	s0 =	simm.s32 @!p1 $0x0  }
0x14: {  	s2 =	sld [smem:$0x3F9B];
	s0 =	simm.s32 @p1 $0x1  }
0x15: {  	[smem:$0x3FB8] =	sst s0;
	s0 =	simm.s32 @!p2 $0x0  }
0x16: {  	s3 =	sld [smem:$0x3FDB];
	s0 =	simm.s32 @p2 $0x1  }
0x17: {  	s4 =	simm.s32 $0x1BF5;
	[smem:$0x3FBA] =	sst s0  }
0x18: {  	s0 =	sld [smem:$0x3F9D];
	_ =	swait.ge [sflag:s4], $0x0  }
0x19: {  	s7 =	sld [smem:$0x3F9E]  }
0x1a: {  	s8 =	sadd.s32 $0xFFFFE003, lr  }
0x1b: {  	s9 =	sadd.s32 $0xFFFFFEF7, lr;
	s5 =	simm.s32 $0xFFFFFFFF;
	p2 =	slt.u32 s8, $0xFFFFF086  }
0x1c: {  	p1 =	slt.u32 s9, $0xF7A;
	s5 =	simm.s32 @!p2 $0x0  }
0x1d: {  	s5 =	simm.s32 @p1 $0x1;
	p0 =	seq.s32 s7, s2  }
0x1e: {  	s7 =	smul.u32 @!p0 $0xF7A, s2;
	p2 =	seq.s32 @!p0 s5, $0x0  }
0x1f: {  	s9 =	smul.u32 $0xF7A, s1;
	s8 =	simm.s32 @!p0 $0x1BF5;
	p2 =	por !p2, p0  }
0x20: {  	[sflag:s8] =	ssyncset.s32 @!p0 $0xFFFFF086;
	s6 =	sadd.s32 @!p0 s3, s7;
	s7 =	simm.s32 @!p0 $0x108  }
0x21: {  	s3 =	sadd.s32 s3, s9;
	s6 =	sadd.s32 @!p0 $0x88, s6;
	s7 =	simm.s32 @p2 $0x1082  }
0x22: {  	[simem:s7], [sflag:s8] =	dma.local @!p0 [hbm:s6], $0xF7A  }
0x23: {  	s9 =	sor.u32 $0xD0000000, s2;
	s6 =	simm.s32 $0x108;
	_ =	swait.ge @!p0 [sflag:s8], $0x0  }
0x24: {  	s3 =	sadd.s32 $0x88, s3;
	s6 =	simm.s32 @!p1 $0x1082;
	[sflag:s4] =	ssyncset.s32 $0xFFFFF086  }
0x25: {  	[simem:s6], [sflag:s4] =	dma.local [hbm:s3], $0xF7A  }
0x26: {  	[smem:$0x3F9E] =	sst s1;
	(tag) =	ssettag s2;
	_ =	strace s9  }
0x27: {  	s1 =	sld [smem:$0x3FAE]  }
0x28: {  	s2 =	sld [smem:$0x3FAF]  }
0x29: {  	s4 =	sld [smem:$0x3FB1]  }
0x2a: {  	p0 =	seq.s32 s5, $0x0;
	s5 =	sld [smem:$0x3FB2]  }
0x2b: {  	s6 =	sld [smem:$0x3FB3]  }
0x2c: {  	s7 =	sld [smem:$0x3FB4]  }
0x2d: {  	s3 =	simm.s32 $0x108;
	s8 =	sld [smem:$0x3FB5]  }
0x2e: {  	s3 =	simm.s32 @!p0 $0x1082;
	s9 =	sld [smem:$0x3FB6]  }
0x2f: {  	lr =	sadd.s32 s0, s3;
	s0 =	sld [smem:$0x3FAD]  }
0x30: {  	s3 =	sld [smem:$0x3FB0]  }
0x31: {  	[smem:$0x3FB9] =	sst s10  }
0x32: {  	s10 =	sld [smem:$0x3FB7];
	_ =	sdelay $0x3  }
0x33: {  	p0 =	seq.s32 s10, $0x1;
	s10 =	sld [smem:$0x3FB9];
	_ =	sdelay $0x3  }
0x34: {  	[smem:$0x3FB9] =	sst s10  }
0x35: {  	s10 =	sld [smem:$0x3FB8];
	_ =	sdelay $0x3  }
0x36: {  	p1 =	seq.s32 s10, $0x1;
	s10 =	sld [smem:$0x3FB9];
	_ =	sdelay $0x3  }
0x37: {  	[smem:$0x3FB9] =	sst s10  }
0x38: {  	s10 =	sld [smem:$0x3FBA]  }
0x39: {  	_ = 	snop;
	(pc) =	sbr.ind lr, $3  }
0x3a: {  	_ = 	snop  }
0x3b: {  	_ = 	snop  }
0x3c: {  	p2 =	seq.s32 s10, $0x1;
	s10 =	sld [smem:$0x3FB9]  }
0x3d: {  	_ =	shalt  }
0x3e: {  	_ =	shalt  }
0x3f: {  	_ =	shalt  }
0x40: {  	_ =	shalt  }
0x41: {  	_ =	shalt  }
0x42: {  	_ =	shalt  }
0x43: {  	_ =	shalt  }
0x44: {  	_ =	shalt  }
0x45: {  	_ =	shalt  }
0x46: {  	_ =	shalt  }
0x47: {  	_ =	shalt  }
0x48: {  	_ =	shalt  }
0x49: {  	_ =	shalt  }
0x4a: {  	_ =	shalt  }
0x4b: {  	_ =	shalt  }
0x4c: {  	_ =	shalt  }
0x4d: {  	_ =	shalt  }
0x4e: {  	_ =	shalt  }
0x4f: {  	_ =	shalt  }
0x50: {  	_ =	shalt  }
0x51: {  	_ =	shalt  }
0x52: {  	_ =	shalt  }
0x53: {  	_ =	shalt  }
0x54: {  	_ =	shalt  }
0x55: {  	_ =	shalt  }
0x56: {  	_ =	shalt  }
0x57: {  	_ =	shalt  }
0x58: {  	_ =	shalt  }
0x59: {  	_ =	shalt  }
0x5a: {  	_ =	shalt  }
0x5b: {  	_ =	shalt  }
0x5c: {  	_ =	shalt  }
0x5d: {  	_ =	shalt  }
0x5e: {  	_ =	shalt  }
0x5f: {  	_ =	shalt  }
0x60: {  	_ =	shalt  }
0x61: {  	_ =	shalt  }
0x62: {  	_ =	shalt  }
0x63: {  	_ =	shalt  }
0x64: {  	_ =	shalt  }
0x65: {  	_ =	shalt  }
0x66: {  	_ =	shalt  }
0x67: {  	_ =	shalt  }
0x68: {  	_ =	shalt  }
0x69: {  	_ =	shalt  }
0x6a: {  	_ =	shalt  }
0x6b: {  	_ =	shalt  }
0x6c: {  	_ =	shalt  }
0x6d: {  	_ =	shalt  }
0x6e: {  	_ =	shalt  }
0x6f: {  	_ =	shalt  }
0x70: {  	_ =	shalt  }
0x71: {  	_ =	shalt  }
0x72: {  	_ =	shalt  }
0x73: {  	_ =	shalt  }
0x74: {  	_ =	shalt  }
0x75: {  	_ =	shalt  }
0x76: {  	_ =	shalt  }
0x77: {  	_ =	shalt  }
0x78: {  	_ =	shalt  }
0x79: {  	_ =	shalt  }
0x7a: {  	_ =	shalt  }
0x7b: {  	_ =	shalt  }
0x7c: {  	_ =	shalt  }
0x7d: {  	_ =	shalt  }
0x7e: {  	_ =	shalt  }
0x7f: {  	_ =	shalt  }
0x80: {  	_ =	shalt  }
0x81: {  	_ =	shalt  }
0x82: {  	_ =	shalt  }
0x83: {  	_ =	shalt  }
0x84: {  	_ =	shalt  }
0x85: {  	_ =	shalt  }
0x86: {  	_ =	shalt  }
0x87: {  	_ =	shalt  }
.Lfunc_end0:
.L_simem_size_0:
called_computation_lowered:
.L_overlay_start_0:
0x88: {  	s2 =	sld [smem:$0x3FD9]  }
0x89: {  	s3 =	sld [smem:$0x3FFE];
	_ =	sdelay $0x1  }
0x8a: {  	s1 =	srdreg.scid  }
0x8b: {  	s0 =	sand.u32 $0x1, s1  }
0x8c: {  	s17 =	sshll.u32 s0, $0xA;
	s2 =	sadd.s32 s3, s2  }
0x8d: {  	s2 =	sadd.s32 s2, s17  }
0x8e: {  	[smem:$0x3FC5] =	sst s2  }
0x8f: {  	_ = 	snop  }
0x90: {  	s2 =	sld [smem:$0x3FC7]  }
0x91: {  	s18 =	sld [smem:$0x3FD0];
	(tm) =	ssettm $0x1  }
0x92: {  	s4 =	sld [smem:$0x3FFB];
	_ =	sdelay $0x3  }
0x93: {  	_ =	strace s4  }
0x94: {  	s4 =	sld [smem:$0x3FFC];
	_ =	sdelay $0x3  }
0x95: {  	_ =	strace s4  }
0x96: {  	s4 =	sld [smem:$0x3FFD];
	_ =	sdelay $0x3  }
0x97: {  	_ =	strace s4  }
0x98: {  	_ =	strace $0x8FFFFFFF  }
0x99: {  	s19 =	sld [smem:$0x3FDB];
	_ =	sdelay $0x1  }
0x9a: {  	s5 =	simm.s32 $_scs_section_size  }
0x9b: {  	s6 =	simm.s32 $_size__tile_overlayer_lowered;
	s7 =	simm.s32 $_tile_overlayer_lowered  }
0x9c: {  	s22 =	simm.s32 $0x1BFF;
	s21 =	sshll.u32 s7, $0x1;
	s4 =	sadd.s32 s5, s19  }
0x9d: {  	s8 =	simm.s32 $0x0;
	s20 =	sshll.u32 s6, $0x1;
	s6 =	sadd.s32 s21, s4  }
0x9e: {  	[timem:s8], [sflag:s22] =	dma.local [hbm:s6], s20  }
0x9f: {  	_ =	swait.ge [sflag:s22], s20  }
0xa0: {  	s5 =	ssub.s32 $0x0, s20;
	[sflag:s22] =	ssyncset.done $0x0  }
0xa1: {  	[sflag:s22] =	ssyncadd.s32 s5;
	_ =	sdelay $0x1  }
0xa2: {  	s23 =	simm.s32 $0x1B8B  }
0xa3: {  	_ =	swait.ge [sflag:s23], $0x1  }
0xa4: {  	[sflag:s23] =	ssyncset.done $0x0  }
0xa5: {  	s25 =	simm.s32 $0x1B8E;
	s24 =	sld [smem:$0x3FFE];
	[sflag:s23] =	ssyncadd.s32 $0xFFFFFFFF  }
0xa6: {  	s26 =	simm.s32 $execute0_lowered;
	[smem:$0x3FD2] =	sst s25  }
0xa7: {  	s6 =	sshll.u32 s26, $0x1;
	_ =	strace $0x80000046;
	[dreg:$0x1] =	wrdreg $0xFFFFFFFF  }
0xa8: {  	s28 =	simm.s32 $_size_execute0_lowered;
	s4 =	sadd.s32 s4, s6;
	[dreg:$0x0] =	wrdreg $0x0  }
0xa9: {  	s6 =	sshll.u32 s28, $0x1;
	[dreg:$0x2] =	wrdreg s4  }
0xaa: {  	[dreg:$0x3] =	wrdreg s6  }
0xab: {  	[dreg:$0x4] =	wrdreg $0xC0  }
0xac: {  	_ =	task [dreg:s8], $0x5FFFF  }
0xad: {  	[dreg:$0x1] =	wrdreg $0xFFFFFFFF  }
0xae: {  	[dreg:$0x0] =	wrdreg $0x60  }
0xaf: {  	[dreg:$0x2] =	wrdreg s24  }
0xb0: {  	[dreg:$0x3] =	wrdreg s2  }
0xb1: {  	[dreg:$0x4] =	wrdreg s18  }
0xb2: {  	[dreg:$0x5] =	wrdreg $0x9  }
0xb3: {  	_ =	task.clear_ibuf [dreg:s8], $0x6FFFF;
	_ =	strace $0x90000046  }
0xb4: {  	s29 =	simm.s32 $0x9;
	_ =	strace $0x80000048  }
0xb5: {  	_ =	swait.ge [sflag:s29], $0x1  }
0xb6: {  	[sflag:s29] =	ssyncadd.s32 $0xFFFFFFFF  }
0xb7: {  	_ =	strace $0x90000048  }
0xb8: {  	_ =	sfence  }
0xb9: {  	s30 =	sld [smem:$0x0];
	_ =	sdelay $0x2  }
0xba: {  	s31 =	sshll.u32 s1, $0xD;
	s1 =	sshrl.u32 s1, $0x2  }
0xbb: {  	s3 =	sand.u32 $0x4000, s31;
	s1 =	sadd.s32 s1, s30  }
0xbc: {  	s0 =	sor.u32 s3, s0;
	s1 =	sshll.u32 s1, $0x11  }
0xbd: {  	s0 =	sor.u32 s1, s0  }
0xbe: {  	s0 =	sadd.s32 $0x8F2B, s0  }
0xbf: {  	[sflag:s0] =	ssyncadd.remote.s32 $0x1  }
0xc0: {  	_ =	sfence.sel $0xFFFF  }
0xc1: {  	[dreg:$0x0] =	wrdreg $0xFFFFFFFF;
	(pc) =	sbr.abs _section_cstart, $3  }
0xc2: {  	[dreg:$0x1] =	wrdreg $0xFFFFFFFF  }
0xc3: {  	_ =	task.clear_ibuf [dreg:s8], $0x2FFFF;
	_ =	strace $0x9FFFFFFF  }
0xc4: {  	(tm) =	ssettm $0x7FFFFFFF  }
0xc5: {  	_ =	shalt  }
tec
execute0_lowered:
.L_overlay_start_1:
0x0: {  	(tag) =	ssettag $0x1  }
0x1: {  	s0 =	rddreg [dreg:$0x0]  }
0x2: {  	s2 =	rddreg [dreg:$0x1]  }
0x3: {  	s3 =	rddreg [dreg:$0x2]  }
0x4: {  	s1 =	srdreg.scid;
	s5 =	stileid.u32;
	s4 =	simm.s32 $0x0  }
0x5: {  	s14 =	simm.s32 $0x9;
	s16 =	simm.s32 $0x800;
	s17 =	simm.s32 $0x6800  }
0x6: {  	s18 =	simm.s32 $0xC800;
	s19 =	simm.s32 $0x1;
	s20 =	simm.s32 $0x12800  }
0x7: {  	s21 =	simm.s32 $0x2;
	s28 =	simm.s32 $0x8;
	s29 =	simm.s32 $0x0  }
0x8: {  	s30 =	simm.s32 $0x0;
	s1 =	sand.u32 $0x1, s1;
	s5 =	sshll.u32 s5, $0x1  }
0x9: {  	[smem:$0x7FF] =	sst s4;
	s5 =	sor.u32 s1, s5;
	s1 =	ssub.s32 $0x2, s1  }
0xa: {  	_ =	strace $0x80000047;
	s6 =	sshll.u32 s5, $0x7;
	s8 =	smul.u32 $0x126000, s5  }
0xb: {  	s7 =	sshrl.u32 s1, $0x1;
	s22 =	smul.u32 $0x24C00, s5;
	s0 =	sadd.s32 s6, s0  }
0xc: {  	s1 =	ssub.s32 s1, s7;
	s7 =	smul.u32 $0x31, s5;
	s6 =	sadd.s32 $0x1400, s0  }
0xd: {  	s8 =	sshrl.u32 s8, $0x3;
	s0 =	sadd.s32 $0x400, s0;
	[dreg:$0x4] =	wrdreg s6  }
0xe: {  	s24 =	sadd.s32 s3, s22;
	[dreg:$0x5] =	wrdreg s0;
	s23 =	sadd.s32 s3, s8  }
0xf: {  	s13 =	smax.u32 s1, $0x1;
	[dreg:$0x6] =	wrdreg s24;
	s25 =	sadd.s32 $0xC00, s23  }
0x10: {  	s22 =	simm.s32 $0x5;
	s26 =	sadd.s32 $0x1800, s23;
	[dreg:$0x7] =	wrdreg s25  }
0x11: {  	s24 =	simm.s32 $0x6;
	s31 =	sadd.s32 $0x2400, s23;
	[dreg:$0x8] =	wrdreg s26  }
0x12: {  	s0 =	sadd.s32 $0x24000, s23;
	s23 =	simm.s32 $0x3;
	[dreg:$0x9] =	wrdreg s31  }
0x13: {  	[dreg:$0xa] =	wrdreg s0;
	s25 =	simm.s32 $0x4;
	s26 =	simm.s32 $0x7  }
.LBB2_1:
0x14: {  	s0 =	rddreg [dreg:$0x4]  }
0x15: {  	[tilespmem:s4], [sflag:$0x9] =	stream.linear.gather [hbm4b:s0+s4], $0x400, $0x38;
	[tilespmem:$0x18800] =	vst v63  }
0x16: {  	_ =	swait.ge [sflag:s14], $0x400  }
0x17: {  	[sflag:s14] =	ssyncset.done $0x0  }
0x18: {  	s1 =	simm.s32 $0x400;
	s8 =	rddreg [dreg:$0x5];
	[sflag:s14] =	ssyncadd.s32 $0xFFFFFC00  }
0x19: {  	[tilespmem:s1], [sflag:$0x9] =	stream.linear.gather [hbm4b:s8+s4], $0x400, $0x38;
	[tilespmem:$0x18800] =	vst v63  }
0x1a: {  	_ =	swait.ge [sflag:s14], $0x400  }
0x1b: {  	[sflag:s14] =	ssyncset.done $0x0  }
0x1c: {  	[sflag:s14] =	ssyncadd.s32 $0xFFFFFC00  }
0x1d: {  	v0 =	vld [tilespmem:$0x0];
	_ =	sdelay $0x4  }
0x1e: {  	(v2sf) =	vpush v0, $0x0;
	_ =	sdelay $0xe  }
0x1f: {  	s9 =	spop (v2sf)  }
0x20: {  	s0 =	smul.u32 $0x6000, s9;
	_ =	sdelay $0x1  }
0x21: {  	s0 =	sshrl.u32 s0, $0x3  }
0x22: {  	s0 =	sadd.s32 s2, s0  }
0x23: {  	[tilespmem:s16], [sflag:$0x1] =	stream.linear.gather [hbm4b:s0+s4], $0x6000, $0x38;
	[tilespmem:$0x18800] =	vst v63  }
0x24: {  	v0 =	vld [tilespmem:$0x10];
	_ =	sdelay $0x4  }
0x25: {  	(v2sf) =	vpush v0, $0x0;
	_ =	sdelay $0xe  }
0x26: {  	s10 =	spop (v2sf)  }
0x27: {  	s0 =	smul.u32 $0x6000, s10;
	_ =	sdelay $0x1  }
0x28: {  	s0 =	sshrl.u32 s0, $0x3  }
0x29: {  	s0 =	sadd.s32 s2, s0  }
0x2a: {  	[tilespmem:s17], [sflag:$0x2] =	stream.linear.gather [hbm4b:s0+s4], $0x6000, $0x38;
	[tilespmem:$0x18800] =	vst v63  }
0x2b: {  	v0 =	vld [tilespmem:$0x20];
	_ =	sdelay $0x4  }
0x2c: {  	(v2sf) =	vpush v0, $0x0;
	_ =	sdelay $0xe  }
0x2d: {  	s11 =	spop (v2sf)  }
0x2e: {  	s0 =	smul.u32 $0x6000, s11;
	_ =	sdelay $0x1  }
0x2f: {  	s0 =	sshrl.u32 s0, $0x3  }
0x30: {  	s0 =	sadd.s32 s2, s0  }
0x31: {  	[tilespmem:s18], [sflag:$0x3] =	stream.linear.gather [hbm4b:s0+s4], $0x6000, $0x38;
	[tilespmem:$0x18800] =	vst v63  }
0x32: {  	_ =	swait.ge [sflag:s19], $0x6000  }
0x33: {  	[sflag:s19] =	ssyncset.done $0x0  }
0x34: {  	[sflag:s19] =	ssyncadd.s32 $0xFFFFA000  }
0x35: {  	v0 =	vld [tilespmem:$0x30];
	_ =	sdelay $0x4  }
0x36: {  	(v2sf) =	vpush v0, $0x0;
	_ =	sdelay $0xe  }
0x37: {  	s12 =	spop (v2sf)  }
0x38: {  	s15 =	simm.s32 $0x0;
	s0 =	smul.u32 $0x6000, s12  }
0x39: {  	s1 =	smul.u32 $0x3000, s15  }
0x3a: {  	s0 =	sshrl.u32 s0, $0x3  }
0x3b: {  	s31 =	sand.u32 $0x380, s4;
	s1 =	sshra.s32 s1, $0x2;
	s0 =	sadd.s32 s2, s0  }
0x3c: {  	[tilespmem:s20], [sflag:$0x4] =	stream.linear.gather [hbm4b:s0+s4], $0x6000, $0x38;
	[tilespmem:$0x18800] =	vst v63  }
0x3d: {  	s0 =	sor.u32 s31, s1;
	v0 =	vld [tilespmem:$0x400]  }
0x3e: {  	v1 =	vld [tilespmem:s0+$0x800]  }
0x3f: {  	v2 =	vld [tilespmem:s0+$0x810]  }
0x40: {  	v3 =	vld [tilespmem:s0+$0x820]  }
0x41: {  	v4 =	vld [tilespmem:s0+$0x830]  }
0x42: {  	v5 =	vld [tilespmem:s0+$0x840]  }
0x43: {  	v6 =	vld [tilespmem:s0+$0x850];
	v1 =	vmul.f32 v1, v0  }
0x44: {  	v7 =	vld [tilespmem:s0+$0x860];
	v2 =	vmul.f32 v2, v0  }
0x45: {  	[tilespmem:s0+$0x800] =	vst v1;
	v1 =	vmul.f32 v3, v0;
	v3 =	vld [tilespmem:s0+$0x870]  }
0x46: {  	[tilespmem:s0+$0x810] =	vst v2;
	v2 =	vmul.f32 v4, v0;
	v4 =	vld [tilespmem:s0+$0xC00]  }
0x47: {  	[tilespmem:s0+$0x820] =	vst v1;
	v1 =	vmul.f32 v5, v0;
	v5 =	vld [tilespmem:s0+$0xC10]  }
0x48: {  	[tilespmem:s0+$0x830] =	vst v2;
	v2 =	vmul.f32 v6, v0;
	v6 =	vld [tilespmem:s0+$0xC20]  }
0x49: {  	[tilespmem:s0+$0x840] =	vst v1;
	v1 =	vmul.f32 v7, v0;
	v7 =	vld [tilespmem:s0+$0xC30]  }
0x4a: {  	v8 =	vld [tilespmem:s0+$0xC40];
	[tilespmem:s0+$0x850] =	vst v2;
	v2 =	vmul.f32 v3, v0  }
0x4b: {  	v9 =	vld [tilespmem:s0+$0xC50];
	[tilespmem:s0+$0x860] =	vst v1;
	v1 =	vmul.f32 v4, v0  }
0x4c: {  	[tilespmem:s0+$0x870] =	vst v2;
	v2 =	vmul.f32 v5, v0;
	v5 =	vld [tilespmem:s0+$0xC60]  }
0x4d: {  	v3 =	vld [tilespmem:s0+$0xC70];
	[tilespmem:s0+$0xC00] =	vst v1;
	v1 =	vmul.f32 v6, v0  }
0x4e: {  	v4 =	vld [tilespmem:s0+$0x1000];
	[tilespmem:s0+$0xC10] =	vst v2;
	v2 =	vmul.f32 v7, v0  }
0x4f: {  	v7 =	vmul.f32 v8, v0;
	[tilespmem:s0+$0xC20] =	vst v1;
	v1 =	vld [tilespmem:s0+$0x1010]  }
0x50: {  	s5 =	simm.s32 $0x0;
	s1 =	simm.s32 $0x1;
	v6 =	vmul.f32 v9, v0;
	[tilespmem:s0+$0xC30] =	vst v2;
	v2 =	vld [tilespmem:s0+$0x1020]  }
.LBB2_2:
0x51: {  	s6 =	sshrl.u32 s1, $0x3;
	p0 =	sne.s32 s1, $0x3F;
	[tilespmem:s0+$0xC40] =	vst v7;
	v5 =	vmul.f32 v5, v0;
	v7 =	vld [tilespmem:s0+$0x1030]  }
0x52: {  	s6 =	smul.u32 $0x3000, s6;
	[tilespmem:s0+$0xC50] =	vst v6;
	v3 =	vmul.f32 v3, v0;
	v6 =	vld [tilespmem:s0+$0x1040]  }
0x53: {  	s5 =	sadd.s32 $0x80, s5;
	[tilespmem:s0+$0xC60] =	vst v5;
	v4 =	vmul.f32 v4, v0;
	v5 =	vld [tilespmem:s0+$0x1050]  }
0x54: {  	s8 =	sand.u32 $0x380, s5;
	s6 =	sshra.s32 s6, $0x2;
	[tilespmem:s0+$0xC70] =	vst v3;
	v1 =	vmul.f32 v1, v0;
	v3 =	vld [tilespmem:s0+$0x1060]  }
0x55: {  	s6 =	sor.u32 s8, s6;
	[tilespmem:s0+$0x1000] =	vst v4;
	v2 =	vmul.f32 v2, v0;
	v4 =	vld [tilespmem:s0+$0x1070]  }
0x56: {  	v8 =	vld [tilespmem:s6+$0x800];
	[tilespmem:s0+$0x1010] =	vst v1;
	v1 =	vmul.f32 v7, v0  }
0x57: {  	v7 =	vld [tilespmem:s6+$0x810];
	[tilespmem:s0+$0x1020] =	vst v2;
	v2 =	vmul.f32 v6, v0  }
0x58: {  	v6 =	vld [tilespmem:s6+$0x820];
	[tilespmem:s0+$0x1030] =	vst v1;
	v1 =	vmul.f32 v5, v0  }
0x59: {  	v5 =	vld [tilespmem:s6+$0x830];
	[tilespmem:s0+$0x1040] =	vst v2;
	v2 =	vmul.f32 v3, v0  }
0x5a: {  	v3 =	vld [tilespmem:s6+$0x840];
	[tilespmem:s0+$0x1050] =	vst v1;
	v1 =	vmul.f32 v4, v0  }
0x5b: {  	v4 =	vmul.f32 v8, v0;
	v8 =	vld [tilespmem:s6+$0x850];
	[tilespmem:s0+$0x1060] =	vst v2  }
0x5c: {  	v2 =	vmul.f32 v7, v0;
	v7 =	vld [tilespmem:s6+$0x860];
	[tilespmem:s0+$0x1070] =	vst v1;
	s0 =	smov.u32 s6  }
0x5d: {  	[tilespmem:s0+$0x800] =	vst v4;
	v1 =	vmul.f32 v6, v0;
	v4 =	vld [tilespmem:s0+$0x870]  }
0x5e: {  	[tilespmem:s0+$0x810] =	vst v2;
	v2 =	vmul.f32 v5, v0;
	v5 =	vld [tilespmem:s0+$0xC00]  }
0x5f: {  	[tilespmem:s0+$0x820] =	vst v1;
	v1 =	vmul.f32 v3, v0;
	v3 =	vld [tilespmem:s0+$0xC10]  }
0x60: {  	[tilespmem:s0+$0x830] =	vst v2;
	v2 =	vmul.f32 v8, v0;
	v6 =	vld [tilespmem:s0+$0xC20]  }
0x61: {  	[tilespmem:s0+$0x840] =	vst v1;
	v1 =	vmul.f32 v7, v0;
	v7 =	vld [tilespmem:s0+$0xC30]  }
0x62: {  	[tilespmem:s0+$0x850] =	vst v2;
	v2 =	vmul.f32 v4, v0;
	v8 =	vld [tilespmem:s0+$0xC40]  }
0x63: {  	[tilespmem:s0+$0x860] =	vst v1;
	v1 =	vmul.f32 v5, v0;
	v9 =	vld [tilespmem:s0+$0xC50]  }
.Ltmp0:
0x64: {  	[tilespmem:s0+$0x870] =	vst v2;
	v2 =	vmul.f32 v3, v0;
	v5 =	vld [tilespmem:s0+$0xC60];
	(pc) =	sbr.rel @p0 .LBB2_2-.Ltmp0, $4  }
0x65: {  	[tilespmem:s0+$0xC00] =	vst v1;
	v1 =	vmul.f32 v6, v0;
	v3 =	vld [tilespmem:s0+$0xC70]  }
0x66: {  	[tilespmem:s0+$0xC10] =	vst v2;
	v2 =	vmul.f32 v7, v0;
	v4 =	vld [tilespmem:s0+$0x1000]  }
0x67: {  	[tilespmem:s0+$0xC20] =	vst v1;
	v7 =	vmul.f32 v8, v0;
	v1 =	vld [tilespmem:s0+$0x1010]  }
0x68: {  	s1 =	sadd.s32 $0x1, s1;
	[tilespmem:s0+$0xC30] =	vst v2;
	v6 =	vmul.f32 v9, v0;
	v2 =	vld [tilespmem:s0+$0x1020]  }
0x69: {  	[tilespmem:s0+$0xC40] =	vst v7;
	v5 =	vmul.f32 v5, v0;
	v7 =	vld [tilespmem:s0+$0x1030]  }
0x6a: {  	[tilespmem:s0+$0xC50] =	vst v6;
	v3 =	vmul.f32 v3, v0;
	v6 =	vld [tilespmem:s0+$0x1040]  }
0x6b: {  	[tilespmem:s0+$0xC60] =	vst v5;
	v4 =	vmul.f32 v4, v0;
	v5 =	vld [tilespmem:s0+$0x1050]  }
0x6c: {  	[tilespmem:s0+$0xC70] =	vst v3;
	v1 =	vmul.f32 v1, v0;
	v3 =	vld [tilespmem:s0+$0x1060]  }
0x6d: {  	[tilespmem:s0+$0x1000] =	vst v4;
	v2 =	vmul.f32 v2, v0;
	v4 =	vld [tilespmem:s0+$0x1070]  }
0x6e: {  	[tilespmem:s0+$0x1010] =	vst v1;
	v1 =	vmul.f32 v7, v0  }
0x6f: {  	[tilespmem:s0+$0x1020] =	vst v2;
	v2 =	vmul.f32 v6, v0  }
0x70: {  	[tilespmem:s0+$0x1030] =	vst v1;
	v1 =	vmul.f32 v5, v0  }
0x71: {  	[tilespmem:s0+$0x1040] =	vst v2;
	v2 =	vmul.f32 v3, v0  }
0x72: {  	[tilespmem:s0+$0x1050] =	vst v1;
	v0 =	vmul.f32 v4, v0  }
0x73: {  	[tilespmem:s0+$0x1060] =	vst v2  }
0x74: {  	s1 =	simm.s32 $0x0;
	s12 =	rddreg [dreg:$0x6];
	[tilespmem:s0+$0x1070] =	vst v0  }
0x75: {  	[hbm4b:s12+s1] =	stream.linear.scatter [tilespmem:s16], [sflag:$0x5], $0x6000, $0x38;
	[tilespmem:$0x18800] =	vst v63  }
0x76: {  	_ =	swait.ge [sflag:s21], $0x6000  }
0x77: {  	[sflag:s21] =	ssyncset.done $0x0  }
0x78: {  	[sflag:s21] =	ssyncadd.s32 $0xFFFFA000  }
0x79: {  	_ =	swait.ge [sflag:s22], $0x6000  }
0x7a: {  	[sflag:s22] =	ssyncset.done $0x0  }
0x7b: {  	[sflag:s22] =	ssyncadd.s32 $0xFFFFA000  }
0x7c: {  	v0 =	vld [tilespmem:$0x40];
	_ =	sdelay $0x4  }
0x7d: {  	(v2sf) =	vpush v0, $0x0;
	_ =	sdelay $0xe  }
0x7e: {  	s15 =	spop (v2sf)  }
0x7f: {  	s5 =	simm.s32 $0x0;
	s0 =	smul.u32 $0x6000, s15  }
0x80: {  	s5 =	smul.u32 $0x3000, s5  }
0x81: {  	s0 =	sshrl.u32 s0, $0x3  }
0x82: {  	s31 =	sand.u32 $0x380, s1;
	s5 =	sshra.s32 s5, $0x2;
	s0 =	sadd.s32 s2, s0  }
0x83: {  	[tilespmem:s16], [sflag:$0x1] =	stream.linear.gather [hbm4b:s0+s1], $0x6000, $0x38;
	[tilespmem:$0x18800] =	vst v63  }
0x84: {  	s0 =	sor.u32 s31, s5;
	v0 =	vld [tilespmem:$0x410]  }
0x85: {  	v1 =	vld [tilespmem:s0+$0x6800]  }
0x86: {  	v2 =	vld [tilespmem:s0+$0x6810]  }
0x87: {  	v3 =	vld [tilespmem:s0+$0x6820]  }
0x88: {  	v4 =	vld [tilespmem:s0+$0x6830]  }
0x89: {  	v5 =	vld [tilespmem:s0+$0x6840]  }
0x8a: {  	v6 =	vld [tilespmem:s0+$0x6850];
	v1 =	vmul.f32 v1, v0  }
0x8b: {  	v7 =	vld [tilespmem:s0+$0x6860];
	v2 =	vmul.f32 v2, v0  }
0x8c: {  	[tilespmem:s0+$0x6800] =	vst v1;
	v1 =	vmul.f32 v3, v0;
	v3 =	vld [tilespmem:s0+$0x6870]  }
0x8d: {  	[tilespmem:s0+$0x6810] =	vst v2;
	v2 =	vmul.f32 v4, v0;
	v4 =	vld [tilespmem:s0+$0x6C00]  }
0x8e: {  	[tilespmem:s0+$0x6820] =	vst v1;
	v1 =	vmul.f32 v5, v0;
	v5 =	vld [tilespmem:s0+$0x6C10]  }
0x8f: {  	[tilespmem:s0+$0x6830] =	vst v2;
	v2 =	vmul.f32 v6, v0;
	v6 =	vld [tilespmem:s0+$0x6C20]  }
0x90: {  	[tilespmem:s0+$0x6840] =	vst v1;
	v1 =	vmul.f32 v7, v0;
	v7 =	vld [tilespmem:s0+$0x6C30]  }
0x91: {  	v8 =	vld [tilespmem:s0+$0x6C40];
	[tilespmem:s0+$0x6850] =	vst v2;
	v2 =	vmul.f32 v3, v0  }
0x92: {  	v9 =	vld [tilespmem:s0+$0x6C50];
	[tilespmem:s0+$0x6860] =	vst v1;
	v1 =	vmul.f32 v4, v0  }
0x93: {  	[tilespmem:s0+$0x6870] =	vst v2;
	v2 =	vmul.f32 v5, v0;
	v5 =	vld [tilespmem:s0+$0x6C60]  }
0x94: {  	v3 =	vld [tilespmem:s0+$0x6C70];
	[tilespmem:s0+$0x6C00] =	vst v1;
	v1 =	vmul.f32 v6, v0  }
0x95: {  	v4 =	vld [tilespmem:s0+$0x7000];
	[tilespmem:s0+$0x6C10] =	vst v2;
	v2 =	vmul.f32 v7, v0  }
0x96: {  	v7 =	vmul.f32 v8, v0;
	[tilespmem:s0+$0x6C20] =	vst v1;
	v1 =	vld [tilespmem:s0+$0x7010]  }
0x97: {  	s5 =	simm.s32 $0x1;
	v6 =	vmul.f32 v9, v0;
	[tilespmem:s0+$0x6C30] =	vst v2;
	v2 =	vld [tilespmem:s0+$0x7020]  }
.LBB2_4:
0x98: {  	s6 =	sshrl.u32 s5, $0x3;
	p0 =	sne.s32 s5, $0x3F;
	[tilespmem:s0+$0x6C40] =	vst v7;
	v5 =	vmul.f32 v5, v0;
	v7 =	vld [tilespmem:s0+$0x7030]  }
0x99: {  	s6 =	smul.u32 $0x3000, s6;
	[tilespmem:s0+$0x6C50] =	vst v6;
	v3 =	vmul.f32 v3, v0;
	v6 =	vld [tilespmem:s0+$0x7040]  }
0x9a: {  	s1 =	sadd.s32 $0x80, s1;
	[tilespmem:s0+$0x6C60] =	vst v5;
	v4 =	vmul.f32 v4, v0;
	v5 =	vld [tilespmem:s0+$0x7050]  }
0x9b: {  	s8 =	sand.u32 $0x380, s1;
	s6 =	sshra.s32 s6, $0x2;
	[tilespmem:s0+$0x6C70] =	vst v3;
	v1 =	vmul.f32 v1, v0;
	v3 =	vld [tilespmem:s0+$0x7060]  }
0x9c: {  	s6 =	sor.u32 s8, s6;
	[tilespmem:s0+$0x7000] =	vst v4;
	v2 =	vmul.f32 v2, v0;
	v4 =	vld [tilespmem:s0+$0x7070]  }
0x9d: {  	v8 =	vld [tilespmem:s6+$0x6800];
	[tilespmem:s0+$0x7010] =	vst v1;
	v1 =	vmul.f32 v7, v0  }
0x9e: {  	v7 =	vld [tilespmem:s6+$0x6810];
	[tilespmem:s0+$0x7020] =	vst v2;
	v2 =	vmul.f32 v6, v0  }
0x9f: {  	v6 =	vld [tilespmem:s6+$0x6820];
	[tilespmem:s0+$0x7030] =	vst v1;
	v1 =	vmul.f32 v5, v0  }
0xa0: {  	v5 =	vld [tilespmem:s6+$0x6830];
	[tilespmem:s0+$0x7040] =	vst v2;
	v2 =	vmul.f32 v3, v0  }
0xa1: {  	v3 =	vld [tilespmem:s6+$0x6840];
	[tilespmem:s0+$0x7050] =	vst v1;
	v1 =	vmul.f32 v4, v0  }
0xa2: {  	v4 =	vmul.f32 v8, v0;
	v8 =	vld [tilespmem:s6+$0x6850];
	[tilespmem:s0+$0x7060] =	vst v2  }
0xa3: {  	v2 =	vmul.f32 v7, v0;
	v7 =	vld [tilespmem:s6+$0x6860];
	[tilespmem:s0+$0x7070] =	vst v1;
	s0 =	smov.u32 s6  }
0xa4: {  	[tilespmem:s0+$0x6800] =	vst v4;
	v1 =	vmul.f32 v6, v0;
	v4 =	vld [tilespmem:s0+$0x6870]  }
0xa5: {  	[tilespmem:s0+$0x6810] =	vst v2;
	v2 =	vmul.f32 v5, v0;
	v5 =	vld [tilespmem:s0+$0x6C00]  }
0xa6: {  	[tilespmem:s0+$0x6820] =	vst v1;
	v1 =	vmul.f32 v3, v0;
	v3 =	vld [tilespmem:s0+$0x6C10]  }
0xa7: {  	[tilespmem:s0+$0x6830] =	vst v2;
	v2 =	vmul.f32 v8, v0;
	v6 =	vld [tilespmem:s0+$0x6C20]  }
0xa8: {  	[tilespmem:s0+$0x6840] =	vst v1;
	v1 =	vmul.f32 v7, v0;
	v7 =	vld [tilespmem:s0+$0x6C30]  }
0xa9: {  	[tilespmem:s0+$0x6850] =	vst v2;
	v2 =	vmul.f32 v4, v0;
	v8 =	vld [tilespmem:s0+$0x6C40]  }
0xaa: {  	[tilespmem:s0+$0x6860] =	vst v1;
	v1 =	vmul.f32 v5, v0;
	v9 =	vld [tilespmem:s0+$0x6C50]  }
.Ltmp1:
0xab: {  	[tilespmem:s0+$0x6870] =	vst v2;
	v2 =	vmul.f32 v3, v0;
	v5 =	vld [tilespmem:s0+$0x6C60];
	(pc) =	sbr.rel @p0 .LBB2_4-.Ltmp1, $4  }
0xac: {  	[tilespmem:s0+$0x6C00] =	vst v1;
	v1 =	vmul.f32 v6, v0;
	v3 =	vld [tilespmem:s0+$0x6C70]  }
0xad: {  	[tilespmem:s0+$0x6C10] =	vst v2;
	v2 =	vmul.f32 v7, v0;
	v4 =	vld [tilespmem:s0+$0x7000]  }
0xae: {  	[tilespmem:s0+$0x6C20] =	vst v1;
	v7 =	vmul.f32 v8, v0;
	v1 =	vld [tilespmem:s0+$0x7010]  }
0xaf: {  	s5 =	sadd.s32 $0x1, s5;
	[tilespmem:s0+$0x6C30] =	vst v2;
	v6 =	vmul.f32 v9, v0;
	v2 =	vld [tilespmem:s0+$0x7020]  }
0xb0: {  	[tilespmem:s0+$0x6C40] =	vst v7;
	v5 =	vmul.f32 v5, v0;
	v7 =	vld [tilespmem:s0+$0x7030]  }
0xb1: {  	[tilespmem:s0+$0x6C50] =	vst v6;
	v3 =	vmul.f32 v3, v0;
	v6 =	vld [tilespmem:s0+$0x7040]  }
0xb2: {  	[tilespmem:s0+$0x6C60] =	vst v5;
	v4 =	vmul.f32 v4, v0;
	v5 =	vld [tilespmem:s0+$0x7050]  }
0xb3: {  	[tilespmem:s0+$0x6C70] =	vst v3;
	v1 =	vmul.f32 v1, v0;
	v3 =	vld [tilespmem:s0+$0x7060]  }
0xb4: {  	[tilespmem:s0+$0x7000] =	vst v4;
	v2 =	vmul.f32 v2, v0;
	v4 =	vld [tilespmem:s0+$0x7070]  }
0xb5: {  	[tilespmem:s0+$0x7010] =	vst v1;
	v1 =	vmul.f32 v7, v0  }
0xb6: {  	[tilespmem:s0+$0x7020] =	vst v2;
	v2 =	vmul.f32 v6, v0  }
0xb7: {  	[tilespmem:s0+$0x7030] =	vst v1;
	v1 =	vmul.f32 v5, v0  }
0xb8: {  	[tilespmem:s0+$0x7040] =	vst v2;
	v2 =	vmul.f32 v3, v0  }
0xb9: {  	[tilespmem:s0+$0x7050] =	vst v1;
	v0 =	vmul.f32 v4, v0  }
0xba: {  	[tilespmem:s0+$0x7060] =	vst v2  }
0xbb: {  	s1 =	simm.s32 $0x0;
	s12 =	rddreg [dreg:$0x7];
	[tilespmem:s0+$0x7070] =	vst v0  }
0xbc: {  	[hbm4b:s12+s1] =	stream.linear.scatter [tilespmem:s17], [sflag:$0x6], $0x6000, $0x38;
	[tilespmem:$0x18800] =	vst v63  }
0xbd: {  	_ =	swait.ge [sflag:s23], $0x6000  }
0xbe: {  	[sflag:s23] =	ssyncset.done $0x0  }
0xbf: {  	[sflag:s23] =	ssyncadd.s32 $0xFFFFA000  }
0xc0: {  	_ =	swait.ge [sflag:s24], $0x6000  }
0xc1: {  	[sflag:s24] =	ssyncset.done $0x0  }
0xc2: {  	[sflag:s24] =	ssyncadd.s32 $0xFFFFA000  }
0xc3: {  	v0 =	vld [tilespmem:$0x50];
	_ =	sdelay $0x4  }
0xc4: {  	(v2sf) =	vpush v0, $0x0;
	_ =	sdelay $0xe  }
0xc5: {  	s15 =	spop (v2sf)  }
0xc6: {  	s5 =	simm.s32 $0x0;
	s0 =	smul.u32 $0x6000, s15  }
0xc7: {  	s5 =	smul.u32 $0x3000, s5  }
0xc8: {  	s0 =	sshrl.u32 s0, $0x3  }
0xc9: {  	s31 =	sand.u32 $0x380, s1;
	s5 =	sshra.s32 s5, $0x2;
	s0 =	sadd.s32 s2, s0  }
0xca: {  	[tilespmem:s17], [sflag:$0x2] =	stream.linear.gather [hbm4b:s0+s1], $0x6000, $0x38;
	[tilespmem:$0x18800] =	vst v63  }
0xcb: {  	s0 =	sor.u32 s31, s5;
	v0 =	vld [tilespmem:$0x420]  }
0xcc: {  	v1 =	vld [tilespmem:s0+$0xC800]  }
0xcd: {  	v2 =	vld [tilespmem:s0+$0xC810]  }
0xce: {  	v3 =	vld [tilespmem:s0+$0xC820]  }
0xcf: {  	v4 =	vld [tilespmem:s0+$0xC830]  }
0xd0: {  	v5 =	vld [tilespmem:s0+$0xC840]  }
0xd1: {  	v6 =	vld [tilespmem:s0+$0xC850];
	v1 =	vmul.f32 v1, v0  }
0xd2: {  	v7 =	vld [tilespmem:s0+$0xC860];
	v2 =	vmul.f32 v2, v0  }
0xd3: {  	[tilespmem:s0+$0xC800] =	vst v1;
	v1 =	vmul.f32 v3, v0;
	v3 =	vld [tilespmem:s0+$0xC870]  }
0xd4: {  	[tilespmem:s0+$0xC810] =	vst v2;
	v2 =	vmul.f32 v4, v0;
	v4 =	vld [tilespmem:s0+$0xCC00]  }
0xd5: {  	[tilespmem:s0+$0xC820] =	vst v1;
	v1 =	vmul.f32 v5, v0;
	v5 =	vld [tilespmem:s0+$0xCC10]  }
0xd6: {  	[tilespmem:s0+$0xC830] =	vst v2;
	v2 =	vmul.f32 v6, v0;
	v6 =	vld [tilespmem:s0+$0xCC20]  }
0xd7: {  	[tilespmem:s0+$0xC840] =	vst v1;
	v1 =	vmul.f32 v7, v0;
	v7 =	vld [tilespmem:s0+$0xCC30]  }
0xd8: {  	v8 =	vld [tilespmem:s0+$0xCC40];
	[tilespmem:s0+$0xC850] =	vst v2;
	v2 =	vmul.f32 v3, v0  }
0xd9: {  	v9 =	vld [tilespmem:s0+$0xCC50];
	[tilespmem:s0+$0xC860] =	vst v1;
	v1 =	vmul.f32 v4, v0  }
0xda: {  	[tilespmem:s0+$0xC870] =	vst v2;
	v2 =	vmul.f32 v5, v0;
	v5 =	vld [tilespmem:s0+$0xCC60]  }
0xdb: {  	v3 =	vld [tilespmem:s0+$0xCC70];
	[tilespmem:s0+$0xCC00] =	vst v1;
	v1 =	vmul.f32 v6, v0  }
0xdc: {  	v4 =	vld [tilespmem:s0+$0xD000];
	[tilespmem:s0+$0xCC10] =	vst v2;
	v2 =	vmul.f32 v7, v0  }
0xdd: {  	v7 =	vmul.f32 v8, v0;
	[tilespmem:s0+$0xCC20] =	vst v1;
	v1 =	vld [tilespmem:s0+$0xD010]  }
0xde: {  	s5 =	simm.s32 $0x1;
	v6 =	vmul.f32 v9, v0;
	[tilespmem:s0+$0xCC30] =	vst v2;
	v2 =	vld [tilespmem:s0+$0xD020]  }
.LBB2_6:
0xdf: {  	s6 =	sshrl.u32 s5, $0x3;
	p0 =	sne.s32 s5, $0x3F;
	[tilespmem:s0+$0xCC40] =	vst v7;
	v5 =	vmul.f32 v5, v0;
	v7 =	vld [tilespmem:s0+$0xD030]  }
0xe0: {  	s6 =	smul.u32 $0x3000, s6;
	[tilespmem:s0+$0xCC50] =	vst v6;
	v3 =	vmul.f32 v3, v0;
	v6 =	vld [tilespmem:s0+$0xD040]  }
0xe1: {  	s1 =	sadd.s32 $0x80, s1;
	[tilespmem:s0+$0xCC60] =	vst v5;
	v4 =	vmul.f32 v4, v0;
	v5 =	vld [tilespmem:s0+$0xD050]  }
0xe2: {  	s8 =	sand.u32 $0x380, s1;
	s6 =	sshra.s32 s6, $0x2;
	[tilespmem:s0+$0xCC70] =	vst v3;
	v1 =	vmul.f32 v1, v0;
	v3 =	vld [tilespmem:s0+$0xD060]  }
0xe3: {  	s6 =	sor.u32 s8, s6;
	[tilespmem:s0+$0xD000] =	vst v4;
	v2 =	vmul.f32 v2, v0;
	v4 =	vld [tilespmem:s0+$0xD070]  }
0xe4: {  	v8 =	vld [tilespmem:s6+$0xC800];
	[tilespmem:s0+$0xD010] =	vst v1;
	v1 =	vmul.f32 v7, v0  }
0xe5: {  	v7 =	vld [tilespmem:s6+$0xC810];
	[tilespmem:s0+$0xD020] =	vst v2;
	v2 =	vmul.f32 v6, v0  }
0xe6: {  	v6 =	vld [tilespmem:s6+$0xC820];
	[tilespmem:s0+$0xD030] =	vst v1;
	v1 =	vmul.f32 v5, v0  }
0xe7: {  	v5 =	vld [tilespmem:s6+$0xC830];
	[tilespmem:s0+$0xD040] =	vst v2;
	v2 =	vmul.f32 v3, v0  }
0xe8: {  	v3 =	vld [tilespmem:s6+$0xC840];
	[tilespmem:s0+$0xD050] =	vst v1;
	v1 =	vmul.f32 v4, v0  }
0xe9: {  	v4 =	vmul.f32 v8, v0;
	v8 =	vld [tilespmem:s6+$0xC850];
	[tilespmem:s0+$0xD060] =	vst v2  }
0xea: {  	v2 =	vmul.f32 v7, v0;
	v7 =	vld [tilespmem:s6+$0xC860];
	[tilespmem:s0+$0xD070] =	vst v1;
	s0 =	smov.u32 s6  }
0xeb: {  	[tilespmem:s0+$0xC800] =	vst v4;
	v1 =	vmul.f32 v6, v0;
	v4 =	vld [tilespmem:s0+$0xC870]  }
0xec: {  	[tilespmem:s0+$0xC810] =	vst v2;
	v2 =	vmul.f32 v5, v0;
	v5 =	vld [tilespmem:s0+$0xCC00]  }
0xed: {  	[tilespmem:s0+$0xC820] =	vst v1;
	v1 =	vmul.f32 v3, v0;
	v3 =	vld [tilespmem:s0+$0xCC10]  }
0xee: {  	[tilespmem:s0+$0xC830] =	vst v2;
	v2 =	vmul.f32 v8, v0;
	v6 =	vld [tilespmem:s0+$0xCC20]  }
0xef: {  	[tilespmem:s0+$0xC840] =	vst v1;
	v1 =	vmul.f32 v7, v0;
	v7 =	vld [tilespmem:s0+$0xCC30]  }
0xf0: {  	[tilespmem:s0+$0xC850] =	vst v2;
	v2 =	vmul.f32 v4, v0;
	v8 =	vld [tilespmem:s0+$0xCC40]  }
0xf1: {  	[tilespmem:s0+$0xC860] =	vst v1;
	v1 =	vmul.f32 v5, v0;
	v9 =	vld [tilespmem:s0+$0xCC50]  }
.Ltmp2:
0xf2: {  	[tilespmem:s0+$0xC870] =	vst v2;
	v2 =	vmul.f32 v3, v0;
	v5 =	vld [tilespmem:s0+$0xCC60];
	(pc) =	sbr.rel @p0 .LBB2_6-.Ltmp2, $4  }
0xf3: {  	[tilespmem:s0+$0xCC00] =	vst v1;
	v1 =	vmul.f32 v6, v0;
	v3 =	vld [tilespmem:s0+$0xCC70]  }
0xf4: {  	[tilespmem:s0+$0xCC10] =	vst v2;
	v2 =	vmul.f32 v7, v0;
	v4 =	vld [tilespmem:s0+$0xD000]  }
0xf5: {  	[tilespmem:s0+$0xCC20] =	vst v1;
	v7 =	vmul.f32 v8, v0;
	v1 =	vld [tilespmem:s0+$0xD010]  }
0xf6: {  	s5 =	sadd.s32 $0x1, s5;
	[tilespmem:s0+$0xCC30] =	vst v2;
	v6 =	vmul.f32 v9, v0;
	v2 =	vld [tilespmem:s0+$0xD020]  }
0xf7: {  	[tilespmem:s0+$0xCC40] =	vst v7;
	v5 =	vmul.f32 v5, v0;
	v7 =	vld [tilespmem:s0+$0xD030]  }
0xf8: {  	[tilespmem:s0+$0xCC50] =	vst v6;
	v3 =	vmul.f32 v3, v0;
	v6 =	vld [tilespmem:s0+$0xD040]  }
0xf9: {  	[tilespmem:s0+$0xCC60] =	vst v5;
	v4 =	vmul.f32 v4, v0;
	v5 =	vld [tilespmem:s0+$0xD050]  }
0xfa: {  	[tilespmem:s0+$0xCC70] =	vst v3;
	v1 =	vmul.f32 v1, v0;
	v3 =	vld [tilespmem:s0+$0xD060]  }
0xfb: {  	[tilespmem:s0+$0xD000] =	vst v4;
	v2 =	vmul.f32 v2, v0;
	v4 =	vld [tilespmem:s0+$0xD070]  }
0xfc: {  	[tilespmem:s0+$0xD010] =	vst v1;
	v1 =	vmul.f32 v7, v0  }
0xfd: {  	[tilespmem:s0+$0xD020] =	vst v2;
	v2 =	vmul.f32 v6, v0  }
0xfe: {  	[tilespmem:s0+$0xD030] =	vst v1;
	v1 =	vmul.f32 v5, v0  }
0xff: {  	[tilespmem:s0+$0xD040] =	vst v2;
	v2 =	vmul.f32 v3, v0  }
0x100: {  	[tilespmem:s0+$0xD050] =	vst v1;
	v0 =	vmul.f32 v4, v0  }
0x101: {  	[tilespmem:s0+$0xD060] =	vst v2  }
0x102: {  	s1 =	simm.s32 $0x0;
	s12 =	rddreg [dreg:$0x8];
	[tilespmem:s0+$0xD070] =	vst v0  }
0x103: {  	[hbm4b:s12+s1] =	stream.linear.scatter [tilespmem:s18], [sflag:$0x7], $0x6000, $0x38;
	[tilespmem:$0x18800] =	vst v63  }
0x104: {  	_ =	swait.ge [sflag:s25], $0x6000  }
0x105: {  	[sflag:s25] =	ssyncset.done $0x0  }
0x106: {  	[sflag:s25] =	ssyncadd.s32 $0xFFFFA000  }
0x107: {  	_ =	swait.ge [sflag:s26], $0x6000  }
0x108: {  	[sflag:s26] =	ssyncset.done $0x0  }
0x109: {  	[sflag:s26] =	ssyncadd.s32 $0xFFFFA000  }
0x10a: {  	v0 =	vld [tilespmem:$0x60];
	_ =	sdelay $0x4  }
0x10b: {  	(v2sf) =	vpush v0, $0x0;
	_ =	sdelay $0xd  }
0x10c: {  	s5 =	simm.s32 $0x0  }
0x10d: {  	s5 =	smul.u32 $0x3000, s5;
	s15 =	spop (v2sf)  }
0x10e: {  	s0 =	smul.u32 $0x6000, s15;
	_ =	sdelay $0x1  }
0x10f: {  	s31 =	sand.u32 $0x380, s1;
	s5 =	sshra.s32 s5, $0x2;
	s0 =	sshrl.u32 s0, $0x3  }
0x110: {  	s5 =	sor.u32 s31, s5;
	s0 =	sadd.s32 s2, s0  }
0x111: {  	[tilespmem:s18], [sflag:$0x3] =	stream.linear.gather [hbm4b:s0+s1], $0x6000, $0x38;
	[tilespmem:$0x18800] =	vst v63  }
0x112: {  	s0 =	sadd.s32 $0x12800, s5;
	v0 =	vld [tilespmem:$0x430]  }
0x113: {  	v1 =	vld [tilespmem:s0+$0x870]  }
0x114: {  	v4 =	vld [tilespmem:s0+$0x430]  }
0x115: {  	v2 =	vld [tilespmem:s0+$0x820]  }
0x116: {  	v3 =	vld [tilespmem:s0+$0x420]  }
0x117: {  	v5 =	vld [tilespmem:s0+$0x830]  }
0x118: {  	v6 =	vld [tilespmem:s0+$0x470]  }
0x119: {  	v10 =	vld [tilespmem:s5+$0x12800]  }
0x11a: {  	v7 =	vld [tilespmem:s0+$0x440]  }
0x11b: {  	v8 =	vld [tilespmem:s0+$0x810];
	v3 =	vmul.f32 v3, v0  }
0x11c: {  	v9 =	vld [tilespmem:s0+$0x60];
	v1 =	vmul.f32 v1, v0  }
0x11d: {  	v11 =	vld [tilespmem:s0+$0x850];
	v2 =	vmul.f32 v2, v0;
	[tilespmem:s0+$0x420] =	vst v3  }
0x11e: {  	v12 =	vld [tilespmem:s0+$0x800];
	v10 =	vmul.f32 v10, v0;
	[tilespmem:s0+$0x870] =	vst v1  }
0x11f: {  	v13 =	vld [tilespmem:s0+$0x40];
	v3 =	vmul.f32 v5, v0;
	[tilespmem:s0+$0x820] =	vst v2  }
0x120: {  	v1 =	vmul.f32 v8, v0;
	v2 =	vld [tilespmem:s0+$0x50];
	[tilespmem:s5+$0x12800] =	vst v10  }
0x121: {  	v5 =	vmul.f32 v6, v0;
	v6 =	vld [tilespmem:s0+$0x840];
	[tilespmem:s0+$0x830] =	vst v3  }
0x122: {  	v4 =	vmul.f32 v4, v0;
	v8 =	vmul.f32 v9, v0;
	v3 =	vld [tilespmem:s0+$0x450];
	[tilespmem:s0+$0x810] =	vst v1  }
0x123: {  	v9 =	vmul.f32 v11, v0;
	v10 =	vmul.f32 v12, v0;
	[tilespmem:s0+$0x470] =	vst v5;
	v5 =	vld [tilespmem:s0+$0x460]  }
0x124: {  	s6 =	simm.s32 $0x1;
	[tilespmem:s0+$0x60] =	vst v8;
	v1 =	vmul.f32 v7, v0;
	v8 =	vmul.f32 v13, v0;
	v7 =	vld [tilespmem:s0+$0x70]  }
.LBB2_8:
0x125: {  	s5 =	smov.u32 s6  }
0x126: {  	s8 =	sshrl.u32 s6, $0x3;
	v2 =	vmul.f32 v2, v0;
	v11 =	vld [tilespmem:s0+$0x400];
	[tilespmem:s0+$0x850] =	vst v9;
	s1 =	sadd.s32 $0x80, s1;
	s5 =	sadd.s32 $0x1, s6  }
0x127: {  	p0 =	sne.s32 s6, $0x3F;
	s8 =	smul.u32 $0x3000, s8;
	v9 =	vld [tilespmem:s0+$0x410];
	[tilespmem:s0+$0x800] =	vst v10  }
0x128: {  	v3 =	vmul.f32 v3, v0;
	v6 =	vmul.f32 v6, v0;
	[tilespmem:s0+$0x40] =	vst v8;
	v8 =	vld [tilespmem:s0+$0x860]  }
0x129: {  	s6 =	sand.u32 $0x380, s1;
	s8 =	sshra.s32 s8, $0x2;
	v10 =	vld [tilespmem:s0+$0x30];
	[tilespmem:s0+$0x430] =	vst v4;
	v4 =	vmul.f32 v5, v0  }
0x12a: {  	s6 =	sor.u32 s6, s8;
	v7 =	vmul.f32 v7, v0;
	v5 =	vld [tilespmem:s0+$0x20];
	[tilespmem:s0+$0x840] =	vst v6  }
0x12b: {  	s8 =	sadd.s32 $0x12800, s6;
	v11 =	vmul.f32 v11, v0;
	v6 =	vld [tilespmem:s0+$0x10];
	[tilespmem:s0+$0x450] =	vst v3  }
0x12c: {  	v3 =	vld [tilespmem:s8+$0x870];
	v9 =	vmul.f32 v9, v0;
	[tilespmem:s0+$0x460] =	vst v4  }
0x12d: {  	v4 =	vld [tilespmem:s8+$0x430];
	[tilespmem:s0+$0x70] =	vst v7;
	v7 =	vmul.f32 v8, v0  }
0x12e: {  	v8 =	vld [tilespmem:s8+$0x820];
	[tilespmem:s0+$0x50] =	vst v2  }
0x12f: {  	v2 =	vld [tilespmem:s8+$0x420];
	v5 =	vmul.f32 v5, v0;
	[tilespmem:s0+$0x860] =	vst v7  }
0x130: {  	v7 =	vld [tilespmem:s8+$0x830];
	v6 =	vmul.f32 v6, v0;
	[tilespmem:s0+$0x400] =	vst v11  }
0x131: {  	v10 =	vmul.f32 v10, v0;
	v11 =	vld [tilespmem:s8+$0x470];
	[tilespmem:s0+$0x440] =	vst v1  }
0x132: {  	v1 =	vld [tilespmem:s8+$0x440];
	[tilespmem:s0+$0x10] =	vst v6  }
0x133: {  	v12 =	vld [tilespmem:s8+$0x40];
	[tilespmem:s0+$0x30] =	vst v10  }
0x134: {  	v2 =	vmul.f32 v2, v0;
	v6 =	vld [tilespmem:s8+$0x810];
	[tilespmem:s0+$0x20] =	vst v5  }
0x135: {  	v3 =	vmul.f32 v3, v0;
	v5 =	vld [tilespmem:s8+$0x60];
	[tilespmem:s0+$0x410] =	vst v9;
	s0 =	smov.u32 s8  }
0x136: {  	v9 =	vld [tilespmem:s6+$0x12800];
	[tilespmem:s0+$0x420] =	vst v2;
	v2 =	vmul.f32 v8, v0  }
0x137: {  	v7 =	vmul.f32 v7, v0;
	v8 =	vld [tilespmem:s0+$0x850];
	[tilespmem:s0+$0x870] =	vst v3  }
0x138: {  	v10 =	vmul.f32 v11, v0;
	v11 =	vld [tilespmem:s0+$0x800];
	[tilespmem:s0+$0x820] =	vst v2  }
.Ltmp3:
0x139: {  	v2 =	vld [tilespmem:s0+$0x50];
	v6 =	vmul.f32 v6, v0;
	[tilespmem:s0+$0x830] =	vst v7;
	(pc) =	sbr.rel @p0 .LBB2_8-.Ltmp3, $4  }
0x13a: {  	v5 =	vmul.f32 v5, v0;
	v3 =	vld [tilespmem:s0+$0x450];
	[tilespmem:s0+$0x470] =	vst v10  }
0x13b: {  	v4 =	vmul.f32 v4, v0;
	v7 =	vmul.f32 v9, v0;
	[tilespmem:s0+$0x810] =	vst v6;
	v6 =	vld [tilespmem:s0+$0x840]  }
0x13c: {  	v1 =	vmul.f32 v1, v0;
	[tilespmem:s0+$0x60] =	vst v5;
	v5 =	vld [tilespmem:s0+$0x460];
	v9 =	vmul.f32 v8, v0  }
0x13d: {  	v8 =	vmul.f32 v12, v0;
	[tilespmem:s6+$0x12800] =	vst v7;
	v7 =	vld [tilespmem:s0+$0x70];
	v10 =	vmul.f32 v11, v0;
	s6 =	smov.u32 s5  }
0x13e: {  	[tilespmem:s0+$0x850] =	vst v9  }
0x13f: {  	[tilespmem:s0+$0x430] =	vst v4  }
0x140: {  	[tilespmem:s0+$0x440] =	vst v1  }
0x141: {  	v53 =	vld [tilespmem:s0+$0x860];
	v2 =	vmul.f32 v2, v0;
	[tilespmem:s0+$0x800] =	vst v10  }
0x142: {  	v11 =	vld [tilespmem:s0+$0x400];
	[tilespmem:s0+$0x40] =	vst v8;
	v3 =	vmul.f32 v3, v0  }
0x143: {  	v56 =	vld [tilespmem:s0+$0x10];
	v6 =	vmul.f32 v6, v0;
	[tilespmem:s0+$0x50] =	vst v2  }
0x144: {  	v57 =	vld [tilespmem:s0+$0x30];
	v54 =	vmul.f32 v5, v0;
	[tilespmem:s0+$0x450] =	vst v3  }
0x145: {  	v58 =	vld [tilespmem:s0+$0x20];
	[tilespmem:s0+$0x840] =	vst v6;
	v55 =	vmul.f32 v7, v0  }
0x146: {  	v52 =	vld [tilespmem:s0+$0x410];
	[tilespmem:s0+$0x460] =	vst v54;
	v59 =	vmul.f32 v53, v0  }
0x147: {  	v60 =	vmul.f32 v11, v0;
	[tilespmem:s0+$0x70] =	vst v55  }
0x148: {  	v61 =	vmul.f32 v56, v0;
	[tilespmem:s0+$0x860] =	vst v59  }
0x149: {  	v3 =	vmul.f32 v57, v0;
	[tilespmem:s0+$0x400] =	vst v60  }
0x14a: {  	v62 =	vmul.f32 v58, v0;
	[tilespmem:s0+$0x10] =	vst v61  }
0x14b: {  	v63 =	vmul.f32 v52, v0;
	[tilespmem:s0+$0x30] =	vst v3  }
0x14c: {  	[tilespmem:s0+$0x20] =	vst v62  }
0x14d: {  	s15 =	rddreg [dreg:$0x9];
	s31 =	simm.s32 $0x0;
	[tilespmem:s0+$0x410] =	vst v63  }
0x14e: {  	[hbm4b:s15+s30] =	stream.linear.scatter [tilespmem:s20], [sflag:$0x8], $0x6000, $0x38;
	[tilespmem:$0x18800] =	vst v63  }
.LBB2_10:
0x14f: {  	s5 =	sshll.u32 s31, $0x2;
	_ =	swait.ge [sflag:s19], $0x6000  }
0x150: {  	[sflag:s19] =	ssyncset.done $0x0;
	s0 =	sadd.s32 $0x7, s5  }
0x151: {  	[sflag:s19] =	ssyncadd.s32 $0xFFFFA000;
	s1 =	sshll.u32 s0, $0x6  }
0x152: {  	s6 =	sshll.u32 s0, $0x4;
	_ =	swait.ge [sflag:s28], $0x6000;
	s1 =	sand.u32 $0x1E00, s1  }
0x153: {  	s15 =	sand.u32 $0x70, s6;
	[sflag:s28] =	ssyncset.done $0x0;
	s1 =	sshrl.u32 s1, $0x2  }
0x154: {  	[sflag:s28] =	ssyncadd.s32 $0xFFFFA000;
	s6 =	sor.u32 s15, s1  }
0x155: {  	v0 =	vld [tilespmem:s6+$0x0];
	_ =	sdelay $0x4  }
0x156: {  	(v2sf) =	vpush v0, $0x0;
	_ =	sdelay $0xe  }
0x157: {  	s12 =	spop (v2sf)  }
0x158: {  	s6 =	smul.u32 $0x6000, s12;
	_ =	sdelay $0x1  }
0x159: {  	s8 =	simm.s32 $0x0;
	s6 =	sshrl.u32 s6, $0x3  }
0x15a: {  	s8 =	smul.u32 $0x3000, s8;
	s6 =	sadd.s32 s2, s6  }
0x15b: {  	[tilespmem:s20], [sflag:$0x4] =	stream.linear.gather [hbm4b:s6+s30], $0x6000, $0x38;
	[tilespmem:$0x18800] =	vst v63  }
0x15c: {  	s10 =	sand.u32 $0x380, s30;
	s8 =	sshra.s32 s8, $0x2;
	s6 =	sadd.s32 $0x4, s5  }
0x15d: {  	s8 =	sor.u32 s10, s8;
	s9 =	sshll.u32 s6, $0x4  }
0x15e: {  	v1 =	vld [tilespmem:s8+$0x800];
	s9 =	sand.u32 $0x7C0, s9  }
0x15f: {  	v0 =	vld [tilespmem:s9+$0x400]  }
0x160: {  	v2 =	vld [tilespmem:s8+$0x810]  }
0x161: {  	v3 =	vld [tilespmem:s8+$0x820]  }
0x162: {  	v4 =	vld [tilespmem:s8+$0x830]  }
0x163: {  	v5 =	vld [tilespmem:s8+$0x840]  }
0x164: {  	v6 =	vld [tilespmem:s8+$0x850];
	v1 =	vmul.f32 v1, v0  }
0x165: {  	v7 =	vld [tilespmem:s8+$0x860];
	v2 =	vmul.f32 v2, v0  }
0x166: {  	[tilespmem:s8+$0x800] =	vst v1;
	v1 =	vmul.f32 v3, v0;
	v3 =	vld [tilespmem:s8+$0x870]  }
0x167: {  	[tilespmem:s8+$0x810] =	vst v2;
	v2 =	vmul.f32 v4, v0;
	v4 =	vld [tilespmem:s8+$0xC00]  }
0x168: {  	[tilespmem:s8+$0x820] =	vst v1;
	v1 =	vmul.f32 v5, v0;
	v5 =	vld [tilespmem:s8+$0xC10]  }
0x169: {  	[tilespmem:s8+$0x830] =	vst v2;
	v2 =	vmul.f32 v6, v0;
	v6 =	vld [tilespmem:s8+$0xC20]  }
0x16a: {  	[tilespmem:s8+$0x840] =	vst v1;
	v1 =	vmul.f32 v7, v0;
	v7 =	vld [tilespmem:s8+$0xC30]  }
0x16b: {  	v8 =	vld [tilespmem:s8+$0xC40];
	[tilespmem:s8+$0x850] =	vst v2;
	v2 =	vmul.f32 v3, v0  }
0x16c: {  	v9 =	vld [tilespmem:s8+$0xC50];
	[tilespmem:s8+$0x860] =	vst v1;
	v1 =	vmul.f32 v4, v0  }
0x16d: {  	[tilespmem:s8+$0x870] =	vst v2;
	v2 =	vmul.f32 v5, v0;
	v5 =	vld [tilespmem:s8+$0xC60]  }
0x16e: {  	v3 =	vld [tilespmem:s8+$0xC70];
	[tilespmem:s8+$0xC00] =	vst v1;
	v1 =	vmul.f32 v6, v0  }
0x16f: {  	v4 =	vld [tilespmem:s8+$0x1000];
	[tilespmem:s8+$0xC10] =	vst v2;
	v2 =	vmul.f32 v7, v0  }
0x170: {  	v7 =	vmul.f32 v8, v0;
	[tilespmem:s8+$0xC20] =	vst v1;
	v1 =	vld [tilespmem:s8+$0x1010]  }
0x171: {  	s10 =	simm.s32 $0x0;
	s9 =	simm.s32 $0x1;
	v6 =	vmul.f32 v9, v0;
	[tilespmem:s8+$0xC30] =	vst v2;
	v2 =	vld [tilespmem:s8+$0x1020]  }
.LBB2_11:
0x172: {  	s11 =	sshrl.u32 s9, $0x3;
	p0 =	sne.s32 s9, $0x3F;
	[tilespmem:s8+$0xC40] =	vst v7;
	v5 =	vmul.f32 v5, v0;
	v7 =	vld [tilespmem:s8+$0x1030]  }
0x173: {  	s11 =	smul.u32 $0x3000, s11;
	[tilespmem:s8+$0xC50] =	vst v6;
	v3 =	vmul.f32 v3, v0;
	v6 =	vld [tilespmem:s8+$0x1040]  }
0x174: {  	s10 =	sadd.s32 $0x80, s10;
	[tilespmem:s8+$0xC60] =	vst v5;
	v4 =	vmul.f32 v4, v0;
	v5 =	vld [tilespmem:s8+$0x1050]  }
0x175: {  	s12 =	sand.u32 $0x380, s10;
	s11 =	sshra.s32 s11, $0x2;
	[tilespmem:s8+$0xC70] =	vst v3;
	v1 =	vmul.f32 v1, v0;
	v3 =	vld [tilespmem:s8+$0x1060]  }
0x176: {  	s11 =	sor.u32 s12, s11;
	[tilespmem:s8+$0x1000] =	vst v4;
	v2 =	vmul.f32 v2, v0;
	v4 =	vld [tilespmem:s8+$0x1070]  }
0x177: {  	v8 =	vld [tilespmem:s11+$0x800];
	[tilespmem:s8+$0x1010] =	vst v1;
	v1 =	vmul.f32 v7, v0  }
0x178: {  	v7 =	vld [tilespmem:s11+$0x810];
	[tilespmem:s8+$0x1020] =	vst v2;
	v2 =	vmul.f32 v6, v0  }
0x179: {  	v6 =	vld [tilespmem:s11+$0x820];
	[tilespmem:s8+$0x1030] =	vst v1;
	v1 =	vmul.f32 v5, v0  }
0x17a: {  	v5 =	vld [tilespmem:s11+$0x830];
	[tilespmem:s8+$0x1040] =	vst v2;
	v2 =	vmul.f32 v3, v0  }
0x17b: {  	v3 =	vld [tilespmem:s11+$0x840];
	[tilespmem:s8+$0x1050] =	vst v1;
	v1 =	vmul.f32 v4, v0  }
0x17c: {  	v4 =	vmul.f32 v8, v0;
	v8 =	vld [tilespmem:s11+$0x850];
	[tilespmem:s8+$0x1060] =	vst v2  }
0x17d: {  	v2 =	vmul.f32 v7, v0;
	v7 =	vld [tilespmem:s11+$0x860];
	[tilespmem:s8+$0x1070] =	vst v1;
	s8 =	smov.u32 s11  }
0x17e: {  	[tilespmem:s8+$0x800] =	vst v4;
	v1 =	vmul.f32 v6, v0;
	v4 =	vld [tilespmem:s8+$0x870]  }
0x17f: {  	[tilespmem:s8+$0x810] =	vst v2;
	v2 =	vmul.f32 v5, v0;
	v5 =	vld [tilespmem:s8+$0xC00]  }
0x180: {  	[tilespmem:s8+$0x820] =	vst v1;
	v1 =	vmul.f32 v3, v0;
	v3 =	vld [tilespmem:s8+$0xC10]  }
0x181: {  	[tilespmem:s8+$0x830] =	vst v2;
	v2 =	vmul.f32 v8, v0;
	v6 =	vld [tilespmem:s8+$0xC20]  }
0x182: {  	[tilespmem:s8+$0x840] =	vst v1;
	v1 =	vmul.f32 v7, v0;
	v7 =	vld [tilespmem:s8+$0xC30]  }
0x183: {  	[tilespmem:s8+$0x850] =	vst v2;
	v2 =	vmul.f32 v4, v0;
	v8 =	vld [tilespmem:s8+$0xC40]  }
0x184: {  	[tilespmem:s8+$0x860] =	vst v1;
	v1 =	vmul.f32 v5, v0;
	v9 =	vld [tilespmem:s8+$0xC50]  }
.Ltmp4:
0x185: {  	[tilespmem:s8+$0x870] =	vst v2;
	v2 =	vmul.f32 v3, v0;
	v5 =	vld [tilespmem:s8+$0xC60];
	(pc) =	sbr.rel @p0 .LBB2_11-.Ltmp4, $4  }
0x186: {  	[tilespmem:s8+$0xC00] =	vst v1;
	v1 =	vmul.f32 v6, v0;
	v3 =	vld [tilespmem:s8+$0xC70]  }
0x187: {  	[tilespmem:s8+$0xC10] =	vst v2;
	v2 =	vmul.f32 v7, v0;
	v4 =	vld [tilespmem:s8+$0x1000]  }
0x188: {  	[tilespmem:s8+$0xC20] =	vst v1;
	v7 =	vmul.f32 v8, v0;
	v1 =	vld [tilespmem:s8+$0x1010]  }
0x189: {  	s9 =	sadd.s32 $0x1, s9;
	[tilespmem:s8+$0xC30] =	vst v2;
	v6 =	vmul.f32 v9, v0;
	v2 =	vld [tilespmem:s8+$0x1020]  }
0x18a: {  	[tilespmem:s8+$0xC40] =	vst v7;
	v5 =	vmul.f32 v5, v0;
	v7 =	vld [tilespmem:s8+$0x1030]  }
0x18b: {  	[tilespmem:s8+$0xC50] =	vst v6;
	v3 =	vmul.f32 v3, v0;
	v6 =	vld [tilespmem:s8+$0x1040]  }
0x18c: {  	[tilespmem:s8+$0xC60] =	vst v5;
	v4 =	vmul.f32 v4, v0;
	v5 =	vld [tilespmem:s8+$0x1050]  }
0x18d: {  	[tilespmem:s8+$0xC70] =	vst v3;
	v1 =	vmul.f32 v1, v0;
	v3 =	vld [tilespmem:s8+$0x1060]  }
0x18e: {  	[tilespmem:s8+$0x1000] =	vst v4;
	v2 =	vmul.f32 v2, v0;
	v4 =	vld [tilespmem:s8+$0x1070]  }
0x18f: {  	[tilespmem:s8+$0x1010] =	vst v1;
	v1 =	vmul.f32 v7, v0  }
0x190: {  	[tilespmem:s8+$0x1020] =	vst v2;
	v2 =	vmul.f32 v6, v0  }
0x191: {  	[tilespmem:s8+$0x1030] =	vst v1;
	v1 =	vmul.f32 v5, v0  }
0x192: {  	s6 =	sadd.s32 s7, s6;
	[tilespmem:s8+$0x1040] =	vst v2;
	v2 =	vmul.f32 v3, v0  }
0x193: {  	s6 =	smul.u32 $0xC00, s6;
	[tilespmem:s8+$0x1050] =	vst v1;
	v0 =	vmul.f32 v4, v0  }
0x194: {  	[tilespmem:s8+$0x1060] =	vst v2  }
0x195: {  	s6 =	sadd.s32 s3, s6;
	[tilespmem:s8+$0x1070] =	vst v0;
	s8 =	simm.s32 $0x0  }
0x196: {  	[hbm4b:s6+s8] =	stream.linear.scatter [tilespmem:s16], [sflag:$0x5], $0x6000, $0x38;
	[tilespmem:$0x18800] =	vst v63  }
0x197: {  	_ =	swait.ge [sflag:s21], $0x6000  }
0x198: {  	s10 =	sshll.u32 s31, $0x8;
	[sflag:s21] =	ssyncset.done $0x0  }
0x199: {  	s6 =	sadd.s32 $0x200, s10;
	[sflag:s21] =	ssyncadd.s32 $0xFFFFA000  }
0x19a: {  	s9 =	sshll.u32 s31, $0x6;
	s6 =	sand.u32 $0x1E00, s6;
	_ =	swait.ge [sflag:s22], $0x6000  }
0x19b: {  	s9 =	sand.u32 $0x40, s9;
	s6 =	sshrl.u32 s6, $0x2;
	[sflag:s22] =	ssyncset.done $0x0  }
0x19c: {  	s6 =	sor.u32 s9, s6;
	[sflag:s22] =	ssyncadd.s32 $0xFFFFA000  }
0x19d: {  	v0 =	vld [tilespmem:s6+$0x0];
	_ =	sdelay $0x4  }
0x19e: {  	(v2sf) =	vpush v0, $0x0;
	_ =	sdelay $0xe  }
0x19f: {  	s11 =	spop (v2sf)  }
0x1a0: {  	s6 =	smul.u32 $0x6000, s11;
	_ =	sdelay $0x1  }
0x1a1: {  	s12 =	simm.s32 $0x0;
	s6 =	sshrl.u32 s6, $0x3  }
0x1a2: {  	s9 =	smul.u32 $0x3000, s12;
	s6 =	sadd.s32 s2, s6  }
0x1a3: {  	[tilespmem:s16], [sflag:$0x1] =	stream.linear.gather [hbm4b:s6+s8], $0x6000, $0x38;
	[tilespmem:$0x18800] =	vst v63  }
0x1a4: {  	s9 =	sshra.s32 s9, $0x2;
	s11 =	sand.u32 $0x380, s8;
	s6 =	sadd.s32 $0x5, s5  }
0x1a5: {  	s9 =	sor.u32 s11, s9;
	s10 =	sshll.u32 s6, $0x4  }
0x1a6: {  	v1 =	vld [tilespmem:s9+$0x6800];
	s10 =	sand.u32 $0x7D0, s10  }
0x1a7: {  	v0 =	vld [tilespmem:s10+$0x400]  }
0x1a8: {  	v2 =	vld [tilespmem:s9+$0x6810]  }
0x1a9: {  	v3 =	vld [tilespmem:s9+$0x6820]  }
0x1aa: {  	v4 =	vld [tilespmem:s9+$0x6830]  }
0x1ab: {  	v5 =	vld [tilespmem:s9+$0x6840]  }
0x1ac: {  	v6 =	vld [tilespmem:s9+$0x6850];
	v1 =	vmul.f32 v1, v0  }
0x1ad: {  	v7 =	vld [tilespmem:s9+$0x6860];
	v2 =	vmul.f32 v2, v0  }
0x1ae: {  	[tilespmem:s9+$0x6800] =	vst v1;
	v1 =	vmul.f32 v3, v0;
	v3 =	vld [tilespmem:s9+$0x6870]  }
0x1af: {  	[tilespmem:s9+$0x6810] =	vst v2;
	v2 =	vmul.f32 v4, v0;
	v4 =	vld [tilespmem:s9+$0x6C00]  }
0x1b0: {  	[tilespmem:s9+$0x6820] =	vst v1;
	v1 =	vmul.f32 v5, v0;
	v5 =	vld [tilespmem:s9+$0x6C10]  }
0x1b1: {  	[tilespmem:s9+$0x6830] =	vst v2;
	v2 =	vmul.f32 v6, v0;
	v6 =	vld [tilespmem:s9+$0x6C20]  }
0x1b2: {  	[tilespmem:s9+$0x6840] =	vst v1;
	v1 =	vmul.f32 v7, v0;
	v7 =	vld [tilespmem:s9+$0x6C30]  }
0x1b3: {  	v8 =	vld [tilespmem:s9+$0x6C40];
	[tilespmem:s9+$0x6850] =	vst v2;
	v2 =	vmul.f32 v3, v0  }
0x1b4: {  	v9 =	vld [tilespmem:s9+$0x6C50];
	[tilespmem:s9+$0x6860] =	vst v1;
	v1 =	vmul.f32 v4, v0  }
0x1b5: {  	[tilespmem:s9+$0x6870] =	vst v2;
	v2 =	vmul.f32 v5, v0;
	v5 =	vld [tilespmem:s9+$0x6C60]  }
0x1b6: {  	v3 =	vld [tilespmem:s9+$0x6C70];
	[tilespmem:s9+$0x6C00] =	vst v1;
	v1 =	vmul.f32 v6, v0  }
0x1b7: {  	v4 =	vld [tilespmem:s9+$0x7000];
	[tilespmem:s9+$0x6C10] =	vst v2;
	v2 =	vmul.f32 v7, v0  }
0x1b8: {  	v7 =	vmul.f32 v8, v0;
	[tilespmem:s9+$0x6C20] =	vst v1;
	v1 =	vld [tilespmem:s9+$0x7010]  }
0x1b9: {  	s10 =	simm.s32 $0x1;
	v6 =	vmul.f32 v9, v0;
	[tilespmem:s9+$0x6C30] =	vst v2;
	v2 =	vld [tilespmem:s9+$0x7020]  }
.LBB2_13:
0x1ba: {  	s11 =	sshrl.u32 s10, $0x3;
	p0 =	sne.s32 s10, $0x3F;
	[tilespmem:s9+$0x6C40] =	vst v7;
	v5 =	vmul.f32 v5, v0;
	v7 =	vld [tilespmem:s9+$0x7030]  }
0x1bb: {  	s11 =	smul.u32 $0x3000, s11;
	[tilespmem:s9+$0x6C50] =	vst v6;
	v3 =	vmul.f32 v3, v0;
	v6 =	vld [tilespmem:s9+$0x7040]  }
0x1bc: {  	s8 =	sadd.s32 $0x80, s8;
	[tilespmem:s9+$0x6C60] =	vst v5;
	v4 =	vmul.f32 v4, v0;
	v5 =	vld [tilespmem:s9+$0x7050]  }
0x1bd: {  	s12 =	sand.u32 $0x380, s8;
	s11 =	sshra.s32 s11, $0x2;
	[tilespmem:s9+$0x6C70] =	vst v3;
	v1 =	vmul.f32 v1, v0;
	v3 =	vld [tilespmem:s9+$0x7060]  }
0x1be: {  	s11 =	sor.u32 s12, s11;
	[tilespmem:s9+$0x7000] =	vst v4;
	v2 =	vmul.f32 v2, v0;
	v4 =	vld [tilespmem:s9+$0x7070]  }
0x1bf: {  	v8 =	vld [tilespmem:s11+$0x6800];
	[tilespmem:s9+$0x7010] =	vst v1;
	v1 =	vmul.f32 v7, v0  }
0x1c0: {  	v7 =	vld [tilespmem:s11+$0x6810];
	[tilespmem:s9+$0x7020] =	vst v2;
	v2 =	vmul.f32 v6, v0  }
0x1c1: {  	v6 =	vld [tilespmem:s11+$0x6820];
	[tilespmem:s9+$0x7030] =	vst v1;
	v1 =	vmul.f32 v5, v0  }
0x1c2: {  	v5 =	vld [tilespmem:s11+$0x6830];
	[tilespmem:s9+$0x7040] =	vst v2;
	v2 =	vmul.f32 v3, v0  }
0x1c3: {  	v3 =	vld [tilespmem:s11+$0x6840];
	[tilespmem:s9+$0x7050] =	vst v1;
	v1 =	vmul.f32 v4, v0  }
0x1c4: {  	v4 =	vmul.f32 v8, v0;
	v8 =	vld [tilespmem:s11+$0x6850];
	[tilespmem:s9+$0x7060] =	vst v2  }
0x1c5: {  	v2 =	vmul.f32 v7, v0;
	v7 =	vld [tilespmem:s11+$0x6860];
	[tilespmem:s9+$0x7070] =	vst v1;
	s9 =	smov.u32 s11  }
0x1c6: {  	[tilespmem:s9+$0x6800] =	vst v4;
	v1 =	vmul.f32 v6, v0;
	v4 =	vld [tilespmem:s9+$0x6870]  }
0x1c7: {  	[tilespmem:s9+$0x6810] =	vst v2;
	v2 =	vmul.f32 v5, v0;
	v5 =	vld [tilespmem:s9+$0x6C00]  }
0x1c8: {  	[tilespmem:s9+$0x6820] =	vst v1;
	v1 =	vmul.f32 v3, v0;
	v3 =	vld [tilespmem:s9+$0x6C10]  }
0x1c9: {  	[tilespmem:s9+$0x6830] =	vst v2;
	v2 =	vmul.f32 v8, v0;
	v6 =	vld [tilespmem:s9+$0x6C20]  }
0x1ca: {  	[tilespmem:s9+$0x6840] =	vst v1;
	v1 =	vmul.f32 v7, v0;
	v7 =	vld [tilespmem:s9+$0x6C30]  }
0x1cb: {  	[tilespmem:s9+$0x6850] =	vst v2;
	v2 =	vmul.f32 v4, v0;
	v8 =	vld [tilespmem:s9+$0x6C40]  }
0x1cc: {  	[tilespmem:s9+$0x6860] =	vst v1;
	v1 =	vmul.f32 v5, v0;
	v9 =	vld [tilespmem:s9+$0x6C50]  }
.Ltmp5:
0x1cd: {  	[tilespmem:s9+$0x6870] =	vst v2;
	v2 =	vmul.f32 v3, v0;
	v5 =	vld [tilespmem:s9+$0x6C60];
	(pc) =	sbr.rel @p0 .LBB2_13-.Ltmp5, $4  }
0x1ce: {  	[tilespmem:s9+$0x6C00] =	vst v1;
	v1 =	vmul.f32 v6, v0;
	v3 =	vld [tilespmem:s9+$0x6C70]  }
0x1cf: {  	[tilespmem:s9+$0x6C10] =	vst v2;
	v2 =	vmul.f32 v7, v0;
	v4 =	vld [tilespmem:s9+$0x7000]  }
0x1d0: {  	[tilespmem:s9+$0x6C20] =	vst v1;
	v7 =	vmul.f32 v8, v0;
	v1 =	vld [tilespmem:s9+$0x7010]  }
0x1d1: {  	s10 =	sadd.s32 $0x1, s10;
	[tilespmem:s9+$0x6C30] =	vst v2;
	v6 =	vmul.f32 v9, v0;
	v2 =	vld [tilespmem:s9+$0x7020]  }
0x1d2: {  	[tilespmem:s9+$0x6C40] =	vst v7;
	v5 =	vmul.f32 v5, v0;
	v7 =	vld [tilespmem:s9+$0x7030]  }
0x1d3: {  	[tilespmem:s9+$0x6C50] =	vst v6;
	v3 =	vmul.f32 v3, v0;
	v6 =	vld [tilespmem:s9+$0x7040]  }
0x1d4: {  	[tilespmem:s9+$0x6C60] =	vst v5;
	v4 =	vmul.f32 v4, v0;
	v5 =	vld [tilespmem:s9+$0x7050]  }
0x1d5: {  	[tilespmem:s9+$0x6C70] =	vst v3;
	v1 =	vmul.f32 v1, v0;
	v3 =	vld [tilespmem:s9+$0x7060]  }
0x1d6: {  	[tilespmem:s9+$0x7000] =	vst v4;
	v2 =	vmul.f32 v2, v0;
	v4 =	vld [tilespmem:s9+$0x7070]  }
0x1d7: {  	[tilespmem:s9+$0x7010] =	vst v1;
	v1 =	vmul.f32 v7, v0  }
0x1d8: {  	[tilespmem:s9+$0x7020] =	vst v2;
	v2 =	vmul.f32 v6, v0  }
0x1d9: {  	[tilespmem:s9+$0x7030] =	vst v1;
	v1 =	vmul.f32 v5, v0  }
0x1da: {  	s6 =	sadd.s32 s7, s6;
	[tilespmem:s9+$0x7040] =	vst v2;
	v2 =	vmul.f32 v3, v0  }
0x1db: {  	s6 =	smul.u32 $0xC00, s6;
	[tilespmem:s9+$0x7050] =	vst v1;
	v0 =	vmul.f32 v4, v0  }
0x1dc: {  	[tilespmem:s9+$0x7060] =	vst v2  }
0x1dd: {  	s6 =	sadd.s32 s3, s6;
	[tilespmem:s9+$0x7070] =	vst v0  }
0x1de: {  	[hbm4b:s6+s4] =	stream.linear.scatter [tilespmem:s17], [sflag:$0x6], $0x6000, $0x38;
	[tilespmem:$0x18800] =	vst v63  }
0x1df: {  	_ =	swait.ge [sflag:s23], $0x6000  }
0x1e0: {  	p0 =	seq.s32 s31, $0xA;
	[sflag:s23] =	ssyncset.done $0x0  }
0x1e1: {  	s8 =	simm.s32 @!p0 $0x6;
	[sflag:s23] =	ssyncadd.s32 $0xFFFFA000  }
0x1e2: {  	s6 =	sshll.u32 @!p0 s5, $0x4;
	_ =	swait.ge @!p0 [sflag:s8], $0x6000  }
0x1e3: {  	s9 =	sadd.s32 @!p0 $0x90, s6;
	[sflag:s8] =	ssyncset.done @!p0 $0x0  }
0x1e4: {  	[sflag:s8] =	ssyncadd.s32 @!p0 $0xFFFFA000;
	s8 =	sand.u32 @!p0 $0x7D0, s9  }
0x1e5: {  	v0 =	vld @!p0 [tilespmem:s8+$0x0];
	_ =	sdelay $0x4  }
0x1e6: {  	(v2sf) =	vpush @!p0 v0, $0x0;
	_ =	sdelay $0xe  }
0x1e7: {  	s8 =	spop @!p0 (v2sf)  }
0x1e8: {  	s8 =	smul.u32 @!p0 $0x6000, s8;
	_ =	sdelay $0x1  }
0x1e9: {  	s11 =	simm.s32 $0x0;
	s8 =	sshrl.u32 @!p0 s8, $0x3  }
0x1ea: {  	s10 =	simm.s32 @!p0 $0x6800;
	s9 =	simm.s32 @!p0 $0x0;
	s8 =	sadd.s32 @!p0 s2, s8  }
0x1eb: {  	[tilespmem:s10], [sflag:$0x2] =	stream.linear.gather @!p0 [hbm4b:s8+s9], $0x6000, $0x38;
	[tilespmem:$0x18800] =	vst v63  }
0x1ec: {  	s5 =	sadd.s32 $0x6, s5;
	s8 =	smul.u32 $0x3000, s11  }
0x1ed: {  	s12 =	sshll.u32 s5, $0x4;
	s9 =	simm.s32 $0x0  }
0x1ee: {  	s10 =	sand.u32 $0x7E0, s12;
	s11 =	sand.u32 $0x380, s9;
	s8 =	sshra.s32 s8, $0x2  }
0x1ef: {  	v0 =	vld [tilespmem:s10+$0x400];
	s8 =	sor.u32 s11, s8  }
0x1f0: {  	v1 =	vld [tilespmem:s8+$0xC800]  }
0x1f1: {  	v2 =	vld [tilespmem:s8+$0xC810]  }
0x1f2: {  	v3 =	vld [tilespmem:s8+$0xC820]  }
0x1f3: {  	v4 =	vld [tilespmem:s8+$0xC830]  }
0x1f4: {  	v5 =	vld [tilespmem:s8+$0xC840]  }
0x1f5: {  	v6 =	vld [tilespmem:s8+$0xC850];
	v1 =	vmul.f32 v1, v0  }
0x1f6: {  	v7 =	vld [tilespmem:s8+$0xC860];
	v2 =	vmul.f32 v2, v0  }
0x1f7: {  	[tilespmem:s8+$0xC800] =	vst v1;
	v1 =	vmul.f32 v3, v0;
	v3 =	vld [tilespmem:s8+$0xC870]  }
0x1f8: {  	[tilespmem:s8+$0xC810] =	vst v2;
	v2 =	vmul.f32 v4, v0;
	v4 =	vld [tilespmem:s8+$0xCC00]  }
0x1f9: {  	[tilespmem:s8+$0xC820] =	vst v1;
	v1 =	vmul.f32 v5, v0;
	v5 =	vld [tilespmem:s8+$0xCC10]  }
0x1fa: {  	[tilespmem:s8+$0xC830] =	vst v2;
	v2 =	vmul.f32 v6, v0;
	v6 =	vld [tilespmem:s8+$0xCC20]  }
0x1fb: {  	[tilespmem:s8+$0xC840] =	vst v1;
	v1 =	vmul.f32 v7, v0;
	v7 =	vld [tilespmem:s8+$0xCC30]  }
0x1fc: {  	v8 =	vld [tilespmem:s8+$0xCC40];
	[tilespmem:s8+$0xC850] =	vst v2;
	v2 =	vmul.f32 v3, v0  }
0x1fd: {  	v9 =	vld [tilespmem:s8+$0xCC50];
	[tilespmem:s8+$0xC860] =	vst v1;
	v1 =	vmul.f32 v4, v0  }
0x1fe: {  	[tilespmem:s8+$0xC870] =	vst v2;
	v2 =	vmul.f32 v5, v0;
	v5 =	vld [tilespmem:s8+$0xCC60]  }
0x1ff: {  	v3 =	vld [tilespmem:s8+$0xCC70];
	[tilespmem:s8+$0xCC00] =	vst v1;
	v1 =	vmul.f32 v6, v0  }
0x200: {  	v4 =	vld [tilespmem:s8+$0xD000];
	[tilespmem:s8+$0xCC10] =	vst v2;
	v2 =	vmul.f32 v7, v0  }
0x201: {  	v7 =	vmul.f32 v8, v0;
	[tilespmem:s8+$0xCC20] =	vst v1;
	v1 =	vld [tilespmem:s8+$0xD010]  }
0x202: {  	s10 =	simm.s32 $0x1;
	v6 =	vmul.f32 v9, v0;
	[tilespmem:s8+$0xCC30] =	vst v2;
	v2 =	vld [tilespmem:s8+$0xD020]  }
.LBB2_15:
0x203: {  	s11 =	sshrl.u32 s10, $0x3;
	p1 =	sne.s32 s10, $0x3F;
	[tilespmem:s8+$0xCC40] =	vst v7;
	v5 =	vmul.f32 v5, v0;
	v7 =	vld [tilespmem:s8+$0xD030]  }
0x204: {  	s11 =	smul.u32 $0x3000, s11;
	[tilespmem:s8+$0xCC50] =	vst v6;
	v3 =	vmul.f32 v3, v0;
	v6 =	vld [tilespmem:s8+$0xD040]  }
0x205: {  	s9 =	sadd.s32 $0x80, s9;
	[tilespmem:s8+$0xCC60] =	vst v5;
	v4 =	vmul.f32 v4, v0;
	v5 =	vld [tilespmem:s8+$0xD050]  }
0x206: {  	s12 =	sand.u32 $0x380, s9;
	s11 =	sshra.s32 s11, $0x2;
	[tilespmem:s8+$0xCC70] =	vst v3;
	v1 =	vmul.f32 v1, v0;
	v3 =	vld [tilespmem:s8+$0xD060]  }
0x207: {  	s11 =	sor.u32 s12, s11;
	[tilespmem:s8+$0xD000] =	vst v4;
	v2 =	vmul.f32 v2, v0;
	v4 =	vld [tilespmem:s8+$0xD070]  }
0x208: {  	v8 =	vld [tilespmem:s11+$0xC800];
	[tilespmem:s8+$0xD010] =	vst v1;
	v1 =	vmul.f32 v7, v0  }
0x209: {  	v7 =	vld [tilespmem:s11+$0xC810];
	[tilespmem:s8+$0xD020] =	vst v2;
	v2 =	vmul.f32 v6, v0  }
0x20a: {  	v6 =	vld [tilespmem:s11+$0xC820];
	[tilespmem:s8+$0xD030] =	vst v1;
	v1 =	vmul.f32 v5, v0  }
0x20b: {  	v5 =	vld [tilespmem:s11+$0xC830];
	[tilespmem:s8+$0xD040] =	vst v2;
	v2 =	vmul.f32 v3, v0  }
0x20c: {  	v3 =	vld [tilespmem:s11+$0xC840];
	[tilespmem:s8+$0xD050] =	vst v1;
	v1 =	vmul.f32 v4, v0  }
0x20d: {  	v4 =	vmul.f32 v8, v0;
	v8 =	vld [tilespmem:s11+$0xC850];
	[tilespmem:s8+$0xD060] =	vst v2  }
0x20e: {  	v2 =	vmul.f32 v7, v0;
	v7 =	vld [tilespmem:s11+$0xC860];
	[tilespmem:s8+$0xD070] =	vst v1;
	s8 =	smov.u32 s11  }
0x20f: {  	[tilespmem:s8+$0xC800] =	vst v4;
	v1 =	vmul.f32 v6, v0;
	v4 =	vld [tilespmem:s8+$0xC870]  }
0x210: {  	[tilespmem:s8+$0xC810] =	vst v2;
	v2 =	vmul.f32 v5, v0;
	v5 =	vld [tilespmem:s8+$0xCC00]  }
0x211: {  	[tilespmem:s8+$0xC820] =	vst v1;
	v1 =	vmul.f32 v3, v0;
	v3 =	vld [tilespmem:s8+$0xCC10]  }
0x212: {  	[tilespmem:s8+$0xC830] =	vst v2;
	v2 =	vmul.f32 v8, v0;
	v6 =	vld [tilespmem:s8+$0xCC20]  }
0x213: {  	[tilespmem:s8+$0xC840] =	vst v1;
	v1 =	vmul.f32 v7, v0;
	v7 =	vld [tilespmem:s8+$0xCC30]  }
0x214: {  	[tilespmem:s8+$0xC850] =	vst v2;
	v2 =	vmul.f32 v4, v0;
	v8 =	vld [tilespmem:s8+$0xCC40]  }
0x215: {  	[tilespmem:s8+$0xC860] =	vst v1;
	v1 =	vmul.f32 v5, v0;
	v9 =	vld [tilespmem:s8+$0xCC50]  }
.Ltmp6:
0x216: {  	[tilespmem:s8+$0xC870] =	vst v2;
	v2 =	vmul.f32 v3, v0;
	v5 =	vld [tilespmem:s8+$0xCC60];
	(pc) =	sbr.rel @p1 .LBB2_15-.Ltmp6, $4  }
0x217: {  	[tilespmem:s8+$0xCC00] =	vst v1;
	v1 =	vmul.f32 v6, v0;
	v3 =	vld [tilespmem:s8+$0xCC70]  }
0x218: {  	[tilespmem:s8+$0xCC10] =	vst v2;
	v2 =	vmul.f32 v7, v0;
	v4 =	vld [tilespmem:s8+$0xD000]  }
0x219: {  	[tilespmem:s8+$0xCC20] =	vst v1;
	v7 =	vmul.f32 v8, v0;
	v1 =	vld [tilespmem:s8+$0xD010]  }
0x21a: {  	s10 =	sadd.s32 $0x1, s10;
	[tilespmem:s8+$0xCC30] =	vst v2;
	v6 =	vmul.f32 v9, v0;
	v2 =	vld [tilespmem:s8+$0xD020]  }
0x21b: {  	[tilespmem:s8+$0xCC40] =	vst v7;
	v5 =	vmul.f32 v5, v0;
	v7 =	vld [tilespmem:s8+$0xD030]  }
0x21c: {  	[tilespmem:s8+$0xCC50] =	vst v6;
	v3 =	vmul.f32 v3, v0;
	v6 =	vld [tilespmem:s8+$0xD040]  }
0x21d: {  	[tilespmem:s8+$0xCC60] =	vst v5;
	v4 =	vmul.f32 v4, v0;
	v5 =	vld [tilespmem:s8+$0xD050]  }
0x21e: {  	[tilespmem:s8+$0xCC70] =	vst v3;
	v1 =	vmul.f32 v1, v0;
	v3 =	vld [tilespmem:s8+$0xD060]  }
0x21f: {  	[tilespmem:s8+$0xD000] =	vst v4;
	v2 =	vmul.f32 v2, v0;
	v4 =	vld [tilespmem:s8+$0xD070]  }
0x220: {  	[tilespmem:s8+$0xD010] =	vst v1;
	v1 =	vmul.f32 v7, v0  }
0x221: {  	[tilespmem:s8+$0xD020] =	vst v2;
	v2 =	vmul.f32 v6, v0  }
0x222: {  	[tilespmem:s8+$0xD030] =	vst v1;
	v1 =	vmul.f32 v5, v0  }
0x223: {  	s5 =	sadd.s32 s7, s5;
	[tilespmem:s8+$0xD040] =	vst v2;
	v2 =	vmul.f32 v3, v0  }
0x224: {  	s5 =	smul.u32 $0xC00, s5;
	[tilespmem:s8+$0xD050] =	vst v1;
	v0 =	vmul.f32 v4, v0  }
0x225: {  	[tilespmem:s8+$0xD060] =	vst v2  }
0x226: {  	s5 =	sadd.s32 s3, s5;
	[tilespmem:s8+$0xD070] =	vst v0  }
0x227: {  	[hbm4b:s5+s4] =	stream.linear.scatter [tilespmem:s18], [sflag:$0x7], $0x6000, $0x38;
	[tilespmem:$0x18800] =	vst v63  }
0x228: {  	_ =	swait.ge [sflag:s25], $0x6000  }
0x229: {  	[sflag:s25] =	ssyncset.done $0x0  }
0x22a: {  	s5 =	simm.s32 @!p0 $0x7;
	[sflag:s25] =	ssyncadd.s32 $0xFFFFA000  }
0x22b: {  	_ =	swait.ge @!p0 [sflag:s5], $0x6000  }
0x22c: {  	s6 =	sadd.s32 @!p0 $0xA0, s6;
	[sflag:s5] =	ssyncset.done @!p0 $0x0  }
0x22d: {  	[sflag:s5] =	ssyncadd.s32 @!p0 $0xFFFFA000;
	s5 =	sand.u32 @!p0 $0x7E0, s6  }
0x22e: {  	v0 =	vld @!p0 [tilespmem:s5+$0x0];
	_ =	sdelay $0x4  }
0x22f: {  	(v2sf) =	vpush @!p0 v0, $0x0;
	_ =	sdelay $0xe  }
0x230: {  	s5 =	spop @!p0 (v2sf)  }
0x231: {  	s5 =	smul.u32 @!p0 $0x6000, s5  }
0x232: {  	s10 =	simm.s32 $0x0  }
0x233: {  	s11 =	smul.u32 $0x3000, s10;
	s5 =	sshrl.u32 @!p0 s5, $0x3  }
0x234: {  	s8 =	simm.s32 @!p0 $0xC800;
	s6 =	simm.s32 @!p0 $0x0;
	s5 =	sadd.s32 @!p0 s2, s5  }
0x235: {  	[tilespmem:s8], [sflag:$0x3] =	stream.linear.gather @!p0 [hbm4b:s5+s6], $0x6000, $0x38;
	[tilespmem:$0x18800] =	vst v63  }
0x236: {  	s5 =	simm.s32 $0x0  }
0x237: {  	s1 =	sadd.s32 s15, s1;
	s6 =	sshra.s32 s11, $0x2;
	s12 =	sand.u32 $0x380, s5  }
0x238: {  	v0 =	vld [tilespmem:s1+$0x400];
	s6 =	sor.u32 s12, s6  }
0x239: {  	s1 =	sadd.s32 $0x12800, s6;
	v10 =	vld [tilespmem:s6+$0x12800]  }
0x23a: {  	v1 =	vld [tilespmem:s1+$0x870]  }
0x23b: {  	v4 =	vld [tilespmem:s1+$0x430]  }
0x23c: {  	v2 =	vld [tilespmem:s1+$0x820]  }
0x23d: {  	v3 =	vld [tilespmem:s1+$0x420]  }
0x23e: {  	v5 =	vld [tilespmem:s1+$0x830]  }
0x23f: {  	v6 =	vld [tilespmem:s1+$0x470]  }
0x240: {  	v7 =	vld [tilespmem:s1+$0x440]  }
0x241: {  	v8 =	vld [tilespmem:s1+$0x810];
	v10 =	vmul.f32 v10, v0  }
0x242: {  	v9 =	vld [tilespmem:s1+$0x60];
	v3 =	vmul.f32 v3, v0  }
0x243: {  	v11 =	vld [tilespmem:s1+$0x850];
	v1 =	vmul.f32 v1, v0;
	[tilespmem:s6+$0x12800] =	vst v10  }
0x244: {  	v12 =	vld [tilespmem:s1+$0x800];
	v2 =	vmul.f32 v2, v0;
	[tilespmem:s1+$0x420] =	vst v3  }
0x245: {  	v13 =	vld [tilespmem:s1+$0x40];
	v3 =	vmul.f32 v5, v0;
	[tilespmem:s1+$0x870] =	vst v1  }
0x246: {  	[tilespmem:s1+$0x820] =	vst v2;
	v1 =	vmul.f32 v8, v0;
	v2 =	vld [tilespmem:s1+$0x50]  }
0x247: {  	v5 =	vmul.f32 v6, v0;
	v6 =	vld [tilespmem:s1+$0x840];
	[tilespmem:s1+$0x830] =	vst v3  }
0x248: {  	v4 =	vmul.f32 v4, v0;
	v8 =	vmul.f32 v9, v0;
	v3 =	vld [tilespmem:s1+$0x450];
	[tilespmem:s1+$0x810] =	vst v1  }
0x249: {  	v10 =	vmul.f32 v12, v0;
	v9 =	vmul.f32 v11, v0;
	[tilespmem:s1+$0x470] =	vst v5;
	v5 =	vld [tilespmem:s1+$0x460]  }
0x24a: {  	s8 =	simm.s32 $0x1;
	[tilespmem:s1+$0x60] =	vst v8;
	v1 =	vmul.f32 v7, v0;
	v8 =	vmul.f32 v13, v0;
	v7 =	vld [tilespmem:s1+$0x70]  }
.LBB2_17:
0x24b: {  	s6 =	smov.u32 s8  }
0x24c: {  	s9 =	sshrl.u32 s8, $0x3;
	v2 =	vmul.f32 v2, v0;
	v11 =	vld [tilespmem:s1+$0x400];
	[tilespmem:s1+$0x850] =	vst v9;
	s5 =	sadd.s32 $0x80, s5;
	s6 =	sadd.s32 $0x1, s8  }
0x24d: {  	p0 =	sne.s32 s8, $0x3F;
	s9 =	smul.u32 $0x3000, s9;
	v9 =	vld [tilespmem:s1+$0x410];
	[tilespmem:s1+$0x800] =	vst v10  }
0x24e: {  	v3 =	vmul.f32 v3, v0;
	v6 =	vmul.f32 v6, v0;
	[tilespmem:s1+$0x40] =	vst v8;
	v8 =	vld [tilespmem:s1+$0x860]  }
0x24f: {  	s8 =	sand.u32 $0x380, s5;
	s9 =	sshra.s32 s9, $0x2;
	v10 =	vld [tilespmem:s1+$0x30];
	[tilespmem:s1+$0x430] =	vst v4;
	v4 =	vmul.f32 v5, v0  }
0x250: {  	s8 =	sor.u32 s8, s9;
	v7 =	vmul.f32 v7, v0;
	v5 =	vld [tilespmem:s1+$0x20];
	[tilespmem:s1+$0x840] =	vst v6  }
0x251: {  	s9 =	sadd.s32 $0x12800, s8;
	v11 =	vmul.f32 v11, v0;
	v6 =	vld [tilespmem:s1+$0x10];
	[tilespmem:s1+$0x450] =	vst v3  }
0x252: {  	v3 =	vld [tilespmem:s9+$0x870];
	v9 =	vmul.f32 v9, v0;
	[tilespmem:s1+$0x460] =	vst v4  }
0x253: {  	v4 =	vld [tilespmem:s9+$0x430];
	[tilespmem:s1+$0x70] =	vst v7;
	v7 =	vmul.f32 v8, v0  }
0x254: {  	v8 =	vld [tilespmem:s9+$0x820];
	[tilespmem:s1+$0x50] =	vst v2  }
0x255: {  	v2 =	vld [tilespmem:s9+$0x420];
	v5 =	vmul.f32 v5, v0;
	[tilespmem:s1+$0x860] =	vst v7  }
0x256: {  	v7 =	vld [tilespmem:s9+$0x830];
	v6 =	vmul.f32 v6, v0;
	[tilespmem:s1+$0x400] =	vst v11  }
0x257: {  	v10 =	vmul.f32 v10, v0;
	v11 =	vld [tilespmem:s9+$0x470];
	[tilespmem:s1+$0x440] =	vst v1  }
0x258: {  	v1 =	vld [tilespmem:s9+$0x440];
	[tilespmem:s1+$0x10] =	vst v6  }
0x259: {  	v12 =	vld [tilespmem:s9+$0x40];
	[tilespmem:s1+$0x30] =	vst v10  }
0x25a: {  	v2 =	vmul.f32 v2, v0;
	v6 =	vld [tilespmem:s9+$0x810];
	[tilespmem:s1+$0x20] =	vst v5  }
0x25b: {  	v3 =	vmul.f32 v3, v0;
	v5 =	vld [tilespmem:s9+$0x60];
	[tilespmem:s1+$0x410] =	vst v9;
	s1 =	smov.u32 s9  }
0x25c: {  	v9 =	vld [tilespmem:s8+$0x12800];
	[tilespmem:s1+$0x420] =	vst v2;
	v2 =	vmul.f32 v8, v0  }
0x25d: {  	v7 =	vmul.f32 v7, v0;
	v8 =	vld [tilespmem:s1+$0x850];
	[tilespmem:s1+$0x870] =	vst v3  }
0x25e: {  	v10 =	vmul.f32 v11, v0;
	v11 =	vld [tilespmem:s1+$0x800];
	[tilespmem:s1+$0x820] =	vst v2  }
.Ltmp7:
0x25f: {  	v2 =	vld [tilespmem:s1+$0x50];
	v6 =	vmul.f32 v6, v0;
	[tilespmem:s1+$0x830] =	vst v7;
	(pc) =	sbr.rel @p0 .LBB2_17-.Ltmp7, $4  }
0x260: {  	v5 =	vmul.f32 v5, v0;
	v3 =	vld [tilespmem:s1+$0x450];
	[tilespmem:s1+$0x470] =	vst v10  }
0x261: {  	v4 =	vmul.f32 v4, v0;
	v7 =	vmul.f32 v9, v0;
	[tilespmem:s1+$0x810] =	vst v6;
	v6 =	vld [tilespmem:s1+$0x840]  }
0x262: {  	v1 =	vmul.f32 v1, v0;
	[tilespmem:s1+$0x60] =	vst v5;
	v5 =	vld [tilespmem:s1+$0x460];
	v9 =	vmul.f32 v8, v0  }
0x263: {  	v8 =	vmul.f32 v12, v0;
	[tilespmem:s8+$0x12800] =	vst v7;
	v7 =	vld [tilespmem:s1+$0x70];
	v10 =	vmul.f32 v11, v0;
	s8 =	smov.u32 s6  }
0x264: {  	[tilespmem:s1+$0x850] =	vst v9  }
0x265: {  	[tilespmem:s1+$0x430] =	vst v4  }
0x266: {  	[tilespmem:s1+$0x440] =	vst v1  }
0x267: {  	v53 =	vld [tilespmem:s1+$0x860];
	v2 =	vmul.f32 v2, v0;
	[tilespmem:s1+$0x800] =	vst v10  }
0x268: {  	v11 =	vld [tilespmem:s1+$0x400];
	[tilespmem:s1+$0x40] =	vst v8;
	v3 =	vmul.f32 v3, v0  }
0x269: {  	v56 =	vld [tilespmem:s1+$0x10];
	v6 =	vmul.f32 v6, v0;
	[tilespmem:s1+$0x50] =	vst v2  }
0x26a: {  	v57 =	vld [tilespmem:s1+$0x30];
	v54 =	vmul.f32 v5, v0;
	[tilespmem:s1+$0x450] =	vst v3  }
0x26b: {  	v58 =	vld [tilespmem:s1+$0x20];
	[tilespmem:s1+$0x840] =	vst v6;
	v55 =	vmul.f32 v7, v0  }
0x26c: {  	v52 =	vld [tilespmem:s1+$0x410];
	[tilespmem:s1+$0x460] =	vst v54;
	v59 =	vmul.f32 v53, v0  }
0x26d: {  	v60 =	vmul.f32 v11, v0;
	[tilespmem:s1+$0x70] =	vst v55  }
0x26e: {  	s31 =	sadd.s32 $0x1, s31;
	v61 =	vmul.f32 v56, v0;
	[tilespmem:s1+$0x860] =	vst v59  }
0x26f: {  	p0 =	sne.s32 s31, $0xB;
	v3 =	vmul.f32 v57, v0;
	[tilespmem:s1+$0x400] =	vst v60  }
.Ltmp8:
0x270: {  	s0 =	sadd.s32 s7, s0;
	v62 =	vmul.f32 v58, v0;
	[tilespmem:s1+$0x10] =	vst v61;
	(pc) =	sbr.rel @p0 .LBB2_10-.Ltmp8, $4  }
0x271: {  	s0 =	smul.u32 $0xC00, s0;
	v63 =	vmul.f32 v52, v0;
	[tilespmem:s1+$0x30] =	vst v3  }
0x272: {  	[tilespmem:s1+$0x20] =	vst v62  }
0x273: {  	s0 =	sadd.s32 s3, s0;
	[tilespmem:s1+$0x410] =	vst v63  }
0x274: {  	[hbm4b:s0+s4] =	stream.linear.scatter [tilespmem:s20], [sflag:$0x8], $0x6000, $0x38;
	[tilespmem:$0x18800] =	vst v63  }
0x275: {  	s0 =	simm.s32 $0x0  }
0x276: {  	_ =	swait.ge [sflag:s19], $0x6000;
	s0 =	smul.u32 $0x3000, s0  }
0x277: {  	s1 =	simm.s32 $0x0;
	[sflag:s19] =	ssyncset.done $0x0  }
0x278: {  	s5 =	sand.u32 $0x380, s1;
	[sflag:s19] =	ssyncadd.s32 $0xFFFFA000;
	s0 =	sshra.s32 s0, $0x2  }
0x279: {  	v0 =	vld [tilespmem:$0x700];
	s0 =	sor.u32 s5, s0  }
0x27a: {  	v1 =	vld [tilespmem:s0+$0x800]  }
0x27b: {  	v2 =	vld [tilespmem:s0+$0x810]  }
0x27c: {  	v3 =	vld [tilespmem:s0+$0x820]  }
0x27d: {  	v4 =	vld [tilespmem:s0+$0x830]  }
0x27e: {  	v5 =	vld [tilespmem:s0+$0x840]  }
0x27f: {  	v6 =	vld [tilespmem:s0+$0x850];
	v1 =	vmul.f32 v1, v0  }
0x280: {  	v7 =	vld [tilespmem:s0+$0x860];
	v2 =	vmul.f32 v2, v0  }
0x281: {  	[tilespmem:s0+$0x800] =	vst v1;
	v1 =	vmul.f32 v3, v0;
	v3 =	vld [tilespmem:s0+$0x870]  }
0x282: {  	[tilespmem:s0+$0x810] =	vst v2;
	v2 =	vmul.f32 v4, v0;
	v4 =	vld [tilespmem:s0+$0xC00]  }
0x283: {  	[tilespmem:s0+$0x820] =	vst v1;
	v1 =	vmul.f32 v5, v0;
	v5 =	vld [tilespmem:s0+$0xC10]  }
0x284: {  	[tilespmem:s0+$0x830] =	vst v2;
	v2 =	vmul.f32 v6, v0;
	v6 =	vld [tilespmem:s0+$0xC20]  }
0x285: {  	[tilespmem:s0+$0x840] =	vst v1;
	v1 =	vmul.f32 v7, v0;
	v7 =	vld [tilespmem:s0+$0xC30]  }
0x286: {  	v8 =	vld [tilespmem:s0+$0xC40];
	[tilespmem:s0+$0x850] =	vst v2;
	v2 =	vmul.f32 v3, v0  }
0x287: {  	v9 =	vld [tilespmem:s0+$0xC50];
	[tilespmem:s0+$0x860] =	vst v1;
	v1 =	vmul.f32 v4, v0  }
0x288: {  	[tilespmem:s0+$0x870] =	vst v2;
	v2 =	vmul.f32 v5, v0;
	v5 =	vld [tilespmem:s0+$0xC60]  }
0x289: {  	v3 =	vld [tilespmem:s0+$0xC70];
	[tilespmem:s0+$0xC00] =	vst v1;
	v1 =	vmul.f32 v6, v0  }
0x28a: {  	v4 =	vld [tilespmem:s0+$0x1000];
	[tilespmem:s0+$0xC10] =	vst v2;
	v2 =	vmul.f32 v7, v0  }
0x28b: {  	v7 =	vmul.f32 v8, v0;
	[tilespmem:s0+$0xC20] =	vst v1;
	v1 =	vld [tilespmem:s0+$0x1010]  }
0x28c: {  	s5 =	simm.s32 $0x1;
	v6 =	vmul.f32 v9, v0;
	[tilespmem:s0+$0xC30] =	vst v2;
	v2 =	vld [tilespmem:s0+$0x1020]  }
.LBB2_20:
0x28d: {  	s6 =	sshrl.u32 s5, $0x3;
	p0 =	sne.s32 s5, $0x3F;
	[tilespmem:s0+$0xC40] =	vst v7;
	v5 =	vmul.f32 v5, v0;
	v7 =	vld [tilespmem:s0+$0x1030]  }
0x28e: {  	s6 =	smul.u32 $0x3000, s6;
	[tilespmem:s0+$0xC50] =	vst v6;
	v3 =	vmul.f32 v3, v0;
	v6 =	vld [tilespmem:s0+$0x1040]  }
0x28f: {  	s1 =	sadd.s32 $0x80, s1;
	[tilespmem:s0+$0xC60] =	vst v5;
	v4 =	vmul.f32 v4, v0;
	v5 =	vld [tilespmem:s0+$0x1050]  }
0x290: {  	s8 =	sand.u32 $0x380, s1;
	s6 =	sshra.s32 s6, $0x2;
	[tilespmem:s0+$0xC70] =	vst v3;
	v1 =	vmul.f32 v1, v0;
	v3 =	vld [tilespmem:s0+$0x1060]  }
0x291: {  	s6 =	sor.u32 s8, s6;
	[tilespmem:s0+$0x1000] =	vst v4;
	v2 =	vmul.f32 v2, v0;
	v4 =	vld [tilespmem:s0+$0x1070]  }
0x292: {  	v8 =	vld [tilespmem:s6+$0x800];
	[tilespmem:s0+$0x1010] =	vst v1;
	v1 =	vmul.f32 v7, v0  }
0x293: {  	v7 =	vld [tilespmem:s6+$0x810];
	[tilespmem:s0+$0x1020] =	vst v2;
	v2 =	vmul.f32 v6, v0  }
0x294: {  	v6 =	vld [tilespmem:s6+$0x820];
	[tilespmem:s0+$0x1030] =	vst v1;
	v1 =	vmul.f32 v5, v0  }
0x295: {  	v5 =	vld [tilespmem:s6+$0x830];
	[tilespmem:s0+$0x1040] =	vst v2;
	v2 =	vmul.f32 v3, v0  }
0x296: {  	v3 =	vld [tilespmem:s6+$0x840];
	[tilespmem:s0+$0x1050] =	vst v1;
	v1 =	vmul.f32 v4, v0  }
0x297: {  	v4 =	vmul.f32 v8, v0;
	v8 =	vld [tilespmem:s6+$0x850];
	[tilespmem:s0+$0x1060] =	vst v2  }
0x298: {  	v2 =	vmul.f32 v7, v0;
	v7 =	vld [tilespmem:s6+$0x860];
	[tilespmem:s0+$0x1070] =	vst v1;
	s0 =	smov.u32 s6  }
0x299: {  	[tilespmem:s0+$0x800] =	vst v4;
	v1 =	vmul.f32 v6, v0;
	v4 =	vld [tilespmem:s0+$0x870]  }
0x29a: {  	[tilespmem:s0+$0x810] =	vst v2;
	v2 =	vmul.f32 v5, v0;
	v5 =	vld [tilespmem:s0+$0xC00]  }
0x29b: {  	[tilespmem:s0+$0x820] =	vst v1;
	v1 =	vmul.f32 v3, v0;
	v3 =	vld [tilespmem:s0+$0xC10]  }
0x29c: {  	[tilespmem:s0+$0x830] =	vst v2;
	v2 =	vmul.f32 v8, v0;
	v6 =	vld [tilespmem:s0+$0xC20]  }
0x29d: {  	[tilespmem:s0+$0x840] =	vst v1;
	v1 =	vmul.f32 v7, v0;
	v7 =	vld [tilespmem:s0+$0xC30]  }
0x29e: {  	[tilespmem:s0+$0x850] =	vst v2;
	v2 =	vmul.f32 v4, v0;
	v8 =	vld [tilespmem:s0+$0xC40]  }
0x29f: {  	[tilespmem:s0+$0x860] =	vst v1;
	v1 =	vmul.f32 v5, v0;
	v9 =	vld [tilespmem:s0+$0xC50]  }
.Ltmp9:
0x2a0: {  	[tilespmem:s0+$0x870] =	vst v2;
	v2 =	vmul.f32 v3, v0;
	v5 =	vld [tilespmem:s0+$0xC60];
	(pc) =	sbr.rel @p0 .LBB2_20-.Ltmp9, $4  }
0x2a1: {  	[tilespmem:s0+$0xC00] =	vst v1;
	v1 =	vmul.f32 v6, v0;
	v3 =	vld [tilespmem:s0+$0xC70]  }
0x2a2: {  	[tilespmem:s0+$0xC10] =	vst v2;
	v2 =	vmul.f32 v7, v0;
	v4 =	vld [tilespmem:s0+$0x1000]  }
0x2a3: {  	[tilespmem:s0+$0xC20] =	vst v1;
	v7 =	vmul.f32 v8, v0;
	v1 =	vld [tilespmem:s0+$0x1010]  }
0x2a4: {  	s5 =	sadd.s32 $0x1, s5;
	[tilespmem:s0+$0xC30] =	vst v2;
	v6 =	vmul.f32 v9, v0;
	v2 =	vld [tilespmem:s0+$0x1020]  }
0x2a5: {  	[tilespmem:s0+$0xC40] =	vst v7;
	v5 =	vmul.f32 v5, v0;
	v54 =	vld [tilespmem:s0+$0x1030]  }
0x2a6: {  	v55 =	vld [tilespmem:s0+$0x1040];
	[tilespmem:s0+$0xC50] =	vst v6;
	v3 =	vmul.f32 v3, v0  }
0x2a7: {  	v56 =	vld [tilespmem:s0+$0x1050];
	[tilespmem:s0+$0xC60] =	vst v5;
	v4 =	vmul.f32 v4, v0  }
0x2a8: {  	v57 =	vld [tilespmem:s0+$0x1060];
	[tilespmem:s0+$0xC70] =	vst v3;
	v1 =	vmul.f32 v1, v0  }
0x2a9: {  	v58 =	vld [tilespmem:s0+$0x1070];
	[tilespmem:s0+$0x1000] =	vst v4;
	v2 =	vmul.f32 v2, v0  }
0x2aa: {  	[tilespmem:s0+$0x1010] =	vst v1;
	v59 =	vmul.f32 v54, v0  }
0x2ab: {  	v60 =	vmul.f32 v55, v0;
	[tilespmem:s0+$0x1020] =	vst v2  }
0x2ac: {  	v61 =	vmul.f32 v56, v0;
	[tilespmem:s0+$0x1030] =	vst v59  }
0x2ad: {  	v62 =	vmul.f32 v57, v0;
	[tilespmem:s0+$0x1040] =	vst v60  }
0x2ae: {  	v63 =	vmul.f32 v58, v0;
	[tilespmem:s0+$0x1050] =	vst v61  }
0x2af: {  	[tilespmem:s0+$0x1060] =	vst v62  }
0x2b0: {  	s31 =	rddreg [dreg:$0xa];
	[tilespmem:s0+$0x1070] =	vst v63  }
0x2b1: {  	[hbm4b:s31+s4] =	stream.linear.scatter [tilespmem:s16], [sflag:$0x5], $0x6000, $0x38;
	[tilespmem:$0x18800] =	vst v63  }
0x2b2: {  	_ =	swait.ge [sflag:s22], $0x6000  }
0x2b3: {  	[sflag:s22] =	ssyncset.done $0x0  }
0x2b4: {  	[sflag:s22] =	ssyncadd.s32 $0xFFFFA000  }
0x2b5: {  	_ =	swait.ge [sflag:s24], $0x6000  }
0x2b6: {  	[sflag:s24] =	ssyncset.done $0x0  }
0x2b7: {  	s29 =	sadd.s32 $0x1, s29;
	[sflag:s24] =	ssyncadd.s32 $0xFFFFA000  }
0x2b8: {  	p0 =	sne.s32 s29, s13;
	_ =	swait.ge [sflag:s26], $0x6000  }
.Ltmp10:
0x2b9: {  	[sflag:s26] =	ssyncset.done $0x0;
	(pc) =	sbr.rel @p0 .LBB2_1-.Ltmp10, $4  }
0x2ba: {  	[sflag:s26] =	ssyncadd.s32 $0xFFFFA000  }
0x2bb: {  	_ =	swait.ge [sflag:s28], $0x6000  }
0x2bc: {  	[sflag:s28] =	ssyncset.done $0x0  }
0x2bd: {  	[sflag:s28] =	ssyncadd.s32 $0xFFFFA000  }
0x2be: {  	_ =	sfence.sel $0x180000  }
0x2bf: {  	[bflag:$0x0] =	sbarrier.arrive $0xFFFF  }
0x2c0: {  	_ =	strace $0x90000047  }
0x2c1: {  	s0 =	stileid.u32;
	[bflag:$0x2] =	sbarrier.arrive $0xFFFF  }
0x2c2: {  	p0 =	sne.s32 s0, $0x0;
	s0 =	rddreg [dreg:$0x3]  }
0x2c3: {  	s0 =	sadd.s32 @!p0 $0x100000, s0  }
0x2c4: {  	[sflag:s0] =	ssyncadd.tile.s32 @!p0 $0x1;
	_ =	shalt  }
.Lfunc_end2:
_tile_overlayer_lowered:
.L_overlay_start_2:
0x2c5: {  	(tag) =	ssettag $0x2  }
0x2c6: {  	s0 =	rddreg [dreg:$0x0];
	s2 =	stileid.u32  }
0x2c7: {  	s1 =	rddreg [dreg:$0x1];
	p0 =	sne.s32 s2, $0x0  }
0x2c8: {  	s3 =	rddreg [dreg:$0x2];
	[bflag:$0x3] =	sbarrier.arrive $0xFFFF;
	s2 =	simm.s32 @!p0 $0x1C09  }
0x2c9: {  	[timem:s3], [sflag:s2] =	dma.local @!p0 [hbm:s0], s1  }
0x2ca: {  	s0 =	simm.s32 @!p0 $0x9  }
0x2cb: {  	_ =	swait.ge @!p0 [sflag:s0], s1  }
0x2cc: {  	s1 =	ssub.s32 @!p0 $0x0, s1;
	[sflag:s0] =	ssyncset.done @!p0 $0x0  }
0x2cd: {  	[sflag:s0] =	ssyncadd.s32 @!p0 s1  }
0x2ce: {  	[bflag:$0x3] =	sbarrier.arrive $0xFFFF  }
0x2cf: {  	_ =	shalt  }

</sc_bundles>
